<compile_context>
chip_gen: v7x
topology: tpu7x:2x2x1
jax: 0.10.2.dev20260603
libtpu: 0.0.44.dev20260713+nightly
codegen_flags: <defaults>
</compile_context>

<pallas_src>
import jax
import jax.numpy as jnp
from jax import lax
from jax.experimental import pallas as pl
from jax.experimental.pallas import tpu as pltpu
from jax.experimental.pallas import tpu_sc as plsc

_VOCAB = 1000000
_FIELDS = 26
_BATCH = 16384

_info = plsc.get_sparse_core_info()
_NC, _NS, _L = _info.num_cores, _info.num_subcores, _info.num_lanes
_NW = _NC * _NS
_BPW = _BATCH // _NW
_IPW = _BPW * _FIELDS


def _body(table_hbm, idx_hbm, out_hbm, idx_v, vals_v, out_v, sem, gsem):
    wid = lax.axis_index("s") * _NC + lax.axis_index("c")
    row0 = wid * _BPW

    cps = [
        pltpu.async_copy(
            idx_hbm.at[j].at[pl.ds(row0, _BPW)],
            idx_v.at[pl.ds(j * _BPW, _BPW)],
            sem,
        )
        for j in range(_FIELDS)
    ]
    gps = []
    for j in range(_FIELDS):
        cps[j].wait()
        gps.append(
            pltpu.async_copy(
                table_hbm.at[0].at[idx_v.at[pl.ds(j * _BPW, _BPW)]],
                vals_v.at[pl.ds(j * _BPW, _BPW)],
                gsem,
            )
        )

    for gp in gps:
        gp.wait()

    def chunk(c, carry):
        acc = jnp.zeros((_L,), jnp.float32)
        for j in range(_FIELDS):
            acc = acc + vals_v[pl.ds(j * _BPW + c * _L, _L)]
        m = acc * (1.0 / _FIELDS)
        out_v[pl.ds(c * _L, _L)] = 1.0 / (1.0 + jnp.exp(-m))
        return carry

    lax.fori_loop(0, _BPW // _L, chunk, 0)

    pltpu.sync_copy(out_v, out_hbm.at[pl.ds(row0, _BPW)])


def kernel(inputs, table):
    idx = lax.optimization_barrier(inputs.T)
    tab = lax.optimization_barrier(table.T)
    mesh = plsc.VectorSubcoreMesh(core_axis_name="c", subcore_axis_name="s")
    run = pl.kernel(
        _body,
        out_type=jax.ShapeDtypeStruct((_BATCH,), jnp.float32),
        mesh=mesh,
        scratch_types=[
            pltpu.VMEM((_IPW,), jnp.int32),
            pltpu.VMEM((_IPW,), jnp.float32),
            pltpu.VMEM((_BPW,), jnp.float32),
            pltpu.SemaphoreType.DMA,
            pltpu.SemaphoreType.DMA,
        ],
    )
    out = run(tab, idx)
    return out.reshape(_BATCH, 1)

# --- scband reference (transcript-rebuilt; emitter-appended) ---
"""Pipeline reference for scband-lr-25065429139598 (READ-ONLY COPY).

The authoritative reference and input builder live on the scoring server;
editing this copy changes nothing except your own understanding.
"""

import jax, jax.numpy as jnp
import numpy as np

VOCAB = 1000000
NUM_FIELDS = 26
BATCH = 16384


def setup_inputs(seed: int = 0) -> dict:
    key = jax.random.key(seed)
    k1, k2 = jax.random.split(key)
    inputs = jax.random.randint(k1, (BATCH, NUM_FIELDS), 0, VOCAB, dtype=jnp.int64 if jax.config.jax_enable_x64 else jnp.int32)
    # Embedding table: [sum(feat_sizes), 1], Keras default uniform(-0.05, 0.05)
    table = jax.random.uniform(k2, (VOCAB, 1), dtype=jnp.float32, minval=-0.05, maxval=0.05)
    return {"inputs": inputs, "table": table}


def reference(inputs, table):
    # Embedding lookup: [B, F] -> [B, F, 1]
    embeded = jnp.take(table, inputs, axis=0)
    # reduce_mean over field axis, then sigmoid -> [B, 1]
    output = jax.nn.sigmoid(jnp.mean(embeded, axis=1))
    return output

if __name__ == "__main__":
    import jax
    _d = setup_inputs()
    print(jax.jit(kernel)(*tuple(_d.values())))

</pallas_src>

<mosaic_0001>
#map = affine_map<(d0, d1) -> (0, 0)>
#map1 = affine_map<(d0, d1) -> (0)>
module attributes {stable_mosaic.version = 14 : i64} {
  func.func @_body(%arg0: i32, %arg1: i32, %arg2: memref<1x1000000xf32, #tpu.memory_space<hbm>>, %arg3: memref<26x16384xi32, #tpu.memory_space<hbm>>, %arg4: memref<16384xf32, #tpu.memory_space<hbm>>, %arg5: memref<13312xi32, #tpu.memory_space<vmem>>, %arg6: memref<13312xf32, #tpu.memory_space<vmem>>, %arg7: memref<512xf32, #tpu.memory_space<vmem>>, %arg8: memref<!tpu.dma_semaphore, #tpu.memory_space<semaphore_mem>>, %arg9: memref<!tpu.dma_semaphore, #tpu.memory_space<semaphore_mem>>) attributes {dimension_semantics = [#tpu.dimension_semantics<core_parallel>, #tpu.dimension_semantics<subcore_parallel>], iteration_bounds = array<i64: 2, 16>, scalar_prefetch = 0 : i64, scratch_operands = 5 : i64, tpu.core_type = #tpu.core_type<sc_vector_subcore>, window_params = [{transform_indices = #map}, {transform_indices = #map}, {transform_indices = #map1}]} {
    %mul3A = arith.constant 2 : i32
    %mul3A_0 = arith.muli %arg1, %mul3A : i32
    %add3A = arith.addi %mul3A_0, %arg0 : i32
    %mul3A_1 = arith.constant 512 : i32
    %mul3A_2 = arith.muli %add3A, %mul3A_1 : i32
    %dma_start3A = arith.constant 0 : i32
    %dma_start3A_3 = arith.constant 0 : i32
    %dma_start3A_4 = tpu.memref_slice %arg5[%dma_start3A_3] : memref<13312xi32, #tpu.memory_space<vmem>> -> memref<512xi32, #tpu.memory_space<vmem>>
    %dma_start3A_5 = arith.constant 0 : i32
    %dma_start3A_6 = tpu.memref_slice %arg3[%dma_start3A, %dma_start3A_5] : memref<26x16384xi32, #tpu.memory_space<hbm>> -> memref<1x16384xi32, #tpu.memory_space<hbm>>
    %dma_start3A_7 = tpu.memref_squeeze %dma_start3A_6 : memref<1x16384xi32, #tpu.memory_space<hbm>> -> memref<16384xi32, #tpu.memory_space<hbm>>
    %dma_start3A_8 = tpu.memref_slice %dma_start3A_7[%mul3A_2] : memref<16384xi32, #tpu.memory_space<hbm>> -> memref<512xi32, #tpu.memory_space<hbm>>
    %dma_start3A_9 = arith.constant 0 : i32
    %dma_start3A_10 = tpu.memref_slice %arg5[%dma_start3A_9] : memref<13312xi32, #tpu.memory_space<vmem>> -> memref<512xi32, #tpu.memory_space<vmem>>
    %dma_start3A_11 = arith.constant 0 : i32
    %dma_start3A_12 = tpu.memref_slice %arg3[%dma_start3A, %dma_start3A_11] : memref<26x16384xi32, #tpu.memory_space<hbm>> -> memref<1x16384xi32, #tpu.memory_space<hbm>>
    %dma_start3A_13 = tpu.memref_squeeze %dma_start3A_12 : memref<1x16384xi32, #tpu.memory_space<hbm>> -> memref<16384xi32, #tpu.memory_space<hbm>>
    %dma_start3A_14 = tpu.memref_slice %dma_start3A_13[%mul3A_2] : memref<16384xi32, #tpu.memory_space<hbm>> -> memref<512xi32, #tpu.memory_space<hbm>>
    tpu.enqueue_dma source(%dma_start3A_14 : memref<512xi32, #tpu.memory_space<hbm>>) target(%dma_start3A_10 : memref<512xi32, #tpu.memory_space<vmem>>) target_semaphore(%arg8 : memref<!tpu.dma_semaphore, #tpu.memory_space<semaphore_mem>>)
    %dma_start3A_15 = arith.constant 1 : i32
    %dma_start3A_16 = arith.constant 512 : i32
    %dma_start3A_17 = tpu.memref_slice %arg5[%dma_start3A_16] : memref<13312xi32, #tpu.memory_space<vmem>> -> memref<512xi32, #tpu.memory_space<vmem>>
    %dma_start3A_18 = arith.constant 0 : i32
    %dma_start3A_19 = tpu.memref_slice %arg3[%dma_start3A_15, %dma_start3A_18] : memref<26x16384xi32, #tpu.memory_space<hbm>> -> memref<1x16384xi32, #tpu.memory_space<hbm>>
    %dma_start3A_20 = tpu.memref_squeeze %dma_start3A_19 : memref<1x16384xi32, #tpu.memory_space<hbm>> -> memref<16384xi32, #tpu.memory_space<hbm>>
    %dma_start3A_21 = tpu.memref_slice %dma_start3A_20[%mul3A_2] : memref<16384xi32, #tpu.memory_space<hbm>> -> memref<512xi32, #tpu.memory_space<hbm>>
    %dma_start3A_22 = arith.constant 512 : i32
    %dma_start3A_23 = tpu.memref_slice %arg5[%dma_start3A_22] : memref<13312xi32, #tpu.memory_space<vmem>> -> memref<512xi32, #tpu.memory_space<vmem>>
    %dma_start3A_24 = arith.constant 0 : i32
    %dma_start3A_25 = tpu.memref_slice %arg3[%dma_start3A_15, %dma_start3A_24] : memref<26x16384xi32, #tpu.memory_space<hbm>> -> memref<1x16384xi32, #tpu.memory_space<hbm>>
    %dma_start3A_26 = tpu.memref_squeeze %dma_start3A_25 : memref<1x16384xi32, #tpu.memory_space<hbm>> -> memref<16384xi32, #tpu.memory_space<hbm>>
    %dma_start3A_27 = tpu.memref_slice %dma_start3A_26[%mul3A_2] : memref<16384xi32, #tpu.memory_space<hbm>> -> memref<512xi32, #tpu.memory_space<hbm>>
    tpu.enqueue_dma source(%dma_start3A_27 : memref<512xi32, #tpu.memory_space<hbm>>) target(%dma_start3A_23 : memref<512xi32, #tpu.memory_space<vmem>>) target_semaphore(%arg8 : memref<!tpu.dma_semaphore, #tpu.memory_space<semaphore_mem>>)
    %dma_start3A_28 = arith.constant 2 : i32
    %dma_start3A_29 = arith.constant 1024 : i32
    %dma_start3A_30 = tpu.memref_slice %arg5[%dma_start3A_29] : memref<13312xi32, #tpu.memory_space<vmem>> -> memref<512xi32, #tpu.memory_space<vmem>>
    %dma_start3A_31 = arith.constant 0 : i32
    %dma_start3A_32 = tpu.memref_slice %arg3[%dma_start3A_28, %dma_start3A_31] : memref<26x16384xi32, #tpu.memory_space<hbm>> -> memref<1x16384xi32, #tpu.memory_space<hbm>>
    %dma_start3A_33 = tpu.memref_squeeze %dma_start3A_32 : memref<1x16384xi32, #tpu.memory_space<hbm>> -> memref<16384xi32, #tpu.memory_space<hbm>>
    %dma_start3A_34 = tpu.memref_slice %dma_start3A_33[%mul3A_2] : memref<16384xi32, #tpu.memory_space<hbm>> -> memref<512xi32, #tpu.memory_space<hbm>>
    %dma_start3A_35 = arith.constant 1024 : i32
    %dma_start3A_36 = tpu.memref_slice %arg5[%dma_start3A_35] : memref<13312xi32, #tpu.memory_space<vmem>> -> memref<512xi32, #tpu.memory_space<vmem>>
    %dma_start3A_37 = arith.constant 0 : i32
    %dma_start3A_38 = tpu.memref_slice %arg3[%dma_start3A_28, %dma_start3A_37] : memref<26x16384xi32, #tpu.memory_space<hbm>> -> memref<1x16384xi32, #tpu.memory_space<hbm>>
    %dma_start3A_39 = tpu.memref_squeeze %dma_start3A_38 : memref<1x16384xi32, #tpu.memory_space<hbm>> -> memref<16384xi32, #tpu.memory_space<hbm>>
    %dma_start3A_40 = tpu.memref_slice %dma_start3A_39[%mul3A_2] : memref<16384xi32, #tpu.memory_space<hbm>> -> memref<512xi32, #tpu.memory_space<hbm>>
    tpu.enqueue_dma source(%dma_start3A_40 : memref<512xi32, #tpu.memory_space<hbm>>) target(%dma_start3A_36 : memref<512xi32, #tpu.memory_space<vmem>>) target_semaphore(%arg8 : memref<!tpu.dma_semaphore, #tpu.memory_space<semaphore_mem>>)
    %dma_start3A_41 = arith.constant 3 : i32
    %dma_start3A_42 = arith.constant 1536 : i32
    %dma_start3A_43 = tpu.memref_slice %arg5[%dma_start3A_42] : memref<13312xi32, #tpu.memory_space<vmem>> -> memref<512xi32, #tpu.memory_space<vmem>>
    %dma_start3A_44 = arith.constant 0 : i32
    %dma_start3A_45 = tpu.memref_slice %arg3[%dma_start3A_41, %dma_start3A_44] : memref<26x16384xi32, #tpu.memory_space<hbm>> -> memref<1x16384xi32, #tpu.memory_space<hbm>>
    %dma_start3A_46 = tpu.memref_squeeze %dma_start3A_45 : memref<1x16384xi32, #tpu.memory_space<hbm>> -> memref<16384xi32, #tpu.memory_space<hbm>>
    %dma_start3A_47 = tpu.memref_slice %dma_start3A_46[%mul3A_2] : memref<16384xi32, #tpu.memory_space<hbm>> -> memref<512xi32, #tpu.memory_space<hbm>>
    %dma_start3A_48 = arith.constant 1536 : i32
    %dma_start3A_49 = tpu.memref_slice %arg5[%dma_start3A_48] : memref<13312xi32, #tpu.memory_space<vmem>> -> memref<512xi32, #tpu.memory_space<vmem>>
    %dma_start3A_50 = arith.constant 0 : i32
    %dma_start3A_51 = tpu.memref_slice %arg3[%dma_start3A_41, %dma_start3A_50] : memref<26x16384xi32, #tpu.memory_space<hbm>> -> memref<1x16384xi32, #tpu.memory_space<hbm>>
    %dma_start3A_52 = tpu.memref_squeeze %dma_start3A_51 : memref<1x16384xi32, #tpu.memory_space<hbm>> -> memref<16384xi32, #tpu.memory_space<hbm>>
    %dma_start3A_53 = tpu.memref_slice %dma_start3A_52[%mul3A_2] : memref<16384xi32, #tpu.memory_space<hbm>> -> memref<512xi32, #tpu.memory_space<hbm>>
    tpu.enqueue_dma source(%dma_start3A_53 : memref<512xi32, #tpu.memory_space<hbm>>) target(%dma_start3A_49 : memref<512xi32, #tpu.memory_space<vmem>>) target_semaphore(%arg8 : memref<!tpu.dma_semaphore, #tpu.memory_space<semaphore_mem>>)
    %dma_start3A_54 = arith.constant 4 : i32
    %dma_start3A_55 = arith.constant 2048 : i32
    %dma_start3A_56 = tpu.memref_slice %arg5[%dma_start3A_55] : memref<13312xi32, #tpu.memory_space<vmem>> -> memref<512xi32, #tpu.memory_space<vmem>>
    %dma_start3A_57 = arith.constant 0 : i32
    %dma_start3A_58 = tpu.memref_slice %arg3[%dma_start3A_54, %dma_start3A_57] : memref<26x16384xi32, #tpu.memory_space<hbm>> -> memref<1x16384xi32, #tpu.memory_space<hbm>>
    %dma_start3A_59 = tpu.memref_squeeze %dma_start3A_58 : memref<1x16384xi32, #tpu.memory_space<hbm>> -> memref<16384xi32, #tpu.memory_space<hbm>>
    %dma_start3A_60 = tpu.memref_slice %dma_start3A_59[%mul3A_2] : memref<16384xi32, #tpu.memory_space<hbm>> -> memref<512xi32, #tpu.memory_space<hbm>>
    %dma_start3A_61 = arith.constant 2048 : i32
    %dma_start3A_62 = tpu.memref_slice %arg5[%dma_start3A_61] : memref<13312xi32, #tpu.memory_space<vmem>> -> memref<512xi32, #tpu.memory_space<vmem>>
    %dma_start3A_63 = arith.constant 0 : i32
    %dma_start3A_64 = tpu.memref_slice %arg3[%dma_start3A_54, %dma_start3A_63] : memref<26x16384xi32, #tpu.memory_space<hbm>> -> memref<1x16384xi32, #tpu.memory_space<hbm>>
    %dma_start3A_65 = tpu.memref_squeeze %dma_start3A_64 : memref<1x16384xi32, #tpu.memory_space<hbm>> -> memref<16384xi32, #tpu.memory_space<hbm>>
    %dma_start3A_66 = tpu.memref_slice %dma_start3A_65[%mul3A_2] : memref<16384xi32, #tpu.memory_space<hbm>> -> memref<512xi32, #tpu.memory_space<hbm>>
    tpu.enqueue_dma source(%dma_start3A_66 : memref<512xi32, #tpu.memory_space<hbm>>) target(%dma_start3A_62 : memref<512xi32, #tpu.memory_space<vmem>>) target_semaphore(%arg8 : memref<!tpu.dma_semaphore, #tpu.memory_space<semaphore_mem>>)
    %dma_start3A_67 = arith.constant 5 : i32
    %dma_start3A_68 = arith.constant 2560 : i32
    %dma_start3A_69 = tpu.memref_slice %arg5[%dma_start3A_68] : memref<13312xi32, #tpu.memory_space<vmem>> -> memref<512xi32, #tpu.memory_space<vmem>>
    %dma_start3A_70 = arith.constant 0 : i32
    %dma_start3A_71 = tpu.memref_slice %arg3[%dma_start3A_67, %dma_start3A_70] : memref<26x16384xi32, #tpu.memory_space<hbm>> -> memref<1x16384xi32, #tpu.memory_space<hbm>>
    %dma_start3A_72 = tpu.memref_squeeze %dma_start3A_71 : memref<1x16384xi32, #tpu.memory_space<hbm>> -> memref<16384xi32, #tpu.memory_space<hbm>>
    %dma_start3A_73 = tpu.memref_slice %dma_start3A_72[%mul3A_2] : memref<16384xi32, #tpu.memory_space<hbm>> -> memref<512xi32, #tpu.memory_space<hbm>>
    %dma_start3A_74 = arith.constant 2560 : i32
    %dma_start3A_75 = tpu.memref_slice %arg5[%dma_start3A_74] : memref<13312xi32, #tpu.memory_space<vmem>> -> memref<512xi32, #tpu.memory_space<vmem>>
    %dma_start3A_76 = arith.constant 0 : i32
    %dma_start3A_77 = tpu.memref_slice %arg3[%dma_start3A_67, %dma_start3A_76] : memref<26x16384xi32, #tpu.memory_space<hbm>> -> memref<1x16384xi32, #tpu.memory_space<hbm>>
    %dma_start3A_78 = tpu.memref_squeeze %dma_start3A_77 : memref<1x16384xi32, #tpu.memory_space<hbm>> -> memref<16384xi32, #tpu.memory_space<hbm>>
    %dma_start3A_79 = tpu.memref_slice %dma_start3A_78[%mul3A_2] : memref<16384xi32, #tpu.memory_space<hbm>> -> memref<512xi32, #tpu.memory_space<hbm>>
    tpu.enqueue_dma source(%dma_start3A_79 : memref<512xi32, #tpu.memory_space<hbm>>) target(%dma_start3A_75 : memref<512xi32, #tpu.memory_space<vmem>>) target_semaphore(%arg8 : memref<!tpu.dma_semaphore, #tpu.memory_space<semaphore_mem>>)
    %dma_start3A_80 = arith.constant 6 : i32
    %dma_start3A_81 = arith.constant 3072 : i32
    %dma_start3A_82 = tpu.memref_slice %arg5[%dma_start3A_81] : memref<13312xi32, #tpu.memory_space<vmem>> -> memref<512xi32, #tpu.memory_space<vmem>>
    %dma_start3A_83 = arith.constant 0 : i32
    %dma_start3A_84 = tpu.memref_slice %arg3[%dma_start3A_80, %dma_start3A_83] : memref<26x16384xi32, #tpu.memory_space<hbm>> -> memref<1x16384xi32, #tpu.memory_space<hbm>>
    %dma_start3A_85 = tpu.memref_squeeze %dma_start3A_84 : memref<1x16384xi32, #tpu.memory_space<hbm>> -> memref<16384xi32, #tpu.memory_space<hbm>>
    %dma_start3A_86 = tpu.memref_slice %dma_start3A_85[%mul3A_2] : memref<16384xi32, #tpu.memory_space<hbm>> -> memref<512xi32, #tpu.memory_space<hbm>>
    %dma_start3A_87 = arith.constant 3072 : i32
    %dma_start3A_88 = tpu.memref_slice %arg5[%dma_start3A_87] : memref<13312xi32, #tpu.memory_space<vmem>> -> memref<512xi32, #tpu.memory_space<vmem>>
    %dma_start3A_89 = arith.constant 0 : i32
    %dma_start3A_90 = tpu.memref_slice %arg3[%dma_start3A_80, %dma_start3A_89] : memref<26x16384xi32, #tpu.memory_space<hbm>> -> memref<1x16384xi32, #tpu.memory_space<hbm>>
    %dma_start3A_91 = tpu.memref_squeeze %dma_start3A_90 : memref<1x16384xi32, #tpu.memory_space<hbm>> -> memref<16384xi32, #tpu.memory_space<hbm>>
    %dma_start3A_92 = tpu.memref_slice %dma_start3A_91[%mul3A_2] : memref<16384xi32, #tpu.memory_space<hbm>> -> memref<512xi32, #tpu.memory_space<hbm>>
    tpu.enqueue_dma source(%dma_start3A_92 : memref<512xi32, #tpu.memory_space<hbm>>) target(%dma_start3A_88 : memref<512xi32, #tpu.memory_space<vmem>>) target_semaphore(%arg8 : memref<!tpu.dma_semaphore, #tpu.memory_space<semaphore_mem>>)
    %dma_start3A_93 = arith.constant 7 : i32
    %dma_start3A_94 = arith.constant 3584 : i32
    %dma_start3A_95 = tpu.memref_slice %arg5[%dma_start3A_94] : memref<13312xi32, #tpu.memory_space<vmem>> -> memref<512xi32, #tpu.memory_space<vmem>>
    %dma_start3A_96 = arith.constant 0 : i32
    %dma_start3A_97 = tpu.memref_slice %arg3[%dma_start3A_93, %dma_start3A_96] : memref<26x16384xi32, #tpu.memory_space<hbm>> -> memref<1x16384xi32, #tpu.memory_space<hbm>>
    %dma_start3A_98 = tpu.memref_squeeze %dma_start3A_97 : memref<1x16384xi32, #tpu.memory_space<hbm>> -> memref<16384xi32, #tpu.memory_space<hbm>>
    %dma_start3A_99 = tpu.memref_slice %dma_start3A_98[%mul3A_2] : memref<16384xi32, #tpu.memory_space<hbm>> -> memref<512xi32, #tpu.memory_space<hbm>>
    %dma_start3A_100 = arith.constant 3584 : i32
    %dma_start3A_101 = tpu.memref_slice %arg5[%dma_start3A_100] : memref<13312xi32, #tpu.memory_space<vmem>> -> memref<512xi32, #tpu.memory_space<vmem>>
    %dma_start3A_102 = arith.constant 0 : i32
    %dma_start3A_103 = tpu.memref_slice %arg3[%dma_start3A_93, %dma_start3A_102] : memref<26x16384xi32, #tpu.memory_space<hbm>> -> memref<1x16384xi32, #tpu.memory_space<hbm>>
    %dma_start3A_104 = tpu.memref_squeeze %dma_start3A_103 : memref<1x16384xi32, #tpu.memory_space<hbm>> -> memref<16384xi32, #tpu.memory_space<hbm>>
    %dma_start3A_105 = tpu.memref_slice %dma_start3A_104[%mul3A_2] : memref<16384xi32, #tpu.memory_space<hbm>> -> memref<512xi32, #tpu.memory_space<hbm>>
    tpu.enqueue_dma source(%dma_start3A_105 : memref<512xi32, #tpu.memory_space<hbm>>) target(%dma_start3A_101 : memref<512xi32, #tpu.memory_space<vmem>>) target_semaphore(%arg8 : memref<!tpu.dma_semaphore, #tpu.memory_space<semaphore_mem>>)
    %dma_start3A_106 = arith.constant 8 : i32
    %dma_start3A_107 = arith.constant 4096 : i32
    %dma_start3A_108 = tpu.memref_slice %arg5[%dma_start3A_107] : memref<13312xi32, #tpu.memory_space<vmem>> -> memref<512xi32, #tpu.memory_space<vmem>>
    %dma_start3A_109 = arith.constant 0 : i32
    %dma_start3A_110 = tpu.memref_slice %arg3[%dma_start3A_106, %dma_start3A_109] : memref<26x16384xi32, #tpu.memory_space<hbm>> -> memref<1x16384xi32, #tpu.memory_space<hbm>>
    %dma_start3A_111 = tpu.memref_squeeze %dma_start3A_110 : memref<1x16384xi32, #tpu.memory_space<hbm>> -> memref<16384xi32, #tpu.memory_space<hbm>>
    %dma_start3A_112 = tpu.memref_slice %dma_start3A_111[%mul3A_2] : memref<16384xi32, #tpu.memory_space<hbm>> -> memref<512xi32, #tpu.memory_space<hbm>>
    %dma_start3A_113 = arith.constant 4096 : i32
    %dma_start3A_114 = tpu.memref_slice %arg5[%dma_start3A_113] : memref<13312xi32, #tpu.memory_space<vmem>> -> memref<512xi32, #tpu.memory_space<vmem>>
    %dma_start3A_115 = arith.constant 0 : i32
    %dma_start3A_116 = tpu.memref_slice %arg3[%dma_start3A_106, %dma_start3A_115] : memref<26x16384xi32, #tpu.memory_space<hbm>> -> memref<1x16384xi32, #tpu.memory_space<hbm>>
    %dma_start3A_117 = tpu.memref_squeeze %dma_start3A_116 : memref<1x16384xi32, #tpu.memory_space<hbm>> -> memref<16384xi32, #tpu.memory_space<hbm>>
    %dma_start3A_118 = tpu.memref_slice %dma_start3A_117[%mul3A_2] : memref<16384xi32, #tpu.memory_space<hbm>> -> memref<512xi32, #tpu.memory_space<hbm>>
    tpu.enqueue_dma source(%dma_start3A_118 : memref<512xi32, #tpu.memory_space<hbm>>) target(%dma_start3A_114 : memref<512xi32, #tpu.memory_space<vmem>>) target_semaphore(%arg8 : memref<!tpu.dma_semaphore, #tpu.memory_space<semaphore_mem>>)
    %dma_start3A_119 = arith.constant 9 : i32
    %dma_start3A_120 = arith.constant 4608 : i32
    %dma_start3A_121 = tpu.memref_slice %arg5[%dma_start3A_120] : memref<13312xi32, #tpu.memory_space<vmem>> -> memref<512xi32, #tpu.memory_space<vmem>>
    %dma_start3A_122 = arith.constant 0 : i32
    %dma_start3A_123 = tpu.memref_slice %arg3[%dma_start3A_119, %dma_start3A_122] : memref<26x16384xi32, #tpu.memory_space<hbm>> -> memref<1x16384xi32, #tpu.memory_space<hbm>>
    %dma_start3A_124 = tpu.memref_squeeze %dma_start3A_123 : memref<1x16384xi32, #tpu.memory_space<hbm>> -> memref<16384xi32, #tpu.memory_space<hbm>>
    %dma_start3A_125 = tpu.memref_slice %dma_start3A_124[%mul3A_2] : memref<16384xi32, #tpu.memory_space<hbm>> -> memref<512xi32, #tpu.memory_space<hbm>>
    %dma_start3A_126 = arith.constant 4608 : i32
    %dma_start3A_127 = tpu.memref_slice %arg5[%dma_start3A_126] : memref<13312xi32, #tpu.memory_space<vmem>> -> memref<512xi32, #tpu.memory_space<vmem>>
    %dma_start3A_128 = arith.constant 0 : i32
    %dma_start3A_129 = tpu.memref_slice %arg3[%dma_start3A_119, %dma_start3A_128] : memref<26x16384xi32, #tpu.memory_space<hbm>> -> memref<1x16384xi32, #tpu.memory_space<hbm>>
    %dma_start3A_130 = tpu.memref_squeeze %dma_start3A_129 : memref<1x16384xi32, #tpu.memory_space<hbm>> -> memref<16384xi32, #tpu.memory_space<hbm>>
    %dma_start3A_131 = tpu.memref_slice %dma_start3A_130[%mul3A_2] : memref<16384xi32, #tpu.memory_space<hbm>> -> memref<512xi32, #tpu.memory_space<hbm>>
    tpu.enqueue_dma source(%dma_start3A_131 : memref<512xi32, #tpu.memory_space<hbm>>) target(%dma_start3A_127 : memref<512xi32, #tpu.memory_space<vmem>>) target_semaphore(%arg8 : memref<!tpu.dma_semaphore, #tpu.memory_space<semaphore_mem>>)
    %dma_start3A_132 = arith.constant 10 : i32
    %dma_start3A_133 = arith.constant 5120 : i32
    %dma_start3A_134 = tpu.memref_slice %arg5[%dma_start3A_133] : memref<13312xi32, #tpu.memory_space<vmem>> -> memref<512xi32, #tpu.memory_space<vmem>>
    %dma_start3A_135 = arith.constant 0 : i32
    %dma_start3A_136 = tpu.memref_slice %arg3[%dma_start3A_132, %dma_start3A_135] : memref<26x16384xi32, #tpu.memory_space<hbm>> -> memref<1x16384xi32, #tpu.memory_space<hbm>>
    %dma_start3A_137 = tpu.memref_squeeze %dma_start3A_136 : memref<1x16384xi32, #tpu.memory_space<hbm>> -> memref<16384xi32, #tpu.memory_space<hbm>>
    %dma_start3A_138 = tpu.memref_slice %dma_start3A_137[%mul3A_2] : memref<16384xi32, #tpu.memory_space<hbm>> -> memref<512xi32, #tpu.memory_space<hbm>>
    %dma_start3A_139 = arith.constant 5120 : i32
    %dma_start3A_140 = tpu.memref_slice %arg5[%dma_start3A_139] : memref<13312xi32, #tpu.memory_space<vmem>> -> memref<512xi32, #tpu.memory_space<vmem>>
    %dma_start3A_141 = arith.constant 0 : i32
    %dma_start3A_142 = tpu.memref_slice %arg3[%dma_start3A_132, %dma_start3A_141] : memref<26x16384xi32, #tpu.memory_space<hbm>> -> memref<1x16384xi32, #tpu.memory_space<hbm>>
    %dma_start3A_143 = tpu.memref_squeeze %dma_start3A_142 : memref<1x16384xi32, #tpu.memory_space<hbm>> -> memref<16384xi32, #tpu.memory_space<hbm>>
    %dma_start3A_144 = tpu.memref_slice %dma_start3A_143[%mul3A_2] : memref<16384xi32, #tpu.memory_space<hbm>> -> memref<512xi32, #tpu.memory_space<hbm>>
    tpu.enqueue_dma source(%dma_start3A_144 : memref<512xi32, #tpu.memory_space<hbm>>) target(%dma_start3A_140 : memref<512xi32, #tpu.memory_space<vmem>>) target_semaphore(%arg8 : memref<!tpu.dma_semaphore, #tpu.memory_space<semaphore_mem>>)
    %dma_start3A_145 = arith.constant 11 : i32
    %dma_start3A_146 = arith.constant 5632 : i32
    %dma_start3A_147 = tpu.memref_slice %arg5[%dma_start3A_146] : memref<13312xi32, #tpu.memory_space<vmem>> -> memref<512xi32, #tpu.memory_space<vmem>>
    %dma_start3A_148 = arith.constant 0 : i32
    %dma_start3A_149 = tpu.memref_slice %arg3[%dma_start3A_145, %dma_start3A_148] : memref<26x16384xi32, #tpu.memory_space<hbm>> -> memref<1x16384xi32, #tpu.memory_space<hbm>>
    %dma_start3A_150 = tpu.memref_squeeze %dma_start3A_149 : memref<1x16384xi32, #tpu.memory_space<hbm>> -> memref<16384xi32, #tpu.memory_space<hbm>>
    %dma_start3A_151 = tpu.memref_slice %dma_start3A_150[%mul3A_2] : memref<16384xi32, #tpu.memory_space<hbm>> -> memref<512xi32, #tpu.memory_space<hbm>>
    %dma_start3A_152 = arith.constant 5632 : i32
    %dma_start3A_153 = tpu.memref_slice %arg5[%dma_start3A_152] : memref<13312xi32, #tpu.memory_space<vmem>> -> memref<512xi32, #tpu.memory_space<vmem>>
    %dma_start3A_154 = arith.constant 0 : i32
    %dma_start3A_155 = tpu.memref_slice %arg3[%dma_start3A_145, %dma_start3A_154] : memref<26x16384xi32, #tpu.memory_space<hbm>> -> memref<1x16384xi32, #tpu.memory_space<hbm>>
    %dma_start3A_156 = tpu.memref_squeeze %dma_start3A_155 : memref<1x16384xi32, #tpu.memory_space<hbm>> -> memref<16384xi32, #tpu.memory_space<hbm>>
    %dma_start3A_157 = tpu.memref_slice %dma_start3A_156[%mul3A_2] : memref<16384xi32, #tpu.memory_space<hbm>> -> memref<512xi32, #tpu.memory_space<hbm>>
    tpu.enqueue_dma source(%dma_start3A_157 : memref<512xi32, #tpu.memory_space<hbm>>) target(%dma_start3A_153 : memref<512xi32, #tpu.memory_space<vmem>>) target_semaphore(%arg8 : memref<!tpu.dma_semaphore, #tpu.memory_space<semaphore_mem>>)
    %dma_start3A_158 = arith.constant 12 : i32
    %dma_start3A_159 = arith.constant 6144 : i32
    %dma_start3A_160 = tpu.memref_slice %arg5[%dma_start3A_159] : memref<13312xi32, #tpu.memory_space<vmem>> -> memref<512xi32, #tpu.memory_space<vmem>>
    %dma_start3A_161 = arith.constant 0 : i32
    %dma_start3A_162 = tpu.memref_slice %arg3[%dma_start3A_158, %dma_start3A_161] : memref<26x16384xi32, #tpu.memory_space<hbm>> -> memref<1x16384xi32, #tpu.memory_space<hbm>>
    %dma_start3A_163 = tpu.memref_squeeze %dma_start3A_162 : memref<1x16384xi32, #tpu.memory_space<hbm>> -> memref<16384xi32, #tpu.memory_space<hbm>>
    %dma_start3A_164 = tpu.memref_slice %dma_start3A_163[%mul3A_2] : memref<16384xi32, #tpu.memory_space<hbm>> -> memref<512xi32, #tpu.memory_space<hbm>>
    %dma_start3A_165 = arith.constant 6144 : i32
    %dma_start3A_166 = tpu.memref_slice %arg5[%dma_start3A_165] : memref<13312xi32, #tpu.memory_space<vmem>> -> memref<512xi32, #tpu.memory_space<vmem>>
    %dma_start3A_167 = arith.constant 0 : i32
    %dma_start3A_168 = tpu.memref_slice %arg3[%dma_start3A_158, %dma_start3A_167] : memref<26x16384xi32, #tpu.memory_space<hbm>> -> memref<1x16384xi32, #tpu.memory_space<hbm>>
    %dma_start3A_169 = tpu.memref_squeeze %dma_start3A_168 : memref<1x16384xi32, #tpu.memory_space<hbm>> -> memref<16384xi32, #tpu.memory_space<hbm>>
    %dma_start3A_170 = tpu.memref_slice %dma_start3A_169[%mul3A_2] : memref<16384xi32, #tpu.memory_space<hbm>> -> memref<512xi32, #tpu.memory_space<hbm>>
    tpu.enqueue_dma source(%dma_start3A_170 : memref<512xi32, #tpu.memory_space<hbm>>) target(%dma_start3A_166 : memref<512xi32, #tpu.memory_space<vmem>>) target_semaphore(%arg8 : memref<!tpu.dma_semaphore, #tpu.memory_space<semaphore_mem>>)
    %dma_start3A_171 = arith.constant 13 : i32
    %dma_start3A_172 = arith.constant 6656 : i32
    %dma_start3A_173 = tpu.memref_slice %arg5[%dma_start3A_172] : memref<13312xi32, #tpu.memory_space<vmem>> -> memref<512xi32, #tpu.memory_space<vmem>>
    %dma_start3A_174 = arith.constant 0 : i32
    %dma_start3A_175 = tpu.memref_slice %arg3[%dma_start3A_171, %dma_start3A_174] : memref<26x16384xi32, #tpu.memory_space<hbm>> -> memref<1x16384xi32, #tpu.memory_space<hbm>>
    %dma_start3A_176 = tpu.memref_squeeze %dma_start3A_175 : memref<1x16384xi32, #tpu.memory_space<hbm>> -> memref<16384xi32, #tpu.memory_space<hbm>>
    %dma_start3A_177 = tpu.memref_slice %dma_start3A_176[%mul3A_2] : memref<16384xi32, #tpu.memory_space<hbm>> -> memref<512xi32, #tpu.memory_space<hbm>>
    %dma_start3A_178 = arith.constant 6656 : i32
    %dma_start3A_179 = tpu.memref_slice %arg5[%dma_start3A_178] : memref<13312xi32, #tpu.memory_space<vmem>> -> memref<512xi32, #tpu.memory_space<vmem>>
    %dma_start3A_180 = arith.constant 0 : i32
    %dma_start3A_181 = tpu.memref_slice %arg3[%dma_start3A_171, %dma_start3A_180] : memref<26x16384xi32, #tpu.memory_space<hbm>> -> memref<1x16384xi32, #tpu.memory_space<hbm>>
    %dma_start3A_182 = tpu.memref_squeeze %dma_start3A_181 : memref<1x16384xi32, #tpu.memory_space<hbm>> -> memref<16384xi32, #tpu.memory_space<hbm>>
    %dma_start3A_183 = tpu.memref_slice %dma_start3A_182[%mul3A_2] : memref<16384xi32, #tpu.memory_space<hbm>> -> memref<512xi32, #tpu.memory_space<hbm>>
    tpu.enqueue_dma source(%dma_start3A_183 : memref<512xi32, #tpu.memory_space<hbm>>) target(%dma_start3A_179 : memref<512xi32, #tpu.memory_space<vmem>>) target_semaphore(%arg8 : memref<!tpu.dma_semaphore, #tpu.memory_space<semaphore_mem>>)
    %dma_start3A_184 = arith.constant 14 : i32
    %dma_start3A_185 = arith.constant 7168 : i32
    %dma_start3A_186 = tpu.memref_slice %arg5[%dma_start3A_185] : memref<13312xi32, #tpu.memory_space<vmem>> -> memref<512xi32, #tpu.memory_space<vmem>>
    %dma_start3A_187 = arith.constant 0 : i32
    %dma_start3A_188 = tpu.memref_slice %arg3[%dma_start3A_184, %dma_start3A_187] : memref<26x16384xi32, #tpu.memory_space<hbm>> -> memref<1x16384xi32, #tpu.memory_space<hbm>>
    %dma_start3A_189 = tpu.memref_squeeze %dma_start3A_188 : memref<1x16384xi32, #tpu.memory_space<hbm>> -> memref<16384xi32, #tpu.memory_space<hbm>>
    %dma_start3A_190 = tpu.memref_slice %dma_start3A_189[%mul3A_2] : memref<16384xi32, #tpu.memory_space<hbm>> -> memref<512xi32, #tpu.memory_space<hbm>>
    %dma_start3A_191 = arith.constant 7168 : i32
    %dma_start3A_192 = tpu.memref_slice %arg5[%dma_start3A_191] : memref<13312xi32, #tpu.memory_space<vmem>> -> memref<512xi32, #tpu.memory_space<vmem>>
    %dma_start3A_193 = arith.constant 0 : i32
    %dma_start3A_194 = tpu.memref_slice %arg3[%dma_start3A_184, %dma_start3A_193] : memref<26x16384xi32, #tpu.memory_space<hbm>> -> memref<1x16384xi32, #tpu.memory_space<hbm>>
    %dma_start3A_195 = tpu.memref_squeeze %dma_start3A_194 : memref<1x16384xi32, #tpu.memory_space<hbm>> -> memref<16384xi32, #tpu.memory_space<hbm>>
    %dma_start3A_196 = tpu.memref_slice %dma_start3A_195[%mul3A_2] : memref<16384xi32, #tpu.memory_space<hbm>> -> memref<512xi32, #tpu.memory_space<hbm>>
    tpu.enqueue_dma source(%dma_start3A_196 : memref<512xi32, #tpu.memory_space<hbm>>) target(%dma_start3A_192 : memref<512xi32, #tpu.memory_space<vmem>>) target_semaphore(%arg8 : memref<!tpu.dma_semaphore, #tpu.memory_space<semaphore_mem>>)
    %dma_start3A_197 = arith.constant 15 : i32
    %dma_start3A_198 = arith.constant 7680 : i32
    %dma_start3A_199 = tpu.memref_slice %arg5[%dma_start3A_198] : memref<13312xi32, #tpu.memory_space<vmem>> -> memref<512xi32, #tpu.memory_space<vmem>>
    %dma_start3A_200 = arith.constant 0 : i32
    %dma_start3A_201 = tpu.memref_slice %arg3[%dma_start3A_197, %dma_start3A_200] : memref<26x16384xi32, #tpu.memory_space<hbm>> -> memref<1x16384xi32, #tpu.memory_space<hbm>>
    %dma_start3A_202 = tpu.memref_squeeze %dma_start3A_201 : memref<1x16384xi32, #tpu.memory_space<hbm>> -> memref<16384xi32, #tpu.memory_space<hbm>>
    %dma_start3A_203 = tpu.memref_slice %dma_start3A_202[%mul3A_2] : memref<16384xi32, #tpu.memory_space<hbm>> -> memref<512xi32, #tpu.memory_space<hbm>>
    %dma_start3A_204 = arith.constant 7680 : i32
    %dma_start3A_205 = tpu.memref_slice %arg5[%dma_start3A_204] : memref<13312xi32, #tpu.memory_space<vmem>> -> memref<512xi32, #tpu.memory_space<vmem>>
    %dma_start3A_206 = arith.constant 0 : i32
    %dma_start3A_207 = tpu.memref_slice %arg3[%dma_start3A_197, %dma_start3A_206] : memref<26x16384xi32, #tpu.memory_space<hbm>> -> memref<1x16384xi32, #tpu.memory_space<hbm>>
    %dma_start3A_208 = tpu.memref_squeeze %dma_start3A_207 : memref<1x16384xi32, #tpu.memory_space<hbm>> -> memref<16384xi32, #tpu.memory_space<hbm>>
    %dma_start3A_209 = tpu.memref_slice %dma_start3A_208[%mul3A_2] : memref<16384xi32, #tpu.memory_space<hbm>> -> memref<512xi32, #tpu.memory_space<hbm>>
    tpu.enqueue_dma source(%dma_start3A_209 : memref<512xi32, #tpu.memory_space<hbm>>) target(%dma_start3A_205 : memref<512xi32, #tpu.memory_space<vmem>>) target_semaphore(%arg8 : memref<!tpu.dma_semaphore, #tpu.memory_space<semaphore_mem>>)
    %dma_start3A_210 = arith.constant 16 : i32
    %dma_start3A_211 = arith.constant 8192 : i32
    %dma_start3A_212 = tpu.memref_slice %arg5[%dma_start3A_211] : memref<13312xi32, #tpu.memory_space<vmem>> -> memref<512xi32, #tpu.memory_space<vmem>>
    %dma_start3A_213 = arith.constant 0 : i32
    %dma_start3A_214 = tpu.memref_slice %arg3[%dma_start3A_210, %dma_start3A_213] : memref<26x16384xi32, #tpu.memory_space<hbm>> -> memref<1x16384xi32, #tpu.memory_space<hbm>>
    %dma_start3A_215 = tpu.memref_squeeze %dma_start3A_214 : memref<1x16384xi32, #tpu.memory_space<hbm>> -> memref<16384xi32, #tpu.memory_space<hbm>>
    %dma_start3A_216 = tpu.memref_slice %dma_start3A_215[%mul3A_2] : memref<16384xi32, #tpu.memory_space<hbm>> -> memref<512xi32, #tpu.memory_space<hbm>>
    %dma_start3A_217 = arith.constant 8192 : i32
    %dma_start3A_218 = tpu.memref_slice %arg5[%dma_start3A_217] : memref<13312xi32, #tpu.memory_space<vmem>> -> memref<512xi32, #tpu.memory_space<vmem>>
    %dma_start3A_219 = arith.constant 0 : i32
    %dma_start3A_220 = tpu.memref_slice %arg3[%dma_start3A_210, %dma_start3A_219] : memref<26x16384xi32, #tpu.memory_space<hbm>> -> memref<1x16384xi32, #tpu.memory_space<hbm>>
    %dma_start3A_221 = tpu.memref_squeeze %dma_start3A_220 : memref<1x16384xi32, #tpu.memory_space<hbm>> -> memref<16384xi32, #tpu.memory_space<hbm>>
    %dma_start3A_222 = tpu.memref_slice %dma_start3A_221[%mul3A_2] : memref<16384xi32, #tpu.memory_space<hbm>> -> memref<512xi32, #tpu.memory_space<hbm>>
    tpu.enqueue_dma source(%dma_start3A_222 : memref<512xi32, #tpu.memory_space<hbm>>) target(%dma_start3A_218 : memref<512xi32, #tpu.memory_space<vmem>>) target_semaphore(%arg8 : memref<!tpu.dma_semaphore, #tpu.memory_space<semaphore_mem>>)
    %dma_start3A_223 = arith.constant 17 : i32
    %dma_start3A_224 = arith.constant 8704 : i32
    %dma_start3A_225 = tpu.memref_slice %arg5[%dma_start3A_224] : memref<13312xi32, #tpu.memory_space<vmem>> -> memref<512xi32, #tpu.memory_space<vmem>>
    %dma_start3A_226 = arith.constant 0 : i32
    %dma_start3A_227 = tpu.memref_slice %arg3[%dma_start3A_223, %dma_start3A_226] : memref<26x16384xi32, #tpu.memory_space<hbm>> -> memref<1x16384xi32, #tpu.memory_space<hbm>>
    %dma_start3A_228 = tpu.memref_squeeze %dma_start3A_227 : memref<1x16384xi32, #tpu.memory_space<hbm>> -> memref<16384xi32, #tpu.memory_space<hbm>>
    %dma_start3A_229 = tpu.memref_slice %dma_start3A_228[%mul3A_2] : memref<16384xi32, #tpu.memory_space<hbm>> -> memref<512xi32, #tpu.memory_space<hbm>>
    %dma_start3A_230 = arith.constant 8704 : i32
    %dma_start3A_231 = tpu.memref_slice %arg5[%dma_start3A_230] : memref<13312xi32, #tpu.memory_space<vmem>> -> memref<512xi32, #tpu.memory_space<vmem>>
    %dma_start3A_232 = arith.constant 0 : i32
    %dma_start3A_233 = tpu.memref_slice %arg3[%dma_start3A_223, %dma_start3A_232] : memref<26x16384xi32, #tpu.memory_space<hbm>> -> memref<1x16384xi32, #tpu.memory_space<hbm>>
    %dma_start3A_234 = tpu.memref_squeeze %dma_start3A_233 : memref<1x16384xi32, #tpu.memory_space<hbm>> -> memref<16384xi32, #tpu.memory_space<hbm>>
    %dma_start3A_235 = tpu.memref_slice %dma_start3A_234[%mul3A_2] : memref<16384xi32, #tpu.memory_space<hbm>> -> memref<512xi32, #tpu.memory_space<hbm>>
    tpu.enqueue_dma source(%dma_start3A_235 : memref<512xi32, #tpu.memory_space<hbm>>) target(%dma_start3A_231 : memref<512xi32, #tpu.memory_space<vmem>>) target_semaphore(%arg8 : memref<!tpu.dma_semaphore, #tpu.memory_space<semaphore_mem>>)
    %dma_start3A_236 = arith.constant 18 : i32
    %dma_start3A_237 = arith.constant 9216 : i32
    %dma_start3A_238 = tpu.memref_slice %arg5[%dma_start3A_237] : memref<13312xi32, #tpu.memory_space<vmem>> -> memref<512xi32, #tpu.memory_space<vmem>>
    %dma_start3A_239 = arith.constant 0 : i32
    %dma_start3A_240 = tpu.memref_slice %arg3[%dma_start3A_236, %dma_start3A_239] : memref<26x16384xi32, #tpu.memory_space<hbm>> -> memref<1x16384xi32, #tpu.memory_space<hbm>>
    %dma_start3A_241 = tpu.memref_squeeze %dma_start3A_240 : memref<1x16384xi32, #tpu.memory_space<hbm>> -> memref<16384xi32, #tpu.memory_space<hbm>>
    %dma_start3A_242 = tpu.memref_slice %dma_start3A_241[%mul3A_2] : memref<16384xi32, #tpu.memory_space<hbm>> -> memref<512xi32, #tpu.memory_space<hbm>>
    %dma_start3A_243 = arith.constant 9216 : i32
    %dma_start3A_244 = tpu.memref_slice %arg5[%dma_start3A_243] : memref<13312xi32, #tpu.memory_space<vmem>> -> memref<512xi32, #tpu.memory_space<vmem>>
    %dma_start3A_245 = arith.constant 0 : i32
    %dma_start3A_246 = tpu.memref_slice %arg3[%dma_start3A_236, %dma_start3A_245] : memref<26x16384xi32, #tpu.memory_space<hbm>> -> memref<1x16384xi32, #tpu.memory_space<hbm>>
    %dma_start3A_247 = tpu.memref_squeeze %dma_start3A_246 : memref<1x16384xi32, #tpu.memory_space<hbm>> -> memref<16384xi32, #tpu.memory_space<hbm>>
    %dma_start3A_248 = tpu.memref_slice %dma_start3A_247[%mul3A_2] : memref<16384xi32, #tpu.memory_space<hbm>> -> memref<512xi32, #tpu.memory_space<hbm>>
    tpu.enqueue_dma source(%dma_start3A_248 : memref<512xi32, #tpu.memory_space<hbm>>) target(%dma_start3A_244 : memref<512xi32, #tpu.memory_space<vmem>>) target_semaphore(%arg8 : memref<!tpu.dma_semaphore, #tpu.memory_space<semaphore_mem>>)
    %dma_start3A_249 = arith.constant 19 : i32
    %dma_start3A_250 = arith.constant 9728 : i32
    %dma_start3A_251 = tpu.memref_slice %arg5[%dma_start3A_250] : memref<13312xi32, #tpu.memory_space<vmem>> -> memref<512xi32, #tpu.memory_space<vmem>>
    %dma_start3A_252 = arith.constant 0 : i32
    %dma_start3A_253 = tpu.memref_slice %arg3[%dma_start3A_249, %dma_start3A_252] : memref<26x16384xi32, #tpu.memory_space<hbm>> -> memref<1x16384xi32, #tpu.memory_space<hbm>>
    %dma_start3A_254 = tpu.memref_squeeze %dma_start3A_253 : memref<1x16384xi32, #tpu.memory_space<hbm>> -> memref<16384xi32, #tpu.memory_space<hbm>>
    %dma_start3A_255 = tpu.memref_slice %dma_start3A_254[%mul3A_2] : memref<16384xi32, #tpu.memory_space<hbm>> -> memref<512xi32, #tpu.memory_space<hbm>>
    %dma_start3A_256 = arith.constant 9728 : i32
    %dma_start3A_257 = tpu.memref_slice %arg5[%dma_start3A_256] : memref<13312xi32, #tpu.memory_space<vmem>> -> memref<512xi32, #tpu.memory_space<vmem>>
    %dma_start3A_258 = arith.constant 0 : i32
    %dma_start3A_259 = tpu.memref_slice %arg3[%dma_start3A_249, %dma_start3A_258] : memref<26x16384xi32, #tpu.memory_space<hbm>> -> memref<1x16384xi32, #tpu.memory_space<hbm>>
    %dma_start3A_260 = tpu.memref_squeeze %dma_start3A_259 : memref<1x16384xi32, #tpu.memory_space<hbm>> -> memref<16384xi32, #tpu.memory_space<hbm>>
    %dma_start3A_261 = tpu.memref_slice %dma_start3A_260[%mul3A_2] : memref<16384xi32, #tpu.memory_space<hbm>> -> memref<512xi32, #tpu.memory_space<hbm>>
    tpu.enqueue_dma source(%dma_start3A_261 : memref<512xi32, #tpu.memory_space<hbm>>) target(%dma_start3A_257 : memref<512xi32, #tpu.memory_space<vmem>>) target_semaphore(%arg8 : memref<!tpu.dma_semaphore, #tpu.memory_space<semaphore_mem>>)
    %dma_start3A_262 = arith.constant 20 : i32
    %dma_start3A_263 = arith.constant 10240 : i32
    %dma_start3A_264 = tpu.memref_slice %arg5[%dma_start3A_263] : memref<13312xi32, #tpu.memory_space<vmem>> -> memref<512xi32, #tpu.memory_space<vmem>>
    %dma_start3A_265 = arith.constant 0 : i32
    %dma_start3A_266 = tpu.memref_slice %arg3[%dma_start3A_262, %dma_start3A_265] : memref<26x16384xi32, #tpu.memory_space<hbm>> -> memref<1x16384xi32, #tpu.memory_space<hbm>>
    %dma_start3A_267 = tpu.memref_squeeze %dma_start3A_266 : memref<1x16384xi32, #tpu.memory_space<hbm>> -> memref<16384xi32, #tpu.memory_space<hbm>>
    %dma_start3A_268 = tpu.memref_slice %dma_start3A_267[%mul3A_2] : memref<16384xi32, #tpu.memory_space<hbm>> -> memref<512xi32, #tpu.memory_space<hbm>>
    %dma_start3A_269 = arith.constant 10240 : i32
    %dma_start3A_270 = tpu.memref_slice %arg5[%dma_start3A_269] : memref<13312xi32, #tpu.memory_space<vmem>> -> memref<512xi32, #tpu.memory_space<vmem>>
    %dma_start3A_271 = arith.constant 0 : i32
    %dma_start3A_272 = tpu.memref_slice %arg3[%dma_start3A_262, %dma_start3A_271] : memref<26x16384xi32, #tpu.memory_space<hbm>> -> memref<1x16384xi32, #tpu.memory_space<hbm>>
    %dma_start3A_273 = tpu.memref_squeeze %dma_start3A_272 : memref<1x16384xi32, #tpu.memory_space<hbm>> -> memref<16384xi32, #tpu.memory_space<hbm>>
    %dma_start3A_274 = tpu.memref_slice %dma_start3A_273[%mul3A_2] : memref<16384xi32, #tpu.memory_space<hbm>> -> memref<512xi32, #tpu.memory_space<hbm>>
    tpu.enqueue_dma source(%dma_start3A_274 : memref<512xi32, #tpu.memory_space<hbm>>) target(%dma_start3A_270 : memref<512xi32, #tpu.memory_space<vmem>>) target_semaphore(%arg8 : memref<!tpu.dma_semaphore, #tpu.memory_space<semaphore_mem>>)
    %dma_start3A_275 = arith.constant 21 : i32
    %dma_start3A_276 = arith.constant 10752 : i32
    %dma_start3A_277 = tpu.memref_slice %arg5[%dma_start3A_276] : memref<13312xi32, #tpu.memory_space<vmem>> -> memref<512xi32, #tpu.memory_space<vmem>>
    %dma_start3A_278 = arith.constant 0 : i32
    %dma_start3A_279 = tpu.memref_slice %arg3[%dma_start3A_275, %dma_start3A_278] : memref<26x16384xi32, #tpu.memory_space<hbm>> -> memref<1x16384xi32, #tpu.memory_space<hbm>>
    %dma_start3A_280 = tpu.memref_squeeze %dma_start3A_279 : memref<1x16384xi32, #tpu.memory_space<hbm>> -> memref<16384xi32, #tpu.memory_space<hbm>>
    %dma_start3A_281 = tpu.memref_slice %dma_start3A_280[%mul3A_2] : memref<16384xi32, #tpu.memory_space<hbm>> -> memref<512xi32, #tpu.memory_space<hbm>>
    %dma_start3A_282 = arith.constant 10752 : i32
    %dma_start3A_283 = tpu.memref_slice %arg5[%dma_start3A_282] : memref<13312xi32, #tpu.memory_space<vmem>> -> memref<512xi32, #tpu.memory_space<vmem>>
    %dma_start3A_284 = arith.constant 0 : i32
    %dma_start3A_285 = tpu.memref_slice %arg3[%dma_start3A_275, %dma_start3A_284] : memref<26x16384xi32, #tpu.memory_space<hbm>> -> memref<1x16384xi32, #tpu.memory_space<hbm>>
    %dma_start3A_286 = tpu.memref_squeeze %dma_start3A_285 : memref<1x16384xi32, #tpu.memory_space<hbm>> -> memref<16384xi32, #tpu.memory_space<hbm>>
    %dma_start3A_287 = tpu.memref_slice %dma_start3A_286[%mul3A_2] : memref<16384xi32, #tpu.memory_space<hbm>> -> memref<512xi32, #tpu.memory_space<hbm>>
    tpu.enqueue_dma source(%dma_start3A_287 : memref<512xi32, #tpu.memory_space<hbm>>) target(%dma_start3A_283 : memref<512xi32, #tpu.memory_space<vmem>>) target_semaphore(%arg8 : memref<!tpu.dma_semaphore, #tpu.memory_space<semaphore_mem>>)
    %dma_start3A_288 = arith.constant 22 : i32
    %dma_start3A_289 = arith.constant 11264 : i32
    %dma_start3A_290 = tpu.memref_slice %arg5[%dma_start3A_289] : memref<13312xi32, #tpu.memory_space<vmem>> -> memref<512xi32, #tpu.memory_space<vmem>>
    %dma_start3A_291 = arith.constant 0 : i32
    %dma_start3A_292 = tpu.memref_slice %arg3[%dma_start3A_288, %dma_start3A_291] : memref<26x16384xi32, #tpu.memory_space<hbm>> -> memref<1x16384xi32, #tpu.memory_space<hbm>>
    %dma_start3A_293 = tpu.memref_squeeze %dma_start3A_292 : memref<1x16384xi32, #tpu.memory_space<hbm>> -> memref<16384xi32, #tpu.memory_space<hbm>>
    %dma_start3A_294 = tpu.memref_slice %dma_start3A_293[%mul3A_2] : memref<16384xi32, #tpu.memory_space<hbm>> -> memref<512xi32, #tpu.memory_space<hbm>>
    %dma_start3A_295 = arith.constant 11264 : i32
    %dma_start3A_296 = tpu.memref_slice %arg5[%dma_start3A_295] : memref<13312xi32, #tpu.memory_space<vmem>> -> memref<512xi32, #tpu.memory_space<vmem>>
    %dma_start3A_297 = arith.constant 0 : i32
    %dma_start3A_298 = tpu.memref_slice %arg3[%dma_start3A_288, %dma_start3A_297] : memref<26x16384xi32, #tpu.memory_space<hbm>> -> memref<1x16384xi32, #tpu.memory_space<hbm>>
    %dma_start3A_299 = tpu.memref_squeeze %dma_start3A_298 : memref<1x16384xi32, #tpu.memory_space<hbm>> -> memref<16384xi32, #tpu.memory_space<hbm>>
    %dma_start3A_300 = tpu.memref_slice %dma_start3A_299[%mul3A_2] : memref<16384xi32, #tpu.memory_space<hbm>> -> memref<512xi32, #tpu.memory_space<hbm>>
    tpu.enqueue_dma source(%dma_start3A_300 : memref<512xi32, #tpu.memory_space<hbm>>) target(%dma_start3A_296 : memref<512xi32, #tpu.memory_space<vmem>>) target_semaphore(%arg8 : memref<!tpu.dma_semaphore, #tpu.memory_space<semaphore_mem>>)
    %dma_start3A_301 = arith.constant 23 : i32
    %dma_start3A_302 = arith.constant 11776 : i32
    %dma_start3A_303 = tpu.memref_slice %arg5[%dma_start3A_302] : memref<13312xi32, #tpu.memory_space<vmem>> -> memref<512xi32, #tpu.memory_space<vmem>>
    %dma_start3A_304 = arith.constant 0 : i32
    %dma_start3A_305 = tpu.memref_slice %arg3[%dma_start3A_301, %dma_start3A_304] : memref<26x16384xi32, #tpu.memory_space<hbm>> -> memref<1x16384xi32, #tpu.memory_space<hbm>>
    %dma_start3A_306 = tpu.memref_squeeze %dma_start3A_305 : memref<1x16384xi32, #tpu.memory_space<hbm>> -> memref<16384xi32, #tpu.memory_space<hbm>>
    %dma_start3A_307 = tpu.memref_slice %dma_start3A_306[%mul3A_2] : memref<16384xi32, #tpu.memory_space<hbm>> -> memref<512xi32, #tpu.memory_space<hbm>>
    %dma_start3A_308 = arith.constant 11776 : i32
    %dma_start3A_309 = tpu.memref_slice %arg5[%dma_start3A_308] : memref<13312xi32, #tpu.memory_space<vmem>> -> memref<512xi32, #tpu.memory_space<vmem>>
    %dma_start3A_310 = arith.constant 0 : i32
    %dma_start3A_311 = tpu.memref_slice %arg3[%dma_start3A_301, %dma_start3A_310] : memref<26x16384xi32, #tpu.memory_space<hbm>> -> memref<1x16384xi32, #tpu.memory_space<hbm>>
    %dma_start3A_312 = tpu.memref_squeeze %dma_start3A_311 : memref<1x16384xi32, #tpu.memory_space<hbm>> -> memref<16384xi32, #tpu.memory_space<hbm>>
    %dma_start3A_313 = tpu.memref_slice %dma_start3A_312[%mul3A_2] : memref<16384xi32, #tpu.memory_space<hbm>> -> memref<512xi32, #tpu.memory_space<hbm>>
    tpu.enqueue_dma source(%dma_start3A_313 : memref<512xi32, #tpu.memory_space<hbm>>) target(%dma_start3A_309 : memref<512xi32, #tpu.memory_space<vmem>>) target_semaphore(%arg8 : memref<!tpu.dma_semaphore, #tpu.memory_space<semaphore_mem>>)
    %dma_start3A_314 = arith.constant 24 : i32
    %dma_start3A_315 = arith.constant 12288 : i32
    %dma_start3A_316 = tpu.memref_slice %arg5[%dma_start3A_315] : memref<13312xi32, #tpu.memory_space<vmem>> -> memref<512xi32, #tpu.memory_space<vmem>>
    %dma_start3A_317 = arith.constant 0 : i32
    %dma_start3A_318 = tpu.memref_slice %arg3[%dma_start3A_314, %dma_start3A_317] : memref<26x16384xi32, #tpu.memory_space<hbm>> -> memref<1x16384xi32, #tpu.memory_space<hbm>>
    %dma_start3A_319 = tpu.memref_squeeze %dma_start3A_318 : memref<1x16384xi32, #tpu.memory_space<hbm>> -> memref<16384xi32, #tpu.memory_space<hbm>>
    %dma_start3A_320 = tpu.memref_slice %dma_start3A_319[%mul3A_2] : memref<16384xi32, #tpu.memory_space<hbm>> -> memref<512xi32, #tpu.memory_space<hbm>>
    %dma_start3A_321 = arith.constant 12288 : i32
    %dma_start3A_322 = tpu.memref_slice %arg5[%dma_start3A_321] : memref<13312xi32, #tpu.memory_space<vmem>> -> memref<512xi32, #tpu.memory_space<vmem>>
    %dma_start3A_323 = arith.constant 0 : i32
    %dma_start3A_324 = tpu.memref_slice %arg3[%dma_start3A_314, %dma_start3A_323] : memref<26x16384xi32, #tpu.memory_space<hbm>> -> memref<1x16384xi32, #tpu.memory_space<hbm>>
    %dma_start3A_325 = tpu.memref_squeeze %dma_start3A_324 : memref<1x16384xi32, #tpu.memory_space<hbm>> -> memref<16384xi32, #tpu.memory_space<hbm>>
    %dma_start3A_326 = tpu.memref_slice %dma_start3A_325[%mul3A_2] : memref<16384xi32, #tpu.memory_space<hbm>> -> memref<512xi32, #tpu.memory_space<hbm>>
    tpu.enqueue_dma source(%dma_start3A_326 : memref<512xi32, #tpu.memory_space<hbm>>) target(%dma_start3A_322 : memref<512xi32, #tpu.memory_space<vmem>>) target_semaphore(%arg8 : memref<!tpu.dma_semaphore, #tpu.memory_space<semaphore_mem>>)
    %dma_start3A_327 = arith.constant 25 : i32
    %dma_start3A_328 = arith.constant 12800 : i32
    %dma_start3A_329 = tpu.memref_slice %arg5[%dma_start3A_328] : memref<13312xi32, #tpu.memory_space<vmem>> -> memref<512xi32, #tpu.memory_space<vmem>>
    %dma_start3A_330 = arith.constant 0 : i32
    %dma_start3A_331 = tpu.memref_slice %arg3[%dma_start3A_327, %dma_start3A_330] : memref<26x16384xi32, #tpu.memory_space<hbm>> -> memref<1x16384xi32, #tpu.memory_space<hbm>>
    %dma_start3A_332 = tpu.memref_squeeze %dma_start3A_331 : memref<1x16384xi32, #tpu.memory_space<hbm>> -> memref<16384xi32, #tpu.memory_space<hbm>>
    %dma_start3A_333 = tpu.memref_slice %dma_start3A_332[%mul3A_2] : memref<16384xi32, #tpu.memory_space<hbm>> -> memref<512xi32, #tpu.memory_space<hbm>>
    %dma_start3A_334 = arith.constant 12800 : i32
    %dma_start3A_335 = tpu.memref_slice %arg5[%dma_start3A_334] : memref<13312xi32, #tpu.memory_space<vmem>> -> memref<512xi32, #tpu.memory_space<vmem>>
    %dma_start3A_336 = arith.constant 0 : i32
    %dma_start3A_337 = tpu.memref_slice %arg3[%dma_start3A_327, %dma_start3A_336] : memref<26x16384xi32, #tpu.memory_space<hbm>> -> memref<1x16384xi32, #tpu.memory_space<hbm>>
    %dma_start3A_338 = tpu.memref_squeeze %dma_start3A_337 : memref<1x16384xi32, #tpu.memory_space<hbm>> -> memref<16384xi32, #tpu.memory_space<hbm>>
    %dma_start3A_339 = tpu.memref_slice %dma_start3A_338[%mul3A_2] : memref<16384xi32, #tpu.memory_space<hbm>> -> memref<512xi32, #tpu.memory_space<hbm>>
    tpu.enqueue_dma source(%dma_start3A_339 : memref<512xi32, #tpu.memory_space<hbm>>) target(%dma_start3A_335 : memref<512xi32, #tpu.memory_space<vmem>>) target_semaphore(%arg8 : memref<!tpu.dma_semaphore, #tpu.memory_space<semaphore_mem>>)
    %dma_wait3A = arith.constant 0 : i32
    %dma_wait3A_340 = arith.constant 0 : i32
    %dma_wait3A_341 = tpu.memref_slice %arg5[%dma_wait3A_340] : memref<13312xi32, #tpu.memory_space<vmem>> -> memref<512xi32, #tpu.memory_space<vmem>>
    %dma_wait3A_342 = arith.constant 0 : i32
    %dma_wait3A_343 = tpu.memref_slice %arg3[%dma_wait3A, %dma_wait3A_342] : memref<26x16384xi32, #tpu.memory_space<hbm>> -> memref<1x16384xi32, #tpu.memory_space<hbm>>
    %dma_wait3A_344 = tpu.memref_squeeze %dma_wait3A_343 : memref<1x16384xi32, #tpu.memory_space<hbm>> -> memref<16384xi32, #tpu.memory_space<hbm>>
    %dma_wait3A_345 = tpu.memref_slice %dma_wait3A_344[%mul3A_2] : memref<16384xi32, #tpu.memory_space<hbm>> -> memref<512xi32, #tpu.memory_space<hbm>>
    %dma_wait3A_346 = arith.constant 0 : i32
    %dma_wait3A_347 = tpu.memref_slice %arg5[%dma_wait3A_346] : memref<13312xi32, #tpu.memory_space<vmem>> -> memref<512xi32, #tpu.memory_space<vmem>>
    %dma_wait3A_348 = arith.constant 0 : i32
    %dma_wait3A_349 = tpu.memref_slice %arg3[%dma_wait3A, %dma_wait3A_348] : memref<26x16384xi32, #tpu.memory_space<hbm>> -> memref<1x16384xi32, #tpu.memory_space<hbm>>
    %dma_wait3A_350 = tpu.memref_squeeze %dma_wait3A_349 : memref<1x16384xi32, #tpu.memory_space<hbm>> -> memref<16384xi32, #tpu.memory_space<hbm>>
    %dma_wait3A_351 = tpu.memref_slice %dma_wait3A_350[%mul3A_2] : memref<16384xi32, #tpu.memory_space<hbm>> -> memref<512xi32, #tpu.memory_space<hbm>>
    tpu.wait_dma2 semaphore(%arg8 : memref<!tpu.dma_semaphore, #tpu.memory_space<semaphore_mem>>) src(%dma_wait3A_351 : memref<512xi32, #tpu.memory_space<hbm>>) dst(%dma_wait3A_347 : memref<512xi32, #tpu.memory_space<vmem>>)
    %dma_start3A_352 = arith.constant 0 : i32
    %dma_start3A_353 = arith.constant 0 : i32
    %dma_start3A_354 = tpu.memref_slice %arg6[%dma_start3A_353] : memref<13312xf32, #tpu.memory_space<vmem>> -> memref<512xf32, #tpu.memory_space<vmem>>
    %dma_start3A_355 = arith.constant 0 : i32
    %dma_start3A_356 = tpu.memref_slice %arg5[%dma_start3A_355] : memref<13312xi32, #tpu.memory_space<vmem>> -> memref<512xi32, #tpu.memory_space<vmem>>
    %dma_start3A_357 = arith.constant 0 : i32
    %dma_start3A_358 = tpu.memref_slice %arg2[%dma_start3A_352, %dma_start3A_357] : memref<1x1000000xf32, #tpu.memory_space<hbm>> -> memref<1x1000000xf32, #tpu.memory_space<hbm>>
    %dma_start3A_359 = tpu.memref_squeeze %dma_start3A_358 : memref<1x1000000xf32, #tpu.memory_space<hbm>> -> memref<1000000xf32, #tpu.memory_space<hbm>>
    %dma_start3A_360 = arith.constant 0 : i32
    %dma_start3A_361 = tpu.memref_slice %dma_start3A_359[%dma_start3A_360] : memref<1000000xf32, #tpu.memory_space<hbm>> -> memref<1000000xf32, #tpu.memory_space<hbm>>
    tpu.enqueue_indirect_dma source(%dma_start3A_361 : memref<1000000xf32, #tpu.memory_space<hbm>>) target(%dma_start3A_354 : memref<512xf32, #tpu.memory_space<vmem>>) offsets(%dma_start3A_356 : memref<512xi32, #tpu.memory_space<vmem>>) semaphore(%arg9 : memref<!tpu.dma_semaphore, #tpu.memory_space<semaphore_mem>>)
    %dma_wait3A_362 = arith.constant 1 : i32
    %dma_wait3A_363 = arith.constant 512 : i32
    %dma_wait3A_364 = tpu.memref_slice %arg5[%dma_wait3A_363] : memref<13312xi32, #tpu.memory_space<vmem>> -> memref<512xi32, #tpu.memory_space<vmem>>
    %dma_wait3A_365 = arith.constant 0 : i32
    %dma_wait3A_366 = tpu.memref_slice %arg3[%dma_wait3A_362, %dma_wait3A_365] : memref<26x16384xi32, #tpu.memory_space<hbm>> -> memref<1x16384xi32, #tpu.memory_space<hbm>>
    %dma_wait3A_367 = tpu.memref_squeeze %dma_wait3A_366 : memref<1x16384xi32, #tpu.memory_space<hbm>> -> memref<16384xi32, #tpu.memory_space<hbm>>
    %dma_wait3A_368 = tpu.memref_slice %dma_wait3A_367[%mul3A_2] : memref<16384xi32, #tpu.memory_space<hbm>> -> memref<512xi32, #tpu.memory_space<hbm>>
    %dma_wait3A_369 = arith.constant 512 : i32
    %dma_wait3A_370 = tpu.memref_slice %arg5[%dma_wait3A_369] : memref<13312xi32, #tpu.memory_space<vmem>> -> memref<512xi32, #tpu.memory_space<vmem>>
    %dma_wait3A_371 = arith.constant 0 : i32
    %dma_wait3A_372 = tpu.memref_slice %arg3[%dma_wait3A_362, %dma_wait3A_371] : memref<26x16384xi32, #tpu.memory_space<hbm>> -> memref<1x16384xi32, #tpu.memory_space<hbm>>
    %dma_wait3A_373 = tpu.memref_squeeze %dma_wait3A_372 : memref<1x16384xi32, #tpu.memory_space<hbm>> -> memref<16384xi32, #tpu.memory_space<hbm>>
    %dma_wait3A_374 = tpu.memref_slice %dma_wait3A_373[%mul3A_2] : memref<16384xi32, #tpu.memory_space<hbm>> -> memref<512xi32, #tpu.memory_space<hbm>>
    tpu.wait_dma2 semaphore(%arg8 : memref<!tpu.dma_semaphore, #tpu.memory_space<semaphore_mem>>) src(%dma_wait3A_374 : memref<512xi32, #tpu.memory_space<hbm>>) dst(%dma_wait3A_370 : memref<512xi32, #tpu.memory_space<vmem>>)
    %dma_start3A_375 = arith.constant 0 : i32
    %dma_start3A_376 = arith.constant 512 : i32
    %dma_start3A_377 = tpu.memref_slice %arg6[%dma_start3A_376] : memref<13312xf32, #tpu.memory_space<vmem>> -> memref<512xf32, #tpu.memory_space<vmem>>
    %dma_start3A_378 = arith.constant 512 : i32
    %dma_start3A_379 = tpu.memref_slice %arg5[%dma_start3A_378] : memref<13312xi32, #tpu.memory_space<vmem>> -> memref<512xi32, #tpu.memory_space<vmem>>
    %dma_start3A_380 = arith.constant 0 : i32
    %dma_start3A_381 = tpu.memref_slice %arg2[%dma_start3A_375, %dma_start3A_380] : memref<1x1000000xf32, #tpu.memory_space<hbm>> -> memref<1x1000000xf32, #tpu.memory_space<hbm>>
    %dma_start3A_382 = tpu.memref_squeeze %dma_start3A_381 : memref<1x1000000xf32, #tpu.memory_space<hbm>> -> memref<1000000xf32, #tpu.memory_space<hbm>>
    %dma_start3A_383 = arith.constant 0 : i32
    %dma_start3A_384 = tpu.memref_slice %dma_start3A_382[%dma_start3A_383] : memref<1000000xf32, #tpu.memory_space<hbm>> -> memref<1000000xf32, #tpu.memory_space<hbm>>
    tpu.enqueue_indirect_dma source(%dma_start3A_384 : memref<1000000xf32, #tpu.memory_space<hbm>>) target(%dma_start3A_377 : memref<512xf32, #tpu.memory_space<vmem>>) offsets(%dma_start3A_379 : memref<512xi32, #tpu.memory_space<vmem>>) semaphore(%arg9 : memref<!tpu.dma_semaphore, #tpu.memory_space<semaphore_mem>>)
    %dma_wait3A_385 = arith.constant 2 : i32
    %dma_wait3A_386 = arith.constant 1024 : i32
    %dma_wait3A_387 = tpu.memref_slice %arg5[%dma_wait3A_386] : memref<13312xi32, #tpu.memory_space<vmem>> -> memref<512xi32, #tpu.memory_space<vmem>>
    %dma_wait3A_388 = arith.constant 0 : i32
    %dma_wait3A_389 = tpu.memref_slice %arg3[%dma_wait3A_385, %dma_wait3A_388] : memref<26x16384xi32, #tpu.memory_space<hbm>> -> memref<1x16384xi32, #tpu.memory_space<hbm>>
    %dma_wait3A_390 = tpu.memref_squeeze %dma_wait3A_389 : memref<1x16384xi32, #tpu.memory_space<hbm>> -> memref<16384xi32, #tpu.memory_space<hbm>>
    %dma_wait3A_391 = tpu.memref_slice %dma_wait3A_390[%mul3A_2] : memref<16384xi32, #tpu.memory_space<hbm>> -> memref<512xi32, #tpu.memory_space<hbm>>
    %dma_wait3A_392 = arith.constant 1024 : i32
    %dma_wait3A_393 = tpu.memref_slice %arg5[%dma_wait3A_392] : memref<13312xi32, #tpu.memory_space<vmem>> -> memref<512xi32, #tpu.memory_space<vmem>>
    %dma_wait3A_394 = arith.constant 0 : i32
    %dma_wait3A_395 = tpu.memref_slice %arg3[%dma_wait3A_385, %dma_wait3A_394] : memref<26x16384xi32, #tpu.memory_space<hbm>> -> memref<1x16384xi32, #tpu.memory_space<hbm>>
    %dma_wait3A_396 = tpu.memref_squeeze %dma_wait3A_395 : memref<1x16384xi32, #tpu.memory_space<hbm>> -> memref<16384xi32, #tpu.memory_space<hbm>>
    %dma_wait3A_397 = tpu.memref_slice %dma_wait3A_396[%mul3A_2] : memref<16384xi32, #tpu.memory_space<hbm>> -> memref<512xi32, #tpu.memory_space<hbm>>
    tpu.wait_dma2 semaphore(%arg8 : memref<!tpu.dma_semaphore, #tpu.memory_space<semaphore_mem>>) src(%dma_wait3A_397 : memref<512xi32, #tpu.memory_space<hbm>>) dst(%dma_wait3A_393 : memref<512xi32, #tpu.memory_space<vmem>>)
    %dma_start3A_398 = arith.constant 0 : i32
    %dma_start3A_399 = arith.constant 1024 : i32
    %dma_start3A_400 = tpu.memref_slice %arg6[%dma_start3A_399] : memref<13312xf32, #tpu.memory_space<vmem>> -> memref<512xf32, #tpu.memory_space<vmem>>
    %dma_start3A_401 = arith.constant 1024 : i32
    %dma_start3A_402 = tpu.memref_slice %arg5[%dma_start3A_401] : memref<13312xi32, #tpu.memory_space<vmem>> -> memref<512xi32, #tpu.memory_space<vmem>>
    %dma_start3A_403 = arith.constant 0 : i32
    %dma_start3A_404 = tpu.memref_slice %arg2[%dma_start3A_398, %dma_start3A_403] : memref<1x1000000xf32, #tpu.memory_space<hbm>> -> memref<1x1000000xf32, #tpu.memory_space<hbm>>
    %dma_start3A_405 = tpu.memref_squeeze %dma_start3A_404 : memref<1x1000000xf32, #tpu.memory_space<hbm>> -> memref<1000000xf32, #tpu.memory_space<hbm>>
    %dma_start3A_406 = arith.constant 0 : i32
    %dma_start3A_407 = tpu.memref_slice %dma_start3A_405[%dma_start3A_406] : memref<1000000xf32, #tpu.memory_space<hbm>> -> memref<1000000xf32, #tpu.memory_space<hbm>>
    tpu.enqueue_indirect_dma source(%dma_start3A_407 : memref<1000000xf32, #tpu.memory_space<hbm>>) target(%dma_start3A_400 : memref<512xf32, #tpu.memory_space<vmem>>) offsets(%dma_start3A_402 : memref<512xi32, #tpu.memory_space<vmem>>) semaphore(%arg9 : memref<!tpu.dma_semaphore, #tpu.memory_space<semaphore_mem>>)
    %dma_wait3A_408 = arith.constant 3 : i32
    %dma_wait3A_409 = arith.constant 1536 : i32
    %dma_wait3A_410 = tpu.memref_slice %arg5[%dma_wait3A_409] : memref<13312xi32, #tpu.memory_space<vmem>> -> memref<512xi32, #tpu.memory_space<vmem>>
    %dma_wait3A_411 = arith.constant 0 : i32
    %dma_wait3A_412 = tpu.memref_slice %arg3[%dma_wait3A_408, %dma_wait3A_411] : memref<26x16384xi32, #tpu.memory_space<hbm>> -> memref<1x16384xi32, #tpu.memory_space<hbm>>
    %dma_wait3A_413 = tpu.memref_squeeze %dma_wait3A_412 : memref<1x16384xi32, #tpu.memory_space<hbm>> -> memref<16384xi32, #tpu.memory_space<hbm>>
    %dma_wait3A_414 = tpu.memref_slice %dma_wait3A_413[%mul3A_2] : memref<16384xi32, #tpu.memory_space<hbm>> -> memref<512xi32, #tpu.memory_space<hbm>>
    %dma_wait3A_415 = arith.constant 1536 : i32
    %dma_wait3A_416 = tpu.memref_slice %arg5[%dma_wait3A_415] : memref<13312xi32, #tpu.memory_space<vmem>> -> memref<512xi32, #tpu.memory_space<vmem>>
    %dma_wait3A_417 = arith.constant 0 : i32
    %dma_wait3A_418 = tpu.memref_slice %arg3[%dma_wait3A_408, %dma_wait3A_417] : memref<26x16384xi32, #tpu.memory_space<hbm>> -> memref<1x16384xi32, #tpu.memory_space<hbm>>
    %dma_wait3A_419 = tpu.memref_squeeze %dma_wait3A_418 : memref<1x16384xi32, #tpu.memory_space<hbm>> -> memref<16384xi32, #tpu.memory_space<hbm>>
    %dma_wait3A_420 = tpu.memref_slice %dma_wait3A_419[%mul3A_2] : memref<16384xi32, #tpu.memory_space<hbm>> -> memref<512xi32, #tpu.memory_space<hbm>>
    tpu.wait_dma2 semaphore(%arg8 : memref<!tpu.dma_semaphore, #tpu.memory_space<semaphore_mem>>) src(%dma_wait3A_420 : memref<512xi32, #tpu.memory_space<hbm>>) dst(%dma_wait3A_416 : memref<512xi32, #tpu.memory_space<vmem>>)
    %dma_start3A_421 = arith.constant 0 : i32
    %dma_start3A_422 = arith.constant 1536 : i32
    %dma_start3A_423 = tpu.memref_slice %arg6[%dma_start3A_422] : memref<13312xf32, #tpu.memory_space<vmem>> -> memref<512xf32, #tpu.memory_space<vmem>>
    %dma_start3A_424 = arith.constant 1536 : i32
    %dma_start3A_425 = tpu.memref_slice %arg5[%dma_start3A_424] : memref<13312xi32, #tpu.memory_space<vmem>> -> memref<512xi32, #tpu.memory_space<vmem>>
    %dma_start3A_426 = arith.constant 0 : i32
    %dma_start3A_427 = tpu.memref_slice %arg2[%dma_start3A_421, %dma_start3A_426] : memref<1x1000000xf32, #tpu.memory_space<hbm>> -> memref<1x1000000xf32, #tpu.memory_space<hbm>>
    %dma_start3A_428 = tpu.memref_squeeze %dma_start3A_427 : memref<1x1000000xf32, #tpu.memory_space<hbm>> -> memref<1000000xf32, #tpu.memory_space<hbm>>
    %dma_start3A_429 = arith.constant 0 : i32
    %dma_start3A_430 = tpu.memref_slice %dma_start3A_428[%dma_start3A_429] : memref<1000000xf32, #tpu.memory_space<hbm>> -> memref<1000000xf32, #tpu.memory_space<hbm>>
    tpu.enqueue_indirect_dma source(%dma_start3A_430 : memref<1000000xf32, #tpu.memory_space<hbm>>) target(%dma_start3A_423 : memref<512xf32, #tpu.memory_space<vmem>>) offsets(%dma_start3A_425 : memref<512xi32, #tpu.memory_space<vmem>>) semaphore(%arg9 : memref<!tpu.dma_semaphore, #tpu.memory_space<semaphore_mem>>)
    %dma_wait3A_431 = arith.constant 4 : i32
    %dma_wait3A_432 = arith.constant 2048 : i32
    %dma_wait3A_433 = tpu.memref_slice %arg5[%dma_wait3A_432] : memref<13312xi32, #tpu.memory_space<vmem>> -> memref<512xi32, #tpu.memory_space<vmem>>
    %dma_wait3A_434 = arith.constant 0 : i32
    %dma_wait3A_435 = tpu.memref_slice %arg3[%dma_wait3A_431, %dma_wait3A_434] : memref<26x16384xi32, #tpu.memory_space<hbm>> -> memref<1x16384xi32, #tpu.memory_space<hbm>>
    %dma_wait3A_436 = tpu.memref_squeeze %dma_wait3A_435 : memref<1x16384xi32, #tpu.memory_space<hbm>> -> memref<16384xi32, #tpu.memory_space<hbm>>
    %dma_wait3A_437 = tpu.memref_slice %dma_wait3A_436[%mul3A_2] : memref<16384xi32, #tpu.memory_space<hbm>> -> memref<512xi32, #tpu.memory_space<hbm>>
    %dma_wait3A_438 = arith.constant 2048 : i32
    %dma_wait3A_439 = tpu.memref_slice %arg5[%dma_wait3A_438] : memref<13312xi32, #tpu.memory_space<vmem>> -> memref<512xi32, #tpu.memory_space<vmem>>
    %dma_wait3A_440 = arith.constant 0 : i32
    %dma_wait3A_441 = tpu.memref_slice %arg3[%dma_wait3A_431, %dma_wait3A_440] : memref<26x16384xi32, #tpu.memory_space<hbm>> -> memref<1x16384xi32, #tpu.memory_space<hbm>>
    %dma_wait3A_442 = tpu.memref_squeeze %dma_wait3A_441 : memref<1x16384xi32, #tpu.memory_space<hbm>> -> memref<16384xi32, #tpu.memory_space<hbm>>
    %dma_wait3A_443 = tpu.memref_slice %dma_wait3A_442[%mul3A_2] : memref<16384xi32, #tpu.memory_space<hbm>> -> memref<512xi32, #tpu.memory_space<hbm>>
    tpu.wait_dma2 semaphore(%arg8 : memref<!tpu.dma_semaphore, #tpu.memory_space<semaphore_mem>>) src(%dma_wait3A_443 : memref<512xi32, #tpu.memory_space<hbm>>) dst(%dma_wait3A_439 : memref<512xi32, #tpu.memory_space<vmem>>)
    %dma_start3A_444 = arith.constant 0 : i32
    %dma_start3A_445 = arith.constant 2048 : i32
    %dma_start3A_446 = tpu.memref_slice %arg6[%dma_start3A_445] : memref<13312xf32, #tpu.memory_space<vmem>> -> memref<512xf32, #tpu.memory_space<vmem>>
    %dma_start3A_447 = arith.constant 2048 : i32
    %dma_start3A_448 = tpu.memref_slice %arg5[%dma_start3A_447] : memref<13312xi32, #tpu.memory_space<vmem>> -> memref<512xi32, #tpu.memory_space<vmem>>
    %dma_start3A_449 = arith.constant 0 : i32
    %dma_start3A_450 = tpu.memref_slice %arg2[%dma_start3A_444, %dma_start3A_449] : memref<1x1000000xf32, #tpu.memory_space<hbm>> -> memref<1x1000000xf32, #tpu.memory_space<hbm>>
    %dma_start3A_451 = tpu.memref_squeeze %dma_start3A_450 : memref<1x1000000xf32, #tpu.memory_space<hbm>> -> memref<1000000xf32, #tpu.memory_space<hbm>>
    %dma_start3A_452 = arith.constant 0 : i32
    %dma_start3A_453 = tpu.memref_slice %dma_start3A_451[%dma_start3A_452] : memref<1000000xf32, #tpu.memory_space<hbm>> -> memref<1000000xf32, #tpu.memory_space<hbm>>
    tpu.enqueue_indirect_dma source(%dma_start3A_453 : memref<1000000xf32, #tpu.memory_space<hbm>>) target(%dma_start3A_446 : memref<512xf32, #tpu.memory_space<vmem>>) offsets(%dma_start3A_448 : memref<512xi32, #tpu.memory_space<vmem>>) semaphore(%arg9 : memref<!tpu.dma_semaphore, #tpu.memory_space<semaphore_mem>>)
    %dma_wait3A_454 = arith.constant 5 : i32
    %dma_wait3A_455 = arith.constant 2560 : i32
    %dma_wait3A_456 = tpu.memref_slice %arg5[%dma_wait3A_455] : memref<13312xi32, #tpu.memory_space<vmem>> -> memref<512xi32, #tpu.memory_space<vmem>>
    %dma_wait3A_457 = arith.constant 0 : i32
    %dma_wait3A_458 = tpu.memref_slice %arg3[%dma_wait3A_454, %dma_wait3A_457] : memref<26x16384xi32, #tpu.memory_space<hbm>> -> memref<1x16384xi32, #tpu.memory_space<hbm>>
    %dma_wait3A_459 = tpu.memref_squeeze %dma_wait3A_458 : memref<1x16384xi32, #tpu.memory_space<hbm>> -> memref<16384xi32, #tpu.memory_space<hbm>>
    %dma_wait3A_460 = tpu.memref_slice %dma_wait3A_459[%mul3A_2] : memref<16384xi32, #tpu.memory_space<hbm>> -> memref<512xi32, #tpu.memory_space<hbm>>
    %dma_wait3A_461 = arith.constant 2560 : i32
    %dma_wait3A_462 = tpu.memref_slice %arg5[%dma_wait3A_461] : memref<13312xi32, #tpu.memory_space<vmem>> -> memref<512xi32, #tpu.memory_space<vmem>>
    %dma_wait3A_463 = arith.constant 0 : i32
    %dma_wait3A_464 = tpu.memref_slice %arg3[%dma_wait3A_454, %dma_wait3A_463] : memref<26x16384xi32, #tpu.memory_space<hbm>> -> memref<1x16384xi32, #tpu.memory_space<hbm>>
    %dma_wait3A_465 = tpu.memref_squeeze %dma_wait3A_464 : memref<1x16384xi32, #tpu.memory_space<hbm>> -> memref<16384xi32, #tpu.memory_space<hbm>>
    %dma_wait3A_466 = tpu.memref_slice %dma_wait3A_465[%mul3A_2] : memref<16384xi32, #tpu.memory_space<hbm>> -> memref<512xi32, #tpu.memory_space<hbm>>
    tpu.wait_dma2 semaphore(%arg8 : memref<!tpu.dma_semaphore, #tpu.memory_space<semaphore_mem>>) src(%dma_wait3A_466 : memref<512xi32, #tpu.memory_space<hbm>>) dst(%dma_wait3A_462 : memref<512xi32, #tpu.memory_space<vmem>>)
    %dma_start3A_467 = arith.constant 0 : i32
    %dma_start3A_468 = arith.constant 2560 : i32
    %dma_start3A_469 = tpu.memref_slice %arg6[%dma_start3A_468] : memref<13312xf32, #tpu.memory_space<vmem>> -> memref<512xf32, #tpu.memory_space<vmem>>
    %dma_start3A_470 = arith.constant 2560 : i32
    %dma_start3A_471 = tpu.memref_slice %arg5[%dma_start3A_470] : memref<13312xi32, #tpu.memory_space<vmem>> -> memref<512xi32, #tpu.memory_space<vmem>>
    %dma_start3A_472 = arith.constant 0 : i32
    %dma_start3A_473 = tpu.memref_slice %arg2[%dma_start3A_467, %dma_start3A_472] : memref<1x1000000xf32, #tpu.memory_space<hbm>> -> memref<1x1000000xf32, #tpu.memory_space<hbm>>
    %dma_start3A_474 = tpu.memref_squeeze %dma_start3A_473 : memref<1x1000000xf32, #tpu.memory_space<hbm>> -> memref<1000000xf32, #tpu.memory_space<hbm>>
    %dma_start3A_475 = arith.constant 0 : i32
    %dma_start3A_476 = tpu.memref_slice %dma_start3A_474[%dma_start3A_475] : memref<1000000xf32, #tpu.memory_space<hbm>> -> memref<1000000xf32, #tpu.memory_space<hbm>>
    tpu.enqueue_indirect_dma source(%dma_start3A_476 : memref<1000000xf32, #tpu.memory_space<hbm>>) target(%dma_start3A_469 : memref<512xf32, #tpu.memory_space<vmem>>) offsets(%dma_start3A_471 : memref<512xi32, #tpu.memory_space<vmem>>) semaphore(%arg9 : memref<!tpu.dma_semaphore, #tpu.memory_space<semaphore_mem>>)
    %dma_wait3A_477 = arith.constant 6 : i32
    %dma_wait3A_478 = arith.constant 3072 : i32
    %dma_wait3A_479 = tpu.memref_slice %arg5[%dma_wait3A_478] : memref<13312xi32, #tpu.memory_space<vmem>> -> memref<512xi32, #tpu.memory_space<vmem>>
    %dma_wait3A_480 = arith.constant 0 : i32
    %dma_wait3A_481 = tpu.memref_slice %arg3[%dma_wait3A_477, %dma_wait3A_480] : memref<26x16384xi32, #tpu.memory_space<hbm>> -> memref<1x16384xi32, #tpu.memory_space<hbm>>
    %dma_wait3A_482 = tpu.memref_squeeze %dma_wait3A_481 : memref<1x16384xi32, #tpu.memory_space<hbm>> -> memref<16384xi32, #tpu.memory_space<hbm>>
    %dma_wait3A_483 = tpu.memref_slice %dma_wait3A_482[%mul3A_2] : memref<16384xi32, #tpu.memory_space<hbm>> -> memref<512xi32, #tpu.memory_space<hbm>>
    %dma_wait3A_484 = arith.constant 3072 : i32
    %dma_wait3A_485 = tpu.memref_slice %arg5[%dma_wait3A_484] : memref<13312xi32, #tpu.memory_space<vmem>> -> memref<512xi32, #tpu.memory_space<vmem>>
    %dma_wait3A_486 = arith.constant 0 : i32
    %dma_wait3A_487 = tpu.memref_slice %arg3[%dma_wait3A_477, %dma_wait3A_486] : memref<26x16384xi32, #tpu.memory_space<hbm>> -> memref<1x16384xi32, #tpu.memory_space<hbm>>
    %dma_wait3A_488 = tpu.memref_squeeze %dma_wait3A_487 : memref<1x16384xi32, #tpu.memory_space<hbm>> -> memref<16384xi32, #tpu.memory_space<hbm>>
    %dma_wait3A_489 = tpu.memref_slice %dma_wait3A_488[%mul3A_2] : memref<16384xi32, #tpu.memory_space<hbm>> -> memref<512xi32, #tpu.memory_space<hbm>>
    tpu.wait_dma2 semaphore(%arg8 : memref<!tpu.dma_semaphore, #tpu.memory_space<semaphore_mem>>) src(%dma_wait3A_489 : memref<512xi32, #tpu.memory_space<hbm>>) dst(%dma_wait3A_485 : memref<512xi32, #tpu.memory_space<vmem>>)
    %dma_start3A_490 = arith.constant 0 : i32
    %dma_start3A_491 = arith.constant 3072 : i32
    %dma_start3A_492 = tpu.memref_slice %arg6[%dma_start3A_491] : memref<13312xf32, #tpu.memory_space<vmem>> -> memref<512xf32, #tpu.memory_space<vmem>>
    %dma_start3A_493 = arith.constant 3072 : i32
    %dma_start3A_494 = tpu.memref_slice %arg5[%dma_start3A_493] : memref<13312xi32, #tpu.memory_space<vmem>> -> memref<512xi32, #tpu.memory_space<vmem>>
    %dma_start3A_495 = arith.constant 0 : i32
    %dma_start3A_496 = tpu.memref_slice %arg2[%dma_start3A_490, %dma_start3A_495] : memref<1x1000000xf32, #tpu.memory_space<hbm>> -> memref<1x1000000xf32, #tpu.memory_space<hbm>>
    %dma_start3A_497 = tpu.memref_squeeze %dma_start3A_496 : memref<1x1000000xf32, #tpu.memory_space<hbm>> -> memref<1000000xf32, #tpu.memory_space<hbm>>
    %dma_start3A_498 = arith.constant 0 : i32
    %dma_start3A_499 = tpu.memref_slice %dma_start3A_497[%dma_start3A_498] : memref<1000000xf32, #tpu.memory_space<hbm>> -> memref<1000000xf32, #tpu.memory_space<hbm>>
    tpu.enqueue_indirect_dma source(%dma_start3A_499 : memref<1000000xf32, #tpu.memory_space<hbm>>) target(%dma_start3A_492 : memref<512xf32, #tpu.memory_space<vmem>>) offsets(%dma_start3A_494 : memref<512xi32, #tpu.memory_space<vmem>>) semaphore(%arg9 : memref<!tpu.dma_semaphore, #tpu.memory_space<semaphore_mem>>)
    %dma_wait3A_500 = arith.constant 7 : i32
    %dma_wait3A_501 = arith.constant 3584 : i32
    %dma_wait3A_502 = tpu.memref_slice %arg5[%dma_wait3A_501] : memref<13312xi32, #tpu.memory_space<vmem>> -> memref<512xi32, #tpu.memory_space<vmem>>
    %dma_wait3A_503 = arith.constant 0 : i32
    %dma_wait3A_504 = tpu.memref_slice %arg3[%dma_wait3A_500, %dma_wait3A_503] : memref<26x16384xi32, #tpu.memory_space<hbm>> -> memref<1x16384xi32, #tpu.memory_space<hbm>>
    %dma_wait3A_505 = tpu.memref_squeeze %dma_wait3A_504 : memref<1x16384xi32, #tpu.memory_space<hbm>> -> memref<16384xi32, #tpu.memory_space<hbm>>
    %dma_wait3A_506 = tpu.memref_slice %dma_wait3A_505[%mul3A_2] : memref<16384xi32, #tpu.memory_space<hbm>> -> memref<512xi32, #tpu.memory_space<hbm>>
    %dma_wait3A_507 = arith.constant 3584 : i32
    %dma_wait3A_508 = tpu.memref_slice %arg5[%dma_wait3A_507] : memref<13312xi32, #tpu.memory_space<vmem>> -> memref<512xi32, #tpu.memory_space<vmem>>
    %dma_wait3A_509 = arith.constant 0 : i32
    %dma_wait3A_510 = tpu.memref_slice %arg3[%dma_wait3A_500, %dma_wait3A_509] : memref<26x16384xi32, #tpu.memory_space<hbm>> -> memref<1x16384xi32, #tpu.memory_space<hbm>>
    %dma_wait3A_511 = tpu.memref_squeeze %dma_wait3A_510 : memref<1x16384xi32, #tpu.memory_space<hbm>> -> memref<16384xi32, #tpu.memory_space<hbm>>
    %dma_wait3A_512 = tpu.memref_slice %dma_wait3A_511[%mul3A_2] : memref<16384xi32, #tpu.memory_space<hbm>> -> memref<512xi32, #tpu.memory_space<hbm>>
    tpu.wait_dma2 semaphore(%arg8 : memref<!tpu.dma_semaphore, #tpu.memory_space<semaphore_mem>>) src(%dma_wait3A_512 : memref<512xi32, #tpu.memory_space<hbm>>) dst(%dma_wait3A_508 : memref<512xi32, #tpu.memory_space<vmem>>)
    %dma_start3A_513 = arith.constant 0 : i32
    %dma_start3A_514 = arith.constant 3584 : i32
    %dma_start3A_515 = tpu.memref_slice %arg6[%dma_start3A_514] : memref<13312xf32, #tpu.memory_space<vmem>> -> memref<512xf32, #tpu.memory_space<vmem>>
    %dma_start3A_516 = arith.constant 3584 : i32
    %dma_start3A_517 = tpu.memref_slice %arg5[%dma_start3A_516] : memref<13312xi32, #tpu.memory_space<vmem>> -> memref<512xi32, #tpu.memory_space<vmem>>
    %dma_start3A_518 = arith.constant 0 : i32
    %dma_start3A_519 = tpu.memref_slice %arg2[%dma_start3A_513, %dma_start3A_518] : memref<1x1000000xf32, #tpu.memory_space<hbm>> -> memref<1x1000000xf32, #tpu.memory_space<hbm>>
    %dma_start3A_520 = tpu.memref_squeeze %dma_start3A_519 : memref<1x1000000xf32, #tpu.memory_space<hbm>> -> memref<1000000xf32, #tpu.memory_space<hbm>>
    %dma_start3A_521 = arith.constant 0 : i32
    %dma_start3A_522 = tpu.memref_slice %dma_start3A_520[%dma_start3A_521] : memref<1000000xf32, #tpu.memory_space<hbm>> -> memref<1000000xf32, #tpu.memory_space<hbm>>
    tpu.enqueue_indirect_dma source(%dma_start3A_522 : memref<1000000xf32, #tpu.memory_space<hbm>>) target(%dma_start3A_515 : memref<512xf32, #tpu.memory_space<vmem>>) offsets(%dma_start3A_517 : memref<512xi32, #tpu.memory_space<vmem>>) semaphore(%arg9 : memref<!tpu.dma_semaphore, #tpu.memory_space<semaphore_mem>>)
    %dma_wait3A_523 = arith.constant 8 : i32
    %dma_wait3A_524 = arith.constant 4096 : i32
    %dma_wait3A_525 = tpu.memref_slice %arg5[%dma_wait3A_524] : memref<13312xi32, #tpu.memory_space<vmem>> -> memref<512xi32, #tpu.memory_space<vmem>>
    %dma_wait3A_526 = arith.constant 0 : i32
    %dma_wait3A_527 = tpu.memref_slice %arg3[%dma_wait3A_523, %dma_wait3A_526] : memref<26x16384xi32, #tpu.memory_space<hbm>> -> memref<1x16384xi32, #tpu.memory_space<hbm>>
    %dma_wait3A_528 = tpu.memref_squeeze %dma_wait3A_527 : memref<1x16384xi32, #tpu.memory_space<hbm>> -> memref<16384xi32, #tpu.memory_space<hbm>>
    %dma_wait3A_529 = tpu.memref_slice %dma_wait3A_528[%mul3A_2] : memref<16384xi32, #tpu.memory_space<hbm>> -> memref<512xi32, #tpu.memory_space<hbm>>
    %dma_wait3A_530 = arith.constant 4096 : i32
    %dma_wait3A_531 = tpu.memref_slice %arg5[%dma_wait3A_530] : memref<13312xi32, #tpu.memory_space<vmem>> -> memref<512xi32, #tpu.memory_space<vmem>>
    %dma_wait3A_532 = arith.constant 0 : i32
    %dma_wait3A_533 = tpu.memref_slice %arg3[%dma_wait3A_523, %dma_wait3A_532] : memref<26x16384xi32, #tpu.memory_space<hbm>> -> memref<1x16384xi32, #tpu.memory_space<hbm>>
    %dma_wait3A_534 = tpu.memref_squeeze %dma_wait3A_533 : memref<1x16384xi32, #tpu.memory_space<hbm>> -> memref<16384xi32, #tpu.memory_space<hbm>>
    %dma_wait3A_535 = tpu.memref_slice %dma_wait3A_534[%mul3A_2] : memref<16384xi32, #tpu.memory_space<hbm>> -> memref<512xi32, #tpu.memory_space<hbm>>
    tpu.wait_dma2 semaphore(%arg8 : memref<!tpu.dma_semaphore, #tpu.memory_space<semaphore_mem>>) src(%dma_wait3A_535 : memref<512xi32, #tpu.memory_space<hbm>>) dst(%dma_wait3A_531 : memref<512xi32, #tpu.memory_space<vmem>>)
    %dma_start3A_536 = arith.constant 0 : i32
    %dma_start3A_537 = arith.constant 4096 : i32
    %dma_start3A_538 = tpu.memref_slice %arg6[%dma_start3A_537] : memref<13312xf32, #tpu.memory_space<vmem>> -> memref<512xf32, #tpu.memory_space<vmem>>
    %dma_start3A_539 = arith.constant 4096 : i32
    %dma_start3A_540 = tpu.memref_slice %arg5[%dma_start3A_539] : memref<13312xi32, #tpu.memory_space<vmem>> -> memref<512xi32, #tpu.memory_space<vmem>>
    %dma_start3A_541 = arith.constant 0 : i32
    %dma_start3A_542 = tpu.memref_slice %arg2[%dma_start3A_536, %dma_start3A_541] : memref<1x1000000xf32, #tpu.memory_space<hbm>> -> memref<1x1000000xf32, #tpu.memory_space<hbm>>
    %dma_start3A_543 = tpu.memref_squeeze %dma_start3A_542 : memref<1x1000000xf32, #tpu.memory_space<hbm>> -> memref<1000000xf32, #tpu.memory_space<hbm>>
    %dma_start3A_544 = arith.constant 0 : i32
    %dma_start3A_545 = tpu.memref_slice %dma_start3A_543[%dma_start3A_544] : memref<1000000xf32, #tpu.memory_space<hbm>> -> memref<1000000xf32, #tpu.memory_space<hbm>>
    tpu.enqueue_indirect_dma source(%dma_start3A_545 : memref<1000000xf32, #tpu.memory_space<hbm>>) target(%dma_start3A_538 : memref<512xf32, #tpu.memory_space<vmem>>) offsets(%dma_start3A_540 : memref<512xi32, #tpu.memory_space<vmem>>) semaphore(%arg9 : memref<!tpu.dma_semaphore, #tpu.memory_space<semaphore_mem>>)
    %dma_wait3A_546 = arith.constant 9 : i32
    %dma_wait3A_547 = arith.constant 4608 : i32
    %dma_wait3A_548 = tpu.memref_slice %arg5[%dma_wait3A_547] : memref<13312xi32, #tpu.memory_space<vmem>> -> memref<512xi32, #tpu.memory_space<vmem>>
    %dma_wait3A_549 = arith.constant 0 : i32
    %dma_wait3A_550 = tpu.memref_slice %arg3[%dma_wait3A_546, %dma_wait3A_549] : memref<26x16384xi32, #tpu.memory_space<hbm>> -> memref<1x16384xi32, #tpu.memory_space<hbm>>
    %dma_wait3A_551 = tpu.memref_squeeze %dma_wait3A_550 : memref<1x16384xi32, #tpu.memory_space<hbm>> -> memref<16384xi32, #tpu.memory_space<hbm>>
    %dma_wait3A_552 = tpu.memref_slice %dma_wait3A_551[%mul3A_2] : memref<16384xi32, #tpu.memory_space<hbm>> -> memref<512xi32, #tpu.memory_space<hbm>>
    %dma_wait3A_553 = arith.constant 4608 : i32
    %dma_wait3A_554 = tpu.memref_slice %arg5[%dma_wait3A_553] : memref<13312xi32, #tpu.memory_space<vmem>> -> memref<512xi32, #tpu.memory_space<vmem>>
    %dma_wait3A_555 = arith.constant 0 : i32
    %dma_wait3A_556 = tpu.memref_slice %arg3[%dma_wait3A_546, %dma_wait3A_555] : memref<26x16384xi32, #tpu.memory_space<hbm>> -> memref<1x16384xi32, #tpu.memory_space<hbm>>
    %dma_wait3A_557 = tpu.memref_squeeze %dma_wait3A_556 : memref<1x16384xi32, #tpu.memory_space<hbm>> -> memref<16384xi32, #tpu.memory_space<hbm>>
    %dma_wait3A_558 = tpu.memref_slice %dma_wait3A_557[%mul3A_2] : memref<16384xi32, #tpu.memory_space<hbm>> -> memref<512xi32, #tpu.memory_space<hbm>>
    tpu.wait_dma2 semaphore(%arg8 : memref<!tpu.dma_semaphore, #tpu.memory_space<semaphore_mem>>) src(%dma_wait3A_558 : memref<512xi32, #tpu.memory_space<hbm>>) dst(%dma_wait3A_554 : memref<512xi32, #tpu.memory_space<vmem>>)
    %dma_start3A_559 = arith.constant 0 : i32
    %dma_start3A_560 = arith.constant 4608 : i32
    %dma_start3A_561 = tpu.memref_slice %arg6[%dma_start3A_560] : memref<13312xf32, #tpu.memory_space<vmem>> -> memref<512xf32, #tpu.memory_space<vmem>>
    %dma_start3A_562 = arith.constant 4608 : i32
    %dma_start3A_563 = tpu.memref_slice %arg5[%dma_start3A_562] : memref<13312xi32, #tpu.memory_space<vmem>> -> memref<512xi32, #tpu.memory_space<vmem>>
    %dma_start3A_564 = arith.constant 0 : i32
    %dma_start3A_565 = tpu.memref_slice %arg2[%dma_start3A_559, %dma_start3A_564] : memref<1x1000000xf32, #tpu.memory_space<hbm>> -> memref<1x1000000xf32, #tpu.memory_space<hbm>>
    %dma_start3A_566 = tpu.memref_squeeze %dma_start3A_565 : memref<1x1000000xf32, #tpu.memory_space<hbm>> -> memref<1000000xf32, #tpu.memory_space<hbm>>
    %dma_start3A_567 = arith.constant 0 : i32
    %dma_start3A_568 = tpu.memref_slice %dma_start3A_566[%dma_start3A_567] : memref<1000000xf32, #tpu.memory_space<hbm>> -> memref<1000000xf32, #tpu.memory_space<hbm>>
    tpu.enqueue_indirect_dma source(%dma_start3A_568 : memref<1000000xf32, #tpu.memory_space<hbm>>) target(%dma_start3A_561 : memref<512xf32, #tpu.memory_space<vmem>>) offsets(%dma_start3A_563 : memref<512xi32, #tpu.memory_space<vmem>>) semaphore(%arg9 : memref<!tpu.dma_semaphore, #tpu.memory_space<semaphore_mem>>)
    %dma_wait3A_569 = arith.constant 10 : i32
    %dma_wait3A_570 = arith.constant 5120 : i32
    %dma_wait3A_571 = tpu.memref_slice %arg5[%dma_wait3A_570] : memref<13312xi32, #tpu.memory_space<vmem>> -> memref<512xi32, #tpu.memory_space<vmem>>
    %dma_wait3A_572 = arith.constant 0 : i32
    %dma_wait3A_573 = tpu.memref_slice %arg3[%dma_wait3A_569, %dma_wait3A_572] : memref<26x16384xi32, #tpu.memory_space<hbm>> -> memref<1x16384xi32, #tpu.memory_space<hbm>>
    %dma_wait3A_574 = tpu.memref_squeeze %dma_wait3A_573 : memref<1x16384xi32, #tpu.memory_space<hbm>> -> memref<16384xi32, #tpu.memory_space<hbm>>
    %dma_wait3A_575 = tpu.memref_slice %dma_wait3A_574[%mul3A_2] : memref<16384xi32, #tpu.memory_space<hbm>> -> memref<512xi32, #tpu.memory_space<hbm>>
    %dma_wait3A_576 = arith.constant 5120 : i32
    %dma_wait3A_577 = tpu.memref_slice %arg5[%dma_wait3A_576] : memref<13312xi32, #tpu.memory_space<vmem>> -> memref<512xi32, #tpu.memory_space<vmem>>
    %dma_wait3A_578 = arith.constant 0 : i32
    %dma_wait3A_579 = tpu.memref_slice %arg3[%dma_wait3A_569, %dma_wait3A_578] : memref<26x16384xi32, #tpu.memory_space<hbm>> -> memref<1x16384xi32, #tpu.memory_space<hbm>>
    %dma_wait3A_580 = tpu.memref_squeeze %dma_wait3A_579 : memref<1x16384xi32, #tpu.memory_space<hbm>> -> memref<16384xi32, #tpu.memory_space<hbm>>
    %dma_wait3A_581 = tpu.memref_slice %dma_wait3A_580[%mul3A_2] : memref<16384xi32, #tpu.memory_space<hbm>> -> memref<512xi32, #tpu.memory_space<hbm>>
    tpu.wait_dma2 semaphore(%arg8 : memref<!tpu.dma_semaphore, #tpu.memory_space<semaphore_mem>>) src(%dma_wait3A_581 : memref<512xi32, #tpu.memory_space<hbm>>) dst(%dma_wait3A_577 : memref<512xi32, #tpu.memory_space<vmem>>)
    %dma_start3A_582 = arith.constant 0 : i32
    %dma_start3A_583 = arith.constant 5120 : i32
    %dma_start3A_584 = tpu.memref_slice %arg6[%dma_start3A_583] : memref<13312xf32, #tpu.memory_space<vmem>> -> memref<512xf32, #tpu.memory_space<vmem>>
    %dma_start3A_585 = arith.constant 5120 : i32
    %dma_start3A_586 = tpu.memref_slice %arg5[%dma_start3A_585] : memref<13312xi32, #tpu.memory_space<vmem>> -> memref<512xi32, #tpu.memory_space<vmem>>
    %dma_start3A_587 = arith.constant 0 : i32
    %dma_start3A_588 = tpu.memref_slice %arg2[%dma_start3A_582, %dma_start3A_587] : memref<1x1000000xf32, #tpu.memory_space<hbm>> -> memref<1x1000000xf32, #tpu.memory_space<hbm>>
    %dma_start3A_589 = tpu.memref_squeeze %dma_start3A_588 : memref<1x1000000xf32, #tpu.memory_space<hbm>> -> memref<1000000xf32, #tpu.memory_space<hbm>>
    %dma_start3A_590 = arith.constant 0 : i32
    %dma_start3A_591 = tpu.memref_slice %dma_start3A_589[%dma_start3A_590] : memref<1000000xf32, #tpu.memory_space<hbm>> -> memref<1000000xf32, #tpu.memory_space<hbm>>
    tpu.enqueue_indirect_dma source(%dma_start3A_591 : memref<1000000xf32, #tpu.memory_space<hbm>>) target(%dma_start3A_584 : memref<512xf32, #tpu.memory_space<vmem>>) offsets(%dma_start3A_586 : memref<512xi32, #tpu.memory_space<vmem>>) semaphore(%arg9 : memref<!tpu.dma_semaphore, #tpu.memory_space<semaphore_mem>>)
    %dma_wait3A_592 = arith.constant 11 : i32
    %dma_wait3A_593 = arith.constant 5632 : i32
    %dma_wait3A_594 = tpu.memref_slice %arg5[%dma_wait3A_593] : memref<13312xi32, #tpu.memory_space<vmem>> -> memref<512xi32, #tpu.memory_space<vmem>>
    %dma_wait3A_595 = arith.constant 0 : i32
    %dma_wait3A_596 = tpu.memref_slice %arg3[%dma_wait3A_592, %dma_wait3A_595] : memref<26x16384xi32, #tpu.memory_space<hbm>> -> memref<1x16384xi32, #tpu.memory_space<hbm>>
    %dma_wait3A_597 = tpu.memref_squeeze %dma_wait3A_596 : memref<1x16384xi32, #tpu.memory_space<hbm>> -> memref<16384xi32, #tpu.memory_space<hbm>>
    %dma_wait3A_598 = tpu.memref_slice %dma_wait3A_597[%mul3A_2] : memref<16384xi32, #tpu.memory_space<hbm>> -> memref<512xi32, #tpu.memory_space<hbm>>
    %dma_wait3A_599 = arith.constant 5632 : i32
    %dma_wait3A_600 = tpu.memref_slice %arg5[%dma_wait3A_599] : memref<13312xi32, #tpu.memory_space<vmem>> -> memref<512xi32, #tpu.memory_space<vmem>>
    %dma_wait3A_601 = arith.constant 0 : i32
    %dma_wait3A_602 = tpu.memref_slice %arg3[%dma_wait3A_592, %dma_wait3A_601] : memref<26x16384xi32, #tpu.memory_space<hbm>> -> memref<1x16384xi32, #tpu.memory_space<hbm>>
    %dma_wait3A_603 = tpu.memref_squeeze %dma_wait3A_602 : memref<1x16384xi32, #tpu.memory_space<hbm>> -> memref<16384xi32, #tpu.memory_space<hbm>>
    %dma_wait3A_604 = tpu.memref_slice %dma_wait3A_603[%mul3A_2] : memref<16384xi32, #tpu.memory_space<hbm>> -> memref<512xi32, #tpu.memory_space<hbm>>
    tpu.wait_dma2 semaphore(%arg8 : memref<!tpu.dma_semaphore, #tpu.memory_space<semaphore_mem>>) src(%dma_wait3A_604 : memref<512xi32, #tpu.memory_space<hbm>>) dst(%dma_wait3A_600 : memref<512xi32, #tpu.memory_space<vmem>>)
    %dma_start3A_605 = arith.constant 0 : i32
    %dma_start3A_606 = arith.constant 5632 : i32
    %dma_start3A_607 = tpu.memref_slice %arg6[%dma_start3A_606] : memref<13312xf32, #tpu.memory_space<vmem>> -> memref<512xf32, #tpu.memory_space<vmem>>
    %dma_start3A_608 = arith.constant 5632 : i32
    %dma_start3A_609 = tpu.memref_slice %arg5[%dma_start3A_608] : memref<13312xi32, #tpu.memory_space<vmem>> -> memref<512xi32, #tpu.memory_space<vmem>>
    %dma_start3A_610 = arith.constant 0 : i32
    %dma_start3A_611 = tpu.memref_slice %arg2[%dma_start3A_605, %dma_start3A_610] : memref<1x1000000xf32, #tpu.memory_space<hbm>> -> memref<1x1000000xf32, #tpu.memory_space<hbm>>
    %dma_start3A_612 = tpu.memref_squeeze %dma_start3A_611 : memref<1x1000000xf32, #tpu.memory_space<hbm>> -> memref<1000000xf32, #tpu.memory_space<hbm>>
    %dma_start3A_613 = arith.constant 0 : i32
    %dma_start3A_614 = tpu.memref_slice %dma_start3A_612[%dma_start3A_613] : memref<1000000xf32, #tpu.memory_space<hbm>> -> memref<1000000xf32, #tpu.memory_space<hbm>>
    tpu.enqueue_indirect_dma source(%dma_start3A_614 : memref<1000000xf32, #tpu.memory_space<hbm>>) target(%dma_start3A_607 : memref<512xf32, #tpu.memory_space<vmem>>) offsets(%dma_start3A_609 : memref<512xi32, #tpu.memory_space<vmem>>) semaphore(%arg9 : memref<!tpu.dma_semaphore, #tpu.memory_space<semaphore_mem>>)
    %dma_wait3A_615 = arith.constant 12 : i32
    %dma_wait3A_616 = arith.constant 6144 : i32
    %dma_wait3A_617 = tpu.memref_slice %arg5[%dma_wait3A_616] : memref<13312xi32, #tpu.memory_space<vmem>> -> memref<512xi32, #tpu.memory_space<vmem>>
    %dma_wait3A_618 = arith.constant 0 : i32
    %dma_wait3A_619 = tpu.memref_slice %arg3[%dma_wait3A_615, %dma_wait3A_618] : memref<26x16384xi32, #tpu.memory_space<hbm>> -> memref<1x16384xi32, #tpu.memory_space<hbm>>
    %dma_wait3A_620 = tpu.memref_squeeze %dma_wait3A_619 : memref<1x16384xi32, #tpu.memory_space<hbm>> -> memref<16384xi32, #tpu.memory_space<hbm>>
    %dma_wait3A_621 = tpu.memref_slice %dma_wait3A_620[%mul3A_2] : memref<16384xi32, #tpu.memory_space<hbm>> -> memref<512xi32, #tpu.memory_space<hbm>>
    %dma_wait3A_622 = arith.constant 6144 : i32
    %dma_wait3A_623 = tpu.memref_slice %arg5[%dma_wait3A_622] : memref<13312xi32, #tpu.memory_space<vmem>> -> memref<512xi32, #tpu.memory_space<vmem>>
    %dma_wait3A_624 = arith.constant 0 : i32
    %dma_wait3A_625 = tpu.memref_slice %arg3[%dma_wait3A_615, %dma_wait3A_624] : memref<26x16384xi32, #tpu.memory_space<hbm>> -> memref<1x16384xi32, #tpu.memory_space<hbm>>
    %dma_wait3A_626 = tpu.memref_squeeze %dma_wait3A_625 : memref<1x16384xi32, #tpu.memory_space<hbm>> -> memref<16384xi32, #tpu.memory_space<hbm>>
    %dma_wait3A_627 = tpu.memref_slice %dma_wait3A_626[%mul3A_2] : memref<16384xi32, #tpu.memory_space<hbm>> -> memref<512xi32, #tpu.memory_space<hbm>>
    tpu.wait_dma2 semaphore(%arg8 : memref<!tpu.dma_semaphore, #tpu.memory_space<semaphore_mem>>) src(%dma_wait3A_627 : memref<512xi32, #tpu.memory_space<hbm>>) dst(%dma_wait3A_623 : memref<512xi32, #tpu.memory_space<vmem>>)
    %dma_start3A_628 = arith.constant 0 : i32
    %dma_start3A_629 = arith.constant 6144 : i32
    %dma_start3A_630 = tpu.memref_slice %arg6[%dma_start3A_629] : memref<13312xf32, #tpu.memory_space<vmem>> -> memref<512xf32, #tpu.memory_space<vmem>>
    %dma_start3A_631 = arith.constant 6144 : i32
    %dma_start3A_632 = tpu.memref_slice %arg5[%dma_start3A_631] : memref<13312xi32, #tpu.memory_space<vmem>> -> memref<512xi32, #tpu.memory_space<vmem>>
    %dma_start3A_633 = arith.constant 0 : i32
    %dma_start3A_634 = tpu.memref_slice %arg2[%dma_start3A_628, %dma_start3A_633] : memref<1x1000000xf32, #tpu.memory_space<hbm>> -> memref<1x1000000xf32, #tpu.memory_space<hbm>>
    %dma_start3A_635 = tpu.memref_squeeze %dma_start3A_634 : memref<1x1000000xf32, #tpu.memory_space<hbm>> -> memref<1000000xf32, #tpu.memory_space<hbm>>
    %dma_start3A_636 = arith.constant 0 : i32
    %dma_start3A_637 = tpu.memref_slice %dma_start3A_635[%dma_start3A_636] : memref<1000000xf32, #tpu.memory_space<hbm>> -> memref<1000000xf32, #tpu.memory_space<hbm>>
    tpu.enqueue_indirect_dma source(%dma_start3A_637 : memref<1000000xf32, #tpu.memory_space<hbm>>) target(%dma_start3A_630 : memref<512xf32, #tpu.memory_space<vmem>>) offsets(%dma_start3A_632 : memref<512xi32, #tpu.memory_space<vmem>>) semaphore(%arg9 : memref<!tpu.dma_semaphore, #tpu.memory_space<semaphore_mem>>)
    %dma_wait3A_638 = arith.constant 13 : i32
    %dma_wait3A_639 = arith.constant 6656 : i32
    %dma_wait3A_640 = tpu.memref_slice %arg5[%dma_wait3A_639] : memref<13312xi32, #tpu.memory_space<vmem>> -> memref<512xi32, #tpu.memory_space<vmem>>
    %dma_wait3A_641 = arith.constant 0 : i32
    %dma_wait3A_642 = tpu.memref_slice %arg3[%dma_wait3A_638, %dma_wait3A_641] : memref<26x16384xi32, #tpu.memory_space<hbm>> -> memref<1x16384xi32, #tpu.memory_space<hbm>>
    %dma_wait3A_643 = tpu.memref_squeeze %dma_wait3A_642 : memref<1x16384xi32, #tpu.memory_space<hbm>> -> memref<16384xi32, #tpu.memory_space<hbm>>
    %dma_wait3A_644 = tpu.memref_slice %dma_wait3A_643[%mul3A_2] : memref<16384xi32, #tpu.memory_space<hbm>> -> memref<512xi32, #tpu.memory_space<hbm>>
    %dma_wait3A_645 = arith.constant 6656 : i32
    %dma_wait3A_646 = tpu.memref_slice %arg5[%dma_wait3A_645] : memref<13312xi32, #tpu.memory_space<vmem>> -> memref<512xi32, #tpu.memory_space<vmem>>
    %dma_wait3A_647 = arith.constant 0 : i32
    %dma_wait3A_648 = tpu.memref_slice %arg3[%dma_wait3A_638, %dma_wait3A_647] : memref<26x16384xi32, #tpu.memory_space<hbm>> -> memref<1x16384xi32, #tpu.memory_space<hbm>>
    %dma_wait3A_649 = tpu.memref_squeeze %dma_wait3A_648 : memref<1x16384xi32, #tpu.memory_space<hbm>> -> memref<16384xi32, #tpu.memory_space<hbm>>
    %dma_wait3A_650 = tpu.memref_slice %dma_wait3A_649[%mul3A_2] : memref<16384xi32, #tpu.memory_space<hbm>> -> memref<512xi32, #tpu.memory_space<hbm>>
    tpu.wait_dma2 semaphore(%arg8 : memref<!tpu.dma_semaphore, #tpu.memory_space<semaphore_mem>>) src(%dma_wait3A_650 : memref<512xi32, #tpu.memory_space<hbm>>) dst(%dma_wait3A_646 : memref<512xi32, #tpu.memory_space<vmem>>)
    %dma_start3A_651 = arith.constant 0 : i32
    %dma_start3A_652 = arith.constant 6656 : i32
    %dma_start3A_653 = tpu.memref_slice %arg6[%dma_start3A_652] : memref<13312xf32, #tpu.memory_space<vmem>> -> memref<512xf32, #tpu.memory_space<vmem>>
    %dma_start3A_654 = arith.constant 6656 : i32
    %dma_start3A_655 = tpu.memref_slice %arg5[%dma_start3A_654] : memref<13312xi32, #tpu.memory_space<vmem>> -> memref<512xi32, #tpu.memory_space<vmem>>
    %dma_start3A_656 = arith.constant 0 : i32
    %dma_start3A_657 = tpu.memref_slice %arg2[%dma_start3A_651, %dma_start3A_656] : memref<1x1000000xf32, #tpu.memory_space<hbm>> -> memref<1x1000000xf32, #tpu.memory_space<hbm>>
    %dma_start3A_658 = tpu.memref_squeeze %dma_start3A_657 : memref<1x1000000xf32, #tpu.memory_space<hbm>> -> memref<1000000xf32, #tpu.memory_space<hbm>>
    %dma_start3A_659 = arith.constant 0 : i32
    %dma_start3A_660 = tpu.memref_slice %dma_start3A_658[%dma_start3A_659] : memref<1000000xf32, #tpu.memory_space<hbm>> -> memref<1000000xf32, #tpu.memory_space<hbm>>
    tpu.enqueue_indirect_dma source(%dma_start3A_660 : memref<1000000xf32, #tpu.memory_space<hbm>>) target(%dma_start3A_653 : memref<512xf32, #tpu.memory_space<vmem>>) offsets(%dma_start3A_655 : memref<512xi32, #tpu.memory_space<vmem>>) semaphore(%arg9 : memref<!tpu.dma_semaphore, #tpu.memory_space<semaphore_mem>>)
    %dma_wait3A_661 = arith.constant 14 : i32
    %dma_wait3A_662 = arith.constant 7168 : i32
    %dma_wait3A_663 = tpu.memref_slice %arg5[%dma_wait3A_662] : memref<13312xi32, #tpu.memory_space<vmem>> -> memref<512xi32, #tpu.memory_space<vmem>>
    %dma_wait3A_664 = arith.constant 0 : i32
    %dma_wait3A_665 = tpu.memref_slice %arg3[%dma_wait3A_661, %dma_wait3A_664] : memref<26x16384xi32, #tpu.memory_space<hbm>> -> memref<1x16384xi32, #tpu.memory_space<hbm>>
    %dma_wait3A_666 = tpu.memref_squeeze %dma_wait3A_665 : memref<1x16384xi32, #tpu.memory_space<hbm>> -> memref<16384xi32, #tpu.memory_space<hbm>>
    %dma_wait3A_667 = tpu.memref_slice %dma_wait3A_666[%mul3A_2] : memref<16384xi32, #tpu.memory_space<hbm>> -> memref<512xi32, #tpu.memory_space<hbm>>
    %dma_wait3A_668 = arith.constant 7168 : i32
    %dma_wait3A_669 = tpu.memref_slice %arg5[%dma_wait3A_668] : memref<13312xi32, #tpu.memory_space<vmem>> -> memref<512xi32, #tpu.memory_space<vmem>>
    %dma_wait3A_670 = arith.constant 0 : i32
    %dma_wait3A_671 = tpu.memref_slice %arg3[%dma_wait3A_661, %dma_wait3A_670] : memref<26x16384xi32, #tpu.memory_space<hbm>> -> memref<1x16384xi32, #tpu.memory_space<hbm>>
    %dma_wait3A_672 = tpu.memref_squeeze %dma_wait3A_671 : memref<1x16384xi32, #tpu.memory_space<hbm>> -> memref<16384xi32, #tpu.memory_space<hbm>>
    %dma_wait3A_673 = tpu.memref_slice %dma_wait3A_672[%mul3A_2] : memref<16384xi32, #tpu.memory_space<hbm>> -> memref<512xi32, #tpu.memory_space<hbm>>
    tpu.wait_dma2 semaphore(%arg8 : memref<!tpu.dma_semaphore, #tpu.memory_space<semaphore_mem>>) src(%dma_wait3A_673 : memref<512xi32, #tpu.memory_space<hbm>>) dst(%dma_wait3A_669 : memref<512xi32, #tpu.memory_space<vmem>>)
    %dma_start3A_674 = arith.constant 0 : i32
    %dma_start3A_675 = arith.constant 7168 : i32
    %dma_start3A_676 = tpu.memref_slice %arg6[%dma_start3A_675] : memref<13312xf32, #tpu.memory_space<vmem>> -> memref<512xf32, #tpu.memory_space<vmem>>
    %dma_start3A_677 = arith.constant 7168 : i32
    %dma_start3A_678 = tpu.memref_slice %arg5[%dma_start3A_677] : memref<13312xi32, #tpu.memory_space<vmem>> -> memref<512xi32, #tpu.memory_space<vmem>>
    %dma_start3A_679 = arith.constant 0 : i32
    %dma_start3A_680 = tpu.memref_slice %arg2[%dma_start3A_674, %dma_start3A_679] : memref<1x1000000xf32, #tpu.memory_space<hbm>> -> memref<1x1000000xf32, #tpu.memory_space<hbm>>
    %dma_start3A_681 = tpu.memref_squeeze %dma_start3A_680 : memref<1x1000000xf32, #tpu.memory_space<hbm>> -> memref<1000000xf32, #tpu.memory_space<hbm>>
    %dma_start3A_682 = arith.constant 0 : i32
    %dma_start3A_683 = tpu.memref_slice %dma_start3A_681[%dma_start3A_682] : memref<1000000xf32, #tpu.memory_space<hbm>> -> memref<1000000xf32, #tpu.memory_space<hbm>>
    tpu.enqueue_indirect_dma source(%dma_start3A_683 : memref<1000000xf32, #tpu.memory_space<hbm>>) target(%dma_start3A_676 : memref<512xf32, #tpu.memory_space<vmem>>) offsets(%dma_start3A_678 : memref<512xi32, #tpu.memory_space<vmem>>) semaphore(%arg9 : memref<!tpu.dma_semaphore, #tpu.memory_space<semaphore_mem>>)
    %dma_wait3A_684 = arith.constant 15 : i32
    %dma_wait3A_685 = arith.constant 7680 : i32
    %dma_wait3A_686 = tpu.memref_slice %arg5[%dma_wait3A_685] : memref<13312xi32, #tpu.memory_space<vmem>> -> memref<512xi32, #tpu.memory_space<vmem>>
    %dma_wait3A_687 = arith.constant 0 : i32
    %dma_wait3A_688 = tpu.memref_slice %arg3[%dma_wait3A_684, %dma_wait3A_687] : memref<26x16384xi32, #tpu.memory_space<hbm>> -> memref<1x16384xi32, #tpu.memory_space<hbm>>
    %dma_wait3A_689 = tpu.memref_squeeze %dma_wait3A_688 : memref<1x16384xi32, #tpu.memory_space<hbm>> -> memref<16384xi32, #tpu.memory_space<hbm>>
    %dma_wait3A_690 = tpu.memref_slice %dma_wait3A_689[%mul3A_2] : memref<16384xi32, #tpu.memory_space<hbm>> -> memref<512xi32, #tpu.memory_space<hbm>>
    %dma_wait3A_691 = arith.constant 7680 : i32
    %dma_wait3A_692 = tpu.memref_slice %arg5[%dma_wait3A_691] : memref<13312xi32, #tpu.memory_space<vmem>> -> memref<512xi32, #tpu.memory_space<vmem>>
    %dma_wait3A_693 = arith.constant 0 : i32
    %dma_wait3A_694 = tpu.memref_slice %arg3[%dma_wait3A_684, %dma_wait3A_693] : memref<26x16384xi32, #tpu.memory_space<hbm>> -> memref<1x16384xi32, #tpu.memory_space<hbm>>
    %dma_wait3A_695 = tpu.memref_squeeze %dma_wait3A_694 : memref<1x16384xi32, #tpu.memory_space<hbm>> -> memref<16384xi32, #tpu.memory_space<hbm>>
    %dma_wait3A_696 = tpu.memref_slice %dma_wait3A_695[%mul3A_2] : memref<16384xi32, #tpu.memory_space<hbm>> -> memref<512xi32, #tpu.memory_space<hbm>>
    tpu.wait_dma2 semaphore(%arg8 : memref<!tpu.dma_semaphore, #tpu.memory_space<semaphore_mem>>) src(%dma_wait3A_696 : memref<512xi32, #tpu.memory_space<hbm>>) dst(%dma_wait3A_692 : memref<512xi32, #tpu.memory_space<vmem>>)
    %dma_start3A_697 = arith.constant 0 : i32
    %dma_start3A_698 = arith.constant 7680 : i32
    %dma_start3A_699 = tpu.memref_slice %arg6[%dma_start3A_698] : memref<13312xf32, #tpu.memory_space<vmem>> -> memref<512xf32, #tpu.memory_space<vmem>>
    %dma_start3A_700 = arith.constant 7680 : i32
    %dma_start3A_701 = tpu.memref_slice %arg5[%dma_start3A_700] : memref<13312xi32, #tpu.memory_space<vmem>> -> memref<512xi32, #tpu.memory_space<vmem>>
    %dma_start3A_702 = arith.constant 0 : i32
    %dma_start3A_703 = tpu.memref_slice %arg2[%dma_start3A_697, %dma_start3A_702] : memref<1x1000000xf32, #tpu.memory_space<hbm>> -> memref<1x1000000xf32, #tpu.memory_space<hbm>>
    %dma_start3A_704 = tpu.memref_squeeze %dma_start3A_703 : memref<1x1000000xf32, #tpu.memory_space<hbm>> -> memref<1000000xf32, #tpu.memory_space<hbm>>
    %dma_start3A_705 = arith.constant 0 : i32
    %dma_start3A_706 = tpu.memref_slice %dma_start3A_704[%dma_start3A_705] : memref<1000000xf32, #tpu.memory_space<hbm>> -> memref<1000000xf32, #tpu.memory_space<hbm>>
    tpu.enqueue_indirect_dma source(%dma_start3A_706 : memref<1000000xf32, #tpu.memory_space<hbm>>) target(%dma_start3A_699 : memref<512xf32, #tpu.memory_space<vmem>>) offsets(%dma_start3A_701 : memref<512xi32, #tpu.memory_space<vmem>>) semaphore(%arg9 : memref<!tpu.dma_semaphore, #tpu.memory_space<semaphore_mem>>)
    %dma_wait3A_707 = arith.constant 16 : i32
    %dma_wait3A_708 = arith.constant 8192 : i32
    %dma_wait3A_709 = tpu.memref_slice %arg5[%dma_wait3A_708] : memref<13312xi32, #tpu.memory_space<vmem>> -> memref<512xi32, #tpu.memory_space<vmem>>
    %dma_wait3A_710 = arith.constant 0 : i32
    %dma_wait3A_711 = tpu.memref_slice %arg3[%dma_wait3A_707, %dma_wait3A_710] : memref<26x16384xi32, #tpu.memory_space<hbm>> -> memref<1x16384xi32, #tpu.memory_space<hbm>>
    %dma_wait3A_712 = tpu.memref_squeeze %dma_wait3A_711 : memref<1x16384xi32, #tpu.memory_space<hbm>> -> memref<16384xi32, #tpu.memory_space<hbm>>
    %dma_wait3A_713 = tpu.memref_slice %dma_wait3A_712[%mul3A_2] : memref<16384xi32, #tpu.memory_space<hbm>> -> memref<512xi32, #tpu.memory_space<hbm>>
    %dma_wait3A_714 = arith.constant 8192 : i32
    %dma_wait3A_715 = tpu.memref_slice %arg5[%dma_wait3A_714] : memref<13312xi32, #tpu.memory_space<vmem>> -> memref<512xi32, #tpu.memory_space<vmem>>
    %dma_wait3A_716 = arith.constant 0 : i32
    %dma_wait3A_717 = tpu.memref_slice %arg3[%dma_wait3A_707, %dma_wait3A_716] : memref<26x16384xi32, #tpu.memory_space<hbm>> -> memref<1x16384xi32, #tpu.memory_space<hbm>>
    %dma_wait3A_718 = tpu.memref_squeeze %dma_wait3A_717 : memref<1x16384xi32, #tpu.memory_space<hbm>> -> memref<16384xi32, #tpu.memory_space<hbm>>
    %dma_wait3A_719 = tpu.memref_slice %dma_wait3A_718[%mul3A_2] : memref<16384xi32, #tpu.memory_space<hbm>> -> memref<512xi32, #tpu.memory_space<hbm>>
    tpu.wait_dma2 semaphore(%arg8 : memref<!tpu.dma_semaphore, #tpu.memory_space<semaphore_mem>>) src(%dma_wait3A_719 : memref<512xi32, #tpu.memory_space<hbm>>) dst(%dma_wait3A_715 : memref<512xi32, #tpu.memory_space<vmem>>)
    %dma_start3A_720 = arith.constant 0 : i32
    %dma_start3A_721 = arith.constant 8192 : i32
    %dma_start3A_722 = tpu.memref_slice %arg6[%dma_start3A_721] : memref<13312xf32, #tpu.memory_space<vmem>> -> memref<512xf32, #tpu.memory_space<vmem>>
    %dma_start3A_723 = arith.constant 8192 : i32
    %dma_start3A_724 = tpu.memref_slice %arg5[%dma_start3A_723] : memref<13312xi32, #tpu.memory_space<vmem>> -> memref<512xi32, #tpu.memory_space<vmem>>
    %dma_start3A_725 = arith.constant 0 : i32
    %dma_start3A_726 = tpu.memref_slice %arg2[%dma_start3A_720, %dma_start3A_725] : memref<1x1000000xf32, #tpu.memory_space<hbm>> -> memref<1x1000000xf32, #tpu.memory_space<hbm>>
    %dma_start3A_727 = tpu.memref_squeeze %dma_start3A_726 : memref<1x1000000xf32, #tpu.memory_space<hbm>> -> memref<1000000xf32, #tpu.memory_space<hbm>>
    %dma_start3A_728 = arith.constant 0 : i32
    %dma_start3A_729 = tpu.memref_slice %dma_start3A_727[%dma_start3A_728] : memref<1000000xf32, #tpu.memory_space<hbm>> -> memref<1000000xf32, #tpu.memory_space<hbm>>
    tpu.enqueue_indirect_dma source(%dma_start3A_729 : memref<1000000xf32, #tpu.memory_space<hbm>>) target(%dma_start3A_722 : memref<512xf32, #tpu.memory_space<vmem>>) offsets(%dma_start3A_724 : memref<512xi32, #tpu.memory_space<vmem>>) semaphore(%arg9 : memref<!tpu.dma_semaphore, #tpu.memory_space<semaphore_mem>>)
    %dma_wait3A_730 = arith.constant 17 : i32
    %dma_wait3A_731 = arith.constant 8704 : i32
    %dma_wait3A_732 = tpu.memref_slice %arg5[%dma_wait3A_731] : memref<13312xi32, #tpu.memory_space<vmem>> -> memref<512xi32, #tpu.memory_space<vmem>>
    %dma_wait3A_733 = arith.constant 0 : i32
    %dma_wait3A_734 = tpu.memref_slice %arg3[%dma_wait3A_730, %dma_wait3A_733] : memref<26x16384xi32, #tpu.memory_space<hbm>> -> memref<1x16384xi32, #tpu.memory_space<hbm>>
    %dma_wait3A_735 = tpu.memref_squeeze %dma_wait3A_734 : memref<1x16384xi32, #tpu.memory_space<hbm>> -> memref<16384xi32, #tpu.memory_space<hbm>>
    %dma_wait3A_736 = tpu.memref_slice %dma_wait3A_735[%mul3A_2] : memref<16384xi32, #tpu.memory_space<hbm>> -> memref<512xi32, #tpu.memory_space<hbm>>
    %dma_wait3A_737 = arith.constant 8704 : i32
    %dma_wait3A_738 = tpu.memref_slice %arg5[%dma_wait3A_737] : memref<13312xi32, #tpu.memory_space<vmem>> -> memref<512xi32, #tpu.memory_space<vmem>>
    %dma_wait3A_739 = arith.constant 0 : i32
    %dma_wait3A_740 = tpu.memref_slice %arg3[%dma_wait3A_730, %dma_wait3A_739] : memref<26x16384xi32, #tpu.memory_space<hbm>> -> memref<1x16384xi32, #tpu.memory_space<hbm>>
    %dma_wait3A_741 = tpu.memref_squeeze %dma_wait3A_740 : memref<1x16384xi32, #tpu.memory_space<hbm>> -> memref<16384xi32, #tpu.memory_space<hbm>>
    %dma_wait3A_742 = tpu.memref_slice %dma_wait3A_741[%mul3A_2] : memref<16384xi32, #tpu.memory_space<hbm>> -> memref<512xi32, #tpu.memory_space<hbm>>
    tpu.wait_dma2 semaphore(%arg8 : memref<!tpu.dma_semaphore, #tpu.memory_space<semaphore_mem>>) src(%dma_wait3A_742 : memref<512xi32, #tpu.memory_space<hbm>>) dst(%dma_wait3A_738 : memref<512xi32, #tpu.memory_space<vmem>>)
    %dma_start3A_743 = arith.constant 0 : i32
    %dma_start3A_744 = arith.constant 8704 : i32
    %dma_start3A_745 = tpu.memref_slice %arg6[%dma_start3A_744] : memref<13312xf32, #tpu.memory_space<vmem>> -> memref<512xf32, #tpu.memory_space<vmem>>
    %dma_start3A_746 = arith.constant 8704 : i32
    %dma_start3A_747 = tpu.memref_slice %arg5[%dma_start3A_746] : memref<13312xi32, #tpu.memory_space<vmem>> -> memref<512xi32, #tpu.memory_space<vmem>>
    %dma_start3A_748 = arith.constant 0 : i32
    %dma_start3A_749 = tpu.memref_slice %arg2[%dma_start3A_743, %dma_start3A_748] : memref<1x1000000xf32, #tpu.memory_space<hbm>> -> memref<1x1000000xf32, #tpu.memory_space<hbm>>
    %dma_start3A_750 = tpu.memref_squeeze %dma_start3A_749 : memref<1x1000000xf32, #tpu.memory_space<hbm>> -> memref<1000000xf32, #tpu.memory_space<hbm>>
    %dma_start3A_751 = arith.constant 0 : i32
    %dma_start3A_752 = tpu.memref_slice %dma_start3A_750[%dma_start3A_751] : memref<1000000xf32, #tpu.memory_space<hbm>> -> memref<1000000xf32, #tpu.memory_space<hbm>>
    tpu.enqueue_indirect_dma source(%dma_start3A_752 : memref<1000000xf32, #tpu.memory_space<hbm>>) target(%dma_start3A_745 : memref<512xf32, #tpu.memory_space<vmem>>) offsets(%dma_start3A_747 : memref<512xi32, #tpu.memory_space<vmem>>) semaphore(%arg9 : memref<!tpu.dma_semaphore, #tpu.memory_space<semaphore_mem>>)
    %dma_wait3A_753 = arith.constant 18 : i32
    %dma_wait3A_754 = arith.constant 9216 : i32
    %dma_wait3A_755 = tpu.memref_slice %arg5[%dma_wait3A_754] : memref<13312xi32, #tpu.memory_space<vmem>> -> memref<512xi32, #tpu.memory_space<vmem>>
    %dma_wait3A_756 = arith.constant 0 : i32
    %dma_wait3A_757 = tpu.memref_slice %arg3[%dma_wait3A_753, %dma_wait3A_756] : memref<26x16384xi32, #tpu.memory_space<hbm>> -> memref<1x16384xi32, #tpu.memory_space<hbm>>
    %dma_wait3A_758 = tpu.memref_squeeze %dma_wait3A_757 : memref<1x16384xi32, #tpu.memory_space<hbm>> -> memref<16384xi32, #tpu.memory_space<hbm>>
    %dma_wait3A_759 = tpu.memref_slice %dma_wait3A_758[%mul3A_2] : memref<16384xi32, #tpu.memory_space<hbm>> -> memref<512xi32, #tpu.memory_space<hbm>>
    %dma_wait3A_760 = arith.constant 9216 : i32
    %dma_wait3A_761 = tpu.memref_slice %arg5[%dma_wait3A_760] : memref<13312xi32, #tpu.memory_space<vmem>> -> memref<512xi32, #tpu.memory_space<vmem>>
    %dma_wait3A_762 = arith.constant 0 : i32
    %dma_wait3A_763 = tpu.memref_slice %arg3[%dma_wait3A_753, %dma_wait3A_762] : memref<26x16384xi32, #tpu.memory_space<hbm>> -> memref<1x16384xi32, #tpu.memory_space<hbm>>
    %dma_wait3A_764 = tpu.memref_squeeze %dma_wait3A_763 : memref<1x16384xi32, #tpu.memory_space<hbm>> -> memref<16384xi32, #tpu.memory_space<hbm>>
    %dma_wait3A_765 = tpu.memref_slice %dma_wait3A_764[%mul3A_2] : memref<16384xi32, #tpu.memory_space<hbm>> -> memref<512xi32, #tpu.memory_space<hbm>>
    tpu.wait_dma2 semaphore(%arg8 : memref<!tpu.dma_semaphore, #tpu.memory_space<semaphore_mem>>) src(%dma_wait3A_765 : memref<512xi32, #tpu.memory_space<hbm>>) dst(%dma_wait3A_761 : memref<512xi32, #tpu.memory_space<vmem>>)
    %dma_start3A_766 = arith.constant 0 : i32
    %dma_start3A_767 = arith.constant 9216 : i32
    %dma_start3A_768 = tpu.memref_slice %arg6[%dma_start3A_767] : memref<13312xf32, #tpu.memory_space<vmem>> -> memref<512xf32, #tpu.memory_space<vmem>>
    %dma_start3A_769 = arith.constant 9216 : i32
    %dma_start3A_770 = tpu.memref_slice %arg5[%dma_start3A_769] : memref<13312xi32, #tpu.memory_space<vmem>> -> memref<512xi32, #tpu.memory_space<vmem>>
    %dma_start3A_771 = arith.constant 0 : i32
    %dma_start3A_772 = tpu.memref_slice %arg2[%dma_start3A_766, %dma_start3A_771] : memref<1x1000000xf32, #tpu.memory_space<hbm>> -> memref<1x1000000xf32, #tpu.memory_space<hbm>>
    %dma_start3A_773 = tpu.memref_squeeze %dma_start3A_772 : memref<1x1000000xf32, #tpu.memory_space<hbm>> -> memref<1000000xf32, #tpu.memory_space<hbm>>
    %dma_start3A_774 = arith.constant 0 : i32
    %dma_start3A_775 = tpu.memref_slice %dma_start3A_773[%dma_start3A_774] : memref<1000000xf32, #tpu.memory_space<hbm>> -> memref<1000000xf32, #tpu.memory_space<hbm>>
    tpu.enqueue_indirect_dma source(%dma_start3A_775 : memref<1000000xf32, #tpu.memory_space<hbm>>) target(%dma_start3A_768 : memref<512xf32, #tpu.memory_space<vmem>>) offsets(%dma_start3A_770 : memref<512xi32, #tpu.memory_space<vmem>>) semaphore(%arg9 : memref<!tpu.dma_semaphore, #tpu.memory_space<semaphore_mem>>)
    %dma_wait3A_776 = arith.constant 19 : i32
    %dma_wait3A_777 = arith.constant 9728 : i32
    %dma_wait3A_778 = tpu.memref_slice %arg5[%dma_wait3A_777] : memref<13312xi32, #tpu.memory_space<vmem>> -> memref<512xi32, #tpu.memory_space<vmem>>
    %dma_wait3A_779 = arith.constant 0 : i32
    %dma_wait3A_780 = tpu.memref_slice %arg3[%dma_wait3A_776, %dma_wait3A_779] : memref<26x16384xi32, #tpu.memory_space<hbm>> -> memref<1x16384xi32, #tpu.memory_space<hbm>>
    %dma_wait3A_781 = tpu.memref_squeeze %dma_wait3A_780 : memref<1x16384xi32, #tpu.memory_space<hbm>> -> memref<16384xi32, #tpu.memory_space<hbm>>
    %dma_wait3A_782 = tpu.memref_slice %dma_wait3A_781[%mul3A_2] : memref<16384xi32, #tpu.memory_space<hbm>> -> memref<512xi32, #tpu.memory_space<hbm>>
    %dma_wait3A_783 = arith.constant 9728 : i32
    %dma_wait3A_784 = tpu.memref_slice %arg5[%dma_wait3A_783] : memref<13312xi32, #tpu.memory_space<vmem>> -> memref<512xi32, #tpu.memory_space<vmem>>
    %dma_wait3A_785 = arith.constant 0 : i32
    %dma_wait3A_786 = tpu.memref_slice %arg3[%dma_wait3A_776, %dma_wait3A_785] : memref<26x16384xi32, #tpu.memory_space<hbm>> -> memref<1x16384xi32, #tpu.memory_space<hbm>>
    %dma_wait3A_787 = tpu.memref_squeeze %dma_wait3A_786 : memref<1x16384xi32, #tpu.memory_space<hbm>> -> memref<16384xi32, #tpu.memory_space<hbm>>
    %dma_wait3A_788 = tpu.memref_slice %dma_wait3A_787[%mul3A_2] : memref<16384xi32, #tpu.memory_space<hbm>> -> memref<512xi32, #tpu.memory_space<hbm>>
    tpu.wait_dma2 semaphore(%arg8 : memref<!tpu.dma_semaphore, #tpu.memory_space<semaphore_mem>>) src(%dma_wait3A_788 : memref<512xi32, #tpu.memory_space<hbm>>) dst(%dma_wait3A_784 : memref<512xi32, #tpu.memory_space<vmem>>)
    %dma_start3A_789 = arith.constant 0 : i32
    %dma_start3A_790 = arith.constant 9728 : i32
    %dma_start3A_791 = tpu.memref_slice %arg6[%dma_start3A_790] : memref<13312xf32, #tpu.memory_space<vmem>> -> memref<512xf32, #tpu.memory_space<vmem>>
    %dma_start3A_792 = arith.constant 9728 : i32
    %dma_start3A_793 = tpu.memref_slice %arg5[%dma_start3A_792] : memref<13312xi32, #tpu.memory_space<vmem>> -> memref<512xi32, #tpu.memory_space<vmem>>
    %dma_start3A_794 = arith.constant 0 : i32
    %dma_start3A_795 = tpu.memref_slice %arg2[%dma_start3A_789, %dma_start3A_794] : memref<1x1000000xf32, #tpu.memory_space<hbm>> -> memref<1x1000000xf32, #tpu.memory_space<hbm>>
    %dma_start3A_796 = tpu.memref_squeeze %dma_start3A_795 : memref<1x1000000xf32, #tpu.memory_space<hbm>> -> memref<1000000xf32, #tpu.memory_space<hbm>>
    %dma_start3A_797 = arith.constant 0 : i32
    %dma_start3A_798 = tpu.memref_slice %dma_start3A_796[%dma_start3A_797] : memref<1000000xf32, #tpu.memory_space<hbm>> -> memref<1000000xf32, #tpu.memory_space<hbm>>
    tpu.enqueue_indirect_dma source(%dma_start3A_798 : memref<1000000xf32, #tpu.memory_space<hbm>>) target(%dma_start3A_791 : memref<512xf32, #tpu.memory_space<vmem>>) offsets(%dma_start3A_793 : memref<512xi32, #tpu.memory_space<vmem>>) semaphore(%arg9 : memref<!tpu.dma_semaphore, #tpu.memory_space<semaphore_mem>>)
    %dma_wait3A_799 = arith.constant 20 : i32
    %dma_wait3A_800 = arith.constant 10240 : i32
    %dma_wait3A_801 = tpu.memref_slice %arg5[%dma_wait3A_800] : memref<13312xi32, #tpu.memory_space<vmem>> -> memref<512xi32, #tpu.memory_space<vmem>>
    %dma_wait3A_802 = arith.constant 0 : i32
    %dma_wait3A_803 = tpu.memref_slice %arg3[%dma_wait3A_799, %dma_wait3A_802] : memref<26x16384xi32, #tpu.memory_space<hbm>> -> memref<1x16384xi32, #tpu.memory_space<hbm>>
    %dma_wait3A_804 = tpu.memref_squeeze %dma_wait3A_803 : memref<1x16384xi32, #tpu.memory_space<hbm>> -> memref<16384xi32, #tpu.memory_space<hbm>>
    %dma_wait3A_805 = tpu.memref_slice %dma_wait3A_804[%mul3A_2] : memref<16384xi32, #tpu.memory_space<hbm>> -> memref<512xi32, #tpu.memory_space<hbm>>
    %dma_wait3A_806 = arith.constant 10240 : i32
    %dma_wait3A_807 = tpu.memref_slice %arg5[%dma_wait3A_806] : memref<13312xi32, #tpu.memory_space<vmem>> -> memref<512xi32, #tpu.memory_space<vmem>>
    %dma_wait3A_808 = arith.constant 0 : i32
    %dma_wait3A_809 = tpu.memref_slice %arg3[%dma_wait3A_799, %dma_wait3A_808] : memref<26x16384xi32, #tpu.memory_space<hbm>> -> memref<1x16384xi32, #tpu.memory_space<hbm>>
    %dma_wait3A_810 = tpu.memref_squeeze %dma_wait3A_809 : memref<1x16384xi32, #tpu.memory_space<hbm>> -> memref<16384xi32, #tpu.memory_space<hbm>>
    %dma_wait3A_811 = tpu.memref_slice %dma_wait3A_810[%mul3A_2] : memref<16384xi32, #tpu.memory_space<hbm>> -> memref<512xi32, #tpu.memory_space<hbm>>
    tpu.wait_dma2 semaphore(%arg8 : memref<!tpu.dma_semaphore, #tpu.memory_space<semaphore_mem>>) src(%dma_wait3A_811 : memref<512xi32, #tpu.memory_space<hbm>>) dst(%dma_wait3A_807 : memref<512xi32, #tpu.memory_space<vmem>>)
    %dma_start3A_812 = arith.constant 0 : i32
    %dma_start3A_813 = arith.constant 10240 : i32
    %dma_start3A_814 = tpu.memref_slice %arg6[%dma_start3A_813] : memref<13312xf32, #tpu.memory_space<vmem>> -> memref<512xf32, #tpu.memory_space<vmem>>
    %dma_start3A_815 = arith.constant 10240 : i32
    %dma_start3A_816 = tpu.memref_slice %arg5[%dma_start3A_815] : memref<13312xi32, #tpu.memory_space<vmem>> -> memref<512xi32, #tpu.memory_space<vmem>>
    %dma_start3A_817 = arith.constant 0 : i32
    %dma_start3A_818 = tpu.memref_slice %arg2[%dma_start3A_812, %dma_start3A_817] : memref<1x1000000xf32, #tpu.memory_space<hbm>> -> memref<1x1000000xf32, #tpu.memory_space<hbm>>
    %dma_start3A_819 = tpu.memref_squeeze %dma_start3A_818 : memref<1x1000000xf32, #tpu.memory_space<hbm>> -> memref<1000000xf32, #tpu.memory_space<hbm>>
    %dma_start3A_820 = arith.constant 0 : i32
    %dma_start3A_821 = tpu.memref_slice %dma_start3A_819[%dma_start3A_820] : memref<1000000xf32, #tpu.memory_space<hbm>> -> memref<1000000xf32, #tpu.memory_space<hbm>>
    tpu.enqueue_indirect_dma source(%dma_start3A_821 : memref<1000000xf32, #tpu.memory_space<hbm>>) target(%dma_start3A_814 : memref<512xf32, #tpu.memory_space<vmem>>) offsets(%dma_start3A_816 : memref<512xi32, #tpu.memory_space<vmem>>) semaphore(%arg9 : memref<!tpu.dma_semaphore, #tpu.memory_space<semaphore_mem>>)
    %dma_wait3A_822 = arith.constant 21 : i32
    %dma_wait3A_823 = arith.constant 10752 : i32
    %dma_wait3A_824 = tpu.memref_slice %arg5[%dma_wait3A_823] : memref<13312xi32, #tpu.memory_space<vmem>> -> memref<512xi32, #tpu.memory_space<vmem>>
    %dma_wait3A_825 = arith.constant 0 : i32
    %dma_wait3A_826 = tpu.memref_slice %arg3[%dma_wait3A_822, %dma_wait3A_825] : memref<26x16384xi32, #tpu.memory_space<hbm>> -> memref<1x16384xi32, #tpu.memory_space<hbm>>
    %dma_wait3A_827 = tpu.memref_squeeze %dma_wait3A_826 : memref<1x16384xi32, #tpu.memory_space<hbm>> -> memref<16384xi32, #tpu.memory_space<hbm>>
    %dma_wait3A_828 = tpu.memref_slice %dma_wait3A_827[%mul3A_2] : memref<16384xi32, #tpu.memory_space<hbm>> -> memref<512xi32, #tpu.memory_space<hbm>>
    %dma_wait3A_829 = arith.constant 10752 : i32
    %dma_wait3A_830 = tpu.memref_slice %arg5[%dma_wait3A_829] : memref<13312xi32, #tpu.memory_space<vmem>> -> memref<512xi32, #tpu.memory_space<vmem>>
    %dma_wait3A_831 = arith.constant 0 : i32
    %dma_wait3A_832 = tpu.memref_slice %arg3[%dma_wait3A_822, %dma_wait3A_831] : memref<26x16384xi32, #tpu.memory_space<hbm>> -> memref<1x16384xi32, #tpu.memory_space<hbm>>
    %dma_wait3A_833 = tpu.memref_squeeze %dma_wait3A_832 : memref<1x16384xi32, #tpu.memory_space<hbm>> -> memref<16384xi32, #tpu.memory_space<hbm>>
    %dma_wait3A_834 = tpu.memref_slice %dma_wait3A_833[%mul3A_2] : memref<16384xi32, #tpu.memory_space<hbm>> -> memref<512xi32, #tpu.memory_space<hbm>>
    tpu.wait_dma2 semaphore(%arg8 : memref<!tpu.dma_semaphore, #tpu.memory_space<semaphore_mem>>) src(%dma_wait3A_834 : memref<512xi32, #tpu.memory_space<hbm>>) dst(%dma_wait3A_830 : memref<512xi32, #tpu.memory_space<vmem>>)
    %dma_start3A_835 = arith.constant 0 : i32
    %dma_start3A_836 = arith.constant 10752 : i32
    %dma_start3A_837 = tpu.memref_slice %arg6[%dma_start3A_836] : memref<13312xf32, #tpu.memory_space<vmem>> -> memref<512xf32, #tpu.memory_space<vmem>>
    %dma_start3A_838 = arith.constant 10752 : i32
    %dma_start3A_839 = tpu.memref_slice %arg5[%dma_start3A_838] : memref<13312xi32, #tpu.memory_space<vmem>> -> memref<512xi32, #tpu.memory_space<vmem>>
    %dma_start3A_840 = arith.constant 0 : i32
    %dma_start3A_841 = tpu.memref_slice %arg2[%dma_start3A_835, %dma_start3A_840] : memref<1x1000000xf32, #tpu.memory_space<hbm>> -> memref<1x1000000xf32, #tpu.memory_space<hbm>>
    %dma_start3A_842 = tpu.memref_squeeze %dma_start3A_841 : memref<1x1000000xf32, #tpu.memory_space<hbm>> -> memref<1000000xf32, #tpu.memory_space<hbm>>
    %dma_start3A_843 = arith.constant 0 : i32
    %dma_start3A_844 = tpu.memref_slice %dma_start3A_842[%dma_start3A_843] : memref<1000000xf32, #tpu.memory_space<hbm>> -> memref<1000000xf32, #tpu.memory_space<hbm>>
    tpu.enqueue_indirect_dma source(%dma_start3A_844 : memref<1000000xf32, #tpu.memory_space<hbm>>) target(%dma_start3A_837 : memref<512xf32, #tpu.memory_space<vmem>>) offsets(%dma_start3A_839 : memref<512xi32, #tpu.memory_space<vmem>>) semaphore(%arg9 : memref<!tpu.dma_semaphore, #tpu.memory_space<semaphore_mem>>)
    %dma_wait3A_845 = arith.constant 22 : i32
    %dma_wait3A_846 = arith.constant 11264 : i32
    %dma_wait3A_847 = tpu.memref_slice %arg5[%dma_wait3A_846] : memref<13312xi32, #tpu.memory_space<vmem>> -> memref<512xi32, #tpu.memory_space<vmem>>
    %dma_wait3A_848 = arith.constant 0 : i32
    %dma_wait3A_849 = tpu.memref_slice %arg3[%dma_wait3A_845, %dma_wait3A_848] : memref<26x16384xi32, #tpu.memory_space<hbm>> -> memref<1x16384xi32, #tpu.memory_space<hbm>>
    %dma_wait3A_850 = tpu.memref_squeeze %dma_wait3A_849 : memref<1x16384xi32, #tpu.memory_space<hbm>> -> memref<16384xi32, #tpu.memory_space<hbm>>
    %dma_wait3A_851 = tpu.memref_slice %dma_wait3A_850[%mul3A_2] : memref<16384xi32, #tpu.memory_space<hbm>> -> memref<512xi32, #tpu.memory_space<hbm>>
    %dma_wait3A_852 = arith.constant 11264 : i32
    %dma_wait3A_853 = tpu.memref_slice %arg5[%dma_wait3A_852] : memref<13312xi32, #tpu.memory_space<vmem>> -> memref<512xi32, #tpu.memory_space<vmem>>
    %dma_wait3A_854 = arith.constant 0 : i32
    %dma_wait3A_855 = tpu.memref_slice %arg3[%dma_wait3A_845, %dma_wait3A_854] : memref<26x16384xi32, #tpu.memory_space<hbm>> -> memref<1x16384xi32, #tpu.memory_space<hbm>>
    %dma_wait3A_856 = tpu.memref_squeeze %dma_wait3A_855 : memref<1x16384xi32, #tpu.memory_space<hbm>> -> memref<16384xi32, #tpu.memory_space<hbm>>
    %dma_wait3A_857 = tpu.memref_slice %dma_wait3A_856[%mul3A_2] : memref<16384xi32, #tpu.memory_space<hbm>> -> memref<512xi32, #tpu.memory_space<hbm>>
    tpu.wait_dma2 semaphore(%arg8 : memref<!tpu.dma_semaphore, #tpu.memory_space<semaphore_mem>>) src(%dma_wait3A_857 : memref<512xi32, #tpu.memory_space<hbm>>) dst(%dma_wait3A_853 : memref<512xi32, #tpu.memory_space<vmem>>)
    %dma_start3A_858 = arith.constant 0 : i32
    %dma_start3A_859 = arith.constant 11264 : i32
    %dma_start3A_860 = tpu.memref_slice %arg6[%dma_start3A_859] : memref<13312xf32, #tpu.memory_space<vmem>> -> memref<512xf32, #tpu.memory_space<vmem>>
    %dma_start3A_861 = arith.constant 11264 : i32
    %dma_start3A_862 = tpu.memref_slice %arg5[%dma_start3A_861] : memref<13312xi32, #tpu.memory_space<vmem>> -> memref<512xi32, #tpu.memory_space<vmem>>
    %dma_start3A_863 = arith.constant 0 : i32
    %dma_start3A_864 = tpu.memref_slice %arg2[%dma_start3A_858, %dma_start3A_863] : memref<1x1000000xf32, #tpu.memory_space<hbm>> -> memref<1x1000000xf32, #tpu.memory_space<hbm>>
    %dma_start3A_865 = tpu.memref_squeeze %dma_start3A_864 : memref<1x1000000xf32, #tpu.memory_space<hbm>> -> memref<1000000xf32, #tpu.memory_space<hbm>>
    %dma_start3A_866 = arith.constant 0 : i32
    %dma_start3A_867 = tpu.memref_slice %dma_start3A_865[%dma_start3A_866] : memref<1000000xf32, #tpu.memory_space<hbm>> -> memref<1000000xf32, #tpu.memory_space<hbm>>
    tpu.enqueue_indirect_dma source(%dma_start3A_867 : memref<1000000xf32, #tpu.memory_space<hbm>>) target(%dma_start3A_860 : memref<512xf32, #tpu.memory_space<vmem>>) offsets(%dma_start3A_862 : memref<512xi32, #tpu.memory_space<vmem>>) semaphore(%arg9 : memref<!tpu.dma_semaphore, #tpu.memory_space<semaphore_mem>>)
    %dma_wait3A_868 = arith.constant 23 : i32
    %dma_wait3A_869 = arith.constant 11776 : i32
    %dma_wait3A_870 = tpu.memref_slice %arg5[%dma_wait3A_869] : memref<13312xi32, #tpu.memory_space<vmem>> -> memref<512xi32, #tpu.memory_space<vmem>>
    %dma_wait3A_871 = arith.constant 0 : i32
    %dma_wait3A_872 = tpu.memref_slice %arg3[%dma_wait3A_868, %dma_wait3A_871] : memref<26x16384xi32, #tpu.memory_space<hbm>> -> memref<1x16384xi32, #tpu.memory_space<hbm>>
    %dma_wait3A_873 = tpu.memref_squeeze %dma_wait3A_872 : memref<1x16384xi32, #tpu.memory_space<hbm>> -> memref<16384xi32, #tpu.memory_space<hbm>>
    %dma_wait3A_874 = tpu.memref_slice %dma_wait3A_873[%mul3A_2] : memref<16384xi32, #tpu.memory_space<hbm>> -> memref<512xi32, #tpu.memory_space<hbm>>
    %dma_wait3A_875 = arith.constant 11776 : i32
    %dma_wait3A_876 = tpu.memref_slice %arg5[%dma_wait3A_875] : memref<13312xi32, #tpu.memory_space<vmem>> -> memref<512xi32, #tpu.memory_space<vmem>>
    %dma_wait3A_877 = arith.constant 0 : i32
    %dma_wait3A_878 = tpu.memref_slice %arg3[%dma_wait3A_868, %dma_wait3A_877] : memref<26x16384xi32, #tpu.memory_space<hbm>> -> memref<1x16384xi32, #tpu.memory_space<hbm>>
    %dma_wait3A_879 = tpu.memref_squeeze %dma_wait3A_878 : memref<1x16384xi32, #tpu.memory_space<hbm>> -> memref<16384xi32, #tpu.memory_space<hbm>>
    %dma_wait3A_880 = tpu.memref_slice %dma_wait3A_879[%mul3A_2] : memref<16384xi32, #tpu.memory_space<hbm>> -> memref<512xi32, #tpu.memory_space<hbm>>
    tpu.wait_dma2 semaphore(%arg8 : memref<!tpu.dma_semaphore, #tpu.memory_space<semaphore_mem>>) src(%dma_wait3A_880 : memref<512xi32, #tpu.memory_space<hbm>>) dst(%dma_wait3A_876 : memref<512xi32, #tpu.memory_space<vmem>>)
    %dma_start3A_881 = arith.constant 0 : i32
    %dma_start3A_882 = arith.constant 11776 : i32
    %dma_start3A_883 = tpu.memref_slice %arg6[%dma_start3A_882] : memref<13312xf32, #tpu.memory_space<vmem>> -> memref<512xf32, #tpu.memory_space<vmem>>
    %dma_start3A_884 = arith.constant 11776 : i32
    %dma_start3A_885 = tpu.memref_slice %arg5[%dma_start3A_884] : memref<13312xi32, #tpu.memory_space<vmem>> -> memref<512xi32, #tpu.memory_space<vmem>>
    %dma_start3A_886 = arith.constant 0 : i32
    %dma_start3A_887 = tpu.memref_slice %arg2[%dma_start3A_881, %dma_start3A_886] : memref<1x1000000xf32, #tpu.memory_space<hbm>> -> memref<1x1000000xf32, #tpu.memory_space<hbm>>
    %dma_start3A_888 = tpu.memref_squeeze %dma_start3A_887 : memref<1x1000000xf32, #tpu.memory_space<hbm>> -> memref<1000000xf32, #tpu.memory_space<hbm>>
    %dma_start3A_889 = arith.constant 0 : i32
    %dma_start3A_890 = tpu.memref_slice %dma_start3A_888[%dma_start3A_889] : memref<1000000xf32, #tpu.memory_space<hbm>> -> memref<1000000xf32, #tpu.memory_space<hbm>>
    tpu.enqueue_indirect_dma source(%dma_start3A_890 : memref<1000000xf32, #tpu.memory_space<hbm>>) target(%dma_start3A_883 : memref<512xf32, #tpu.memory_space<vmem>>) offsets(%dma_start3A_885 : memref<512xi32, #tpu.memory_space<vmem>>) semaphore(%arg9 : memref<!tpu.dma_semaphore, #tpu.memory_space<semaphore_mem>>)
    %dma_wait3A_891 = arith.constant 24 : i32
    %dma_wait3A_892 = arith.constant 12288 : i32
    %dma_wait3A_893 = tpu.memref_slice %arg5[%dma_wait3A_892] : memref<13312xi32, #tpu.memory_space<vmem>> -> memref<512xi32, #tpu.memory_space<vmem>>
    %dma_wait3A_894 = arith.constant 0 : i32
    %dma_wait3A_895 = tpu.memref_slice %arg3[%dma_wait3A_891, %dma_wait3A_894] : memref<26x16384xi32, #tpu.memory_space<hbm>> -> memref<1x16384xi32, #tpu.memory_space<hbm>>
    %dma_wait3A_896 = tpu.memref_squeeze %dma_wait3A_895 : memref<1x16384xi32, #tpu.memory_space<hbm>> -> memref<16384xi32, #tpu.memory_space<hbm>>
    %dma_wait3A_897 = tpu.memref_slice %dma_wait3A_896[%mul3A_2] : memref<16384xi32, #tpu.memory_space<hbm>> -> memref<512xi32, #tpu.memory_space<hbm>>
    %dma_wait3A_898 = arith.constant 12288 : i32
    %dma_wait3A_899 = tpu.memref_slice %arg5[%dma_wait3A_898] : memref<13312xi32, #tpu.memory_space<vmem>> -> memref<512xi32, #tpu.memory_space<vmem>>
    %dma_wait3A_900 = arith.constant 0 : i32
    %dma_wait3A_901 = tpu.memref_slice %arg3[%dma_wait3A_891, %dma_wait3A_900] : memref<26x16384xi32, #tpu.memory_space<hbm>> -> memref<1x16384xi32, #tpu.memory_space<hbm>>
    %dma_wait3A_902 = tpu.memref_squeeze %dma_wait3A_901 : memref<1x16384xi32, #tpu.memory_space<hbm>> -> memref<16384xi32, #tpu.memory_space<hbm>>
    %dma_wait3A_903 = tpu.memref_slice %dma_wait3A_902[%mul3A_2] : memref<16384xi32, #tpu.memory_space<hbm>> -> memref<512xi32, #tpu.memory_space<hbm>>
    tpu.wait_dma2 semaphore(%arg8 : memref<!tpu.dma_semaphore, #tpu.memory_space<semaphore_mem>>) src(%dma_wait3A_903 : memref<512xi32, #tpu.memory_space<hbm>>) dst(%dma_wait3A_899 : memref<512xi32, #tpu.memory_space<vmem>>)
    %dma_start3A_904 = arith.constant 0 : i32
    %dma_start3A_905 = arith.constant 12288 : i32
    %dma_start3A_906 = tpu.memref_slice %arg6[%dma_start3A_905] : memref<13312xf32, #tpu.memory_space<vmem>> -> memref<512xf32, #tpu.memory_space<vmem>>
    %dma_start3A_907 = arith.constant 12288 : i32
    %dma_start3A_908 = tpu.memref_slice %arg5[%dma_start3A_907] : memref<13312xi32, #tpu.memory_space<vmem>> -> memref<512xi32, #tpu.memory_space<vmem>>
    %dma_start3A_909 = arith.constant 0 : i32
    %dma_start3A_910 = tpu.memref_slice %arg2[%dma_start3A_904, %dma_start3A_909] : memref<1x1000000xf32, #tpu.memory_space<hbm>> -> memref<1x1000000xf32, #tpu.memory_space<hbm>>
    %dma_start3A_911 = tpu.memref_squeeze %dma_start3A_910 : memref<1x1000000xf32, #tpu.memory_space<hbm>> -> memref<1000000xf32, #tpu.memory_space<hbm>>
    %dma_start3A_912 = arith.constant 0 : i32
    %dma_start3A_913 = tpu.memref_slice %dma_start3A_911[%dma_start3A_912] : memref<1000000xf32, #tpu.memory_space<hbm>> -> memref<1000000xf32, #tpu.memory_space<hbm>>
    tpu.enqueue_indirect_dma source(%dma_start3A_913 : memref<1000000xf32, #tpu.memory_space<hbm>>) target(%dma_start3A_906 : memref<512xf32, #tpu.memory_space<vmem>>) offsets(%dma_start3A_908 : memref<512xi32, #tpu.memory_space<vmem>>) semaphore(%arg9 : memref<!tpu.dma_semaphore, #tpu.memory_space<semaphore_mem>>)
    %dma_wait3A_914 = arith.constant 25 : i32
    %dma_wait3A_915 = arith.constant 12800 : i32
    %dma_wait3A_916 = tpu.memref_slice %arg5[%dma_wait3A_915] : memref<13312xi32, #tpu.memory_space<vmem>> -> memref<512xi32, #tpu.memory_space<vmem>>
    %dma_wait3A_917 = arith.constant 0 : i32
    %dma_wait3A_918 = tpu.memref_slice %arg3[%dma_wait3A_914, %dma_wait3A_917] : memref<26x16384xi32, #tpu.memory_space<hbm>> -> memref<1x16384xi32, #tpu.memory_space<hbm>>
    %dma_wait3A_919 = tpu.memref_squeeze %dma_wait3A_918 : memref<1x16384xi32, #tpu.memory_space<hbm>> -> memref<16384xi32, #tpu.memory_space<hbm>>
    %dma_wait3A_920 = tpu.memref_slice %dma_wait3A_919[%mul3A_2] : memref<16384xi32, #tpu.memory_space<hbm>> -> memref<512xi32, #tpu.memory_space<hbm>>
    %dma_wait3A_921 = arith.constant 12800 : i32
    %dma_wait3A_922 = tpu.memref_slice %arg5[%dma_wait3A_921] : memref<13312xi32, #tpu.memory_space<vmem>> -> memref<512xi32, #tpu.memory_space<vmem>>
    %dma_wait3A_923 = arith.constant 0 : i32
    %dma_wait3A_924 = tpu.memref_slice %arg3[%dma_wait3A_914, %dma_wait3A_923] : memref<26x16384xi32, #tpu.memory_space<hbm>> -> memref<1x16384xi32, #tpu.memory_space<hbm>>
    %dma_wait3A_925 = tpu.memref_squeeze %dma_wait3A_924 : memref<1x16384xi32, #tpu.memory_space<hbm>> -> memref<16384xi32, #tpu.memory_space<hbm>>
    %dma_wait3A_926 = tpu.memref_slice %dma_wait3A_925[%mul3A_2] : memref<16384xi32, #tpu.memory_space<hbm>> -> memref<512xi32, #tpu.memory_space<hbm>>
    tpu.wait_dma2 semaphore(%arg8 : memref<!tpu.dma_semaphore, #tpu.memory_space<semaphore_mem>>) src(%dma_wait3A_926 : memref<512xi32, #tpu.memory_space<hbm>>) dst(%dma_wait3A_922 : memref<512xi32, #tpu.memory_space<vmem>>)
    %dma_start3A_927 = arith.constant 0 : i32
    %dma_start3A_928 = arith.constant 12800 : i32
    %dma_start3A_929 = tpu.memref_slice %arg6[%dma_start3A_928] : memref<13312xf32, #tpu.memory_space<vmem>> -> memref<512xf32, #tpu.memory_space<vmem>>
    %dma_start3A_930 = arith.constant 12800 : i32
    %dma_start3A_931 = tpu.memref_slice %arg5[%dma_start3A_930] : memref<13312xi32, #tpu.memory_space<vmem>> -> memref<512xi32, #tpu.memory_space<vmem>>
    %dma_start3A_932 = arith.constant 0 : i32
    %dma_start3A_933 = tpu.memref_slice %arg2[%dma_start3A_927, %dma_start3A_932] : memref<1x1000000xf32, #tpu.memory_space<hbm>> -> memref<1x1000000xf32, #tpu.memory_space<hbm>>
    %dma_start3A_934 = tpu.memref_squeeze %dma_start3A_933 : memref<1x1000000xf32, #tpu.memory_space<hbm>> -> memref<1000000xf32, #tpu.memory_space<hbm>>
    %dma_start3A_935 = arith.constant 0 : i32
    %dma_start3A_936 = tpu.memref_slice %dma_start3A_934[%dma_start3A_935] : memref<1000000xf32, #tpu.memory_space<hbm>> -> memref<1000000xf32, #tpu.memory_space<hbm>>
    tpu.enqueue_indirect_dma source(%dma_start3A_936 : memref<1000000xf32, #tpu.memory_space<hbm>>) target(%dma_start3A_929 : memref<512xf32, #tpu.memory_space<vmem>>) offsets(%dma_start3A_931 : memref<512xi32, #tpu.memory_space<vmem>>) semaphore(%arg9 : memref<!tpu.dma_semaphore, #tpu.memory_space<semaphore_mem>>)
    %dma_wait3A_937 = arith.constant 0 : i32
    %dma_wait3A_938 = arith.constant 0 : i32
    %dma_wait3A_939 = tpu.memref_slice %arg6[%dma_wait3A_938] : memref<13312xf32, #tpu.memory_space<vmem>> -> memref<512xf32, #tpu.memory_space<vmem>>
    %dma_wait3A_940 = arith.constant 0 : i32
    %dma_wait3A_941 = tpu.memref_slice %arg5[%dma_wait3A_940] : memref<13312xi32, #tpu.memory_space<vmem>> -> memref<512xi32, #tpu.memory_space<vmem>>
    %dma_wait3A_942 = arith.constant 0 : i32
    %dma_wait3A_943 = tpu.memref_slice %arg2[%dma_wait3A_937, %dma_wait3A_942] : memref<1x1000000xf32, #tpu.memory_space<hbm>> -> memref<1x1000000xf32, #tpu.memory_space<hbm>>
    %dma_wait3A_944 = tpu.memref_squeeze %dma_wait3A_943 : memref<1x1000000xf32, #tpu.memory_space<hbm>> -> memref<1000000xf32, #tpu.memory_space<hbm>>
    %dma_wait3A_945 = arith.constant 0 : i32
    %dma_wait3A_946 = tpu.memref_slice %dma_wait3A_944[%dma_wait3A_945] : memref<1000000xf32, #tpu.memory_space<hbm>> -> memref<1000000xf32, #tpu.memory_space<hbm>>
    tpu.wait_indirect_dma semaphore(%arg9 : memref<!tpu.dma_semaphore, #tpu.memory_space<semaphore_mem>>) src(%dma_wait3A_946 : memref<1000000xf32, #tpu.memory_space<hbm>>) dst(%dma_wait3A_939 : memref<512xf32, #tpu.memory_space<vmem>>)
    %dma_wait3A_947 = arith.constant 0 : i32
    %dma_wait3A_948 = arith.constant 512 : i32
    %dma_wait3A_949 = tpu.memref_slice %arg6[%dma_wait3A_948] : memref<13312xf32, #tpu.memory_space<vmem>> -> memref<512xf32, #tpu.memory_space<vmem>>
    %dma_wait3A_950 = arith.constant 512 : i32
    %dma_wait3A_951 = tpu.memref_slice %arg5[%dma_wait3A_950] : memref<13312xi32, #tpu.memory_space<vmem>> -> memref<512xi32, #tpu.memory_space<vmem>>
    %dma_wait3A_952 = arith.constant 0 : i32
    %dma_wait3A_953 = tpu.memref_slice %arg2[%dma_wait3A_947, %dma_wait3A_952] : memref<1x1000000xf32, #tpu.memory_space<hbm>> -> memref<1x1000000xf32, #tpu.memory_space<hbm>>
    %dma_wait3A_954 = tpu.memref_squeeze %dma_wait3A_953 : memref<1x1000000xf32, #tpu.memory_space<hbm>> -> memref<1000000xf32, #tpu.memory_space<hbm>>
    %dma_wait3A_955 = arith.constant 0 : i32
    %dma_wait3A_956 = tpu.memref_slice %dma_wait3A_954[%dma_wait3A_955] : memref<1000000xf32, #tpu.memory_space<hbm>> -> memref<1000000xf32, #tpu.memory_space<hbm>>
    tpu.wait_indirect_dma semaphore(%arg9 : memref<!tpu.dma_semaphore, #tpu.memory_space<semaphore_mem>>) src(%dma_wait3A_956 : memref<1000000xf32, #tpu.memory_space<hbm>>) dst(%dma_wait3A_949 : memref<512xf32, #tpu.memory_space<vmem>>)
    %dma_wait3A_957 = arith.constant 0 : i32
    %dma_wait3A_958 = arith.constant 1024 : i32
    %dma_wait3A_959 = tpu.memref_slice %arg6[%dma_wait3A_958] : memref<13312xf32, #tpu.memory_space<vmem>> -> memref<512xf32, #tpu.memory_space<vmem>>
    %dma_wait3A_960 = arith.constant 1024 : i32
    %dma_wait3A_961 = tpu.memref_slice %arg5[%dma_wait3A_960] : memref<13312xi32, #tpu.memory_space<vmem>> -> memref<512xi32, #tpu.memory_space<vmem>>
    %dma_wait3A_962 = arith.constant 0 : i32
    %dma_wait3A_963 = tpu.memref_slice %arg2[%dma_wait3A_957, %dma_wait3A_962] : memref<1x1000000xf32, #tpu.memory_space<hbm>> -> memref<1x1000000xf32, #tpu.memory_space<hbm>>
    %dma_wait3A_964 = tpu.memref_squeeze %dma_wait3A_963 : memref<1x1000000xf32, #tpu.memory_space<hbm>> -> memref<1000000xf32, #tpu.memory_space<hbm>>
    %dma_wait3A_965 = arith.constant 0 : i32
    %dma_wait3A_966 = tpu.memref_slice %dma_wait3A_964[%dma_wait3A_965] : memref<1000000xf32, #tpu.memory_space<hbm>> -> memref<1000000xf32, #tpu.memory_space<hbm>>
    tpu.wait_indirect_dma semaphore(%arg9 : memref<!tpu.dma_semaphore, #tpu.memory_space<semaphore_mem>>) src(%dma_wait3A_966 : memref<1000000xf32, #tpu.memory_space<hbm>>) dst(%dma_wait3A_959 : memref<512xf32, #tpu.memory_space<vmem>>)
    %dma_wait3A_967 = arith.constant 0 : i32
    %dma_wait3A_968 = arith.constant 1536 : i32
    %dma_wait3A_969 = tpu.memref_slice %arg6[%dma_wait3A_968] : memref<13312xf32, #tpu.memory_space<vmem>> -> memref<512xf32, #tpu.memory_space<vmem>>
    %dma_wait3A_970 = arith.constant 1536 : i32
    %dma_wait3A_971 = tpu.memref_slice %arg5[%dma_wait3A_970] : memref<13312xi32, #tpu.memory_space<vmem>> -> memref<512xi32, #tpu.memory_space<vmem>>
    %dma_wait3A_972 = arith.constant 0 : i32
    %dma_wait3A_973 = tpu.memref_slice %arg2[%dma_wait3A_967, %dma_wait3A_972] : memref<1x1000000xf32, #tpu.memory_space<hbm>> -> memref<1x1000000xf32, #tpu.memory_space<hbm>>
    %dma_wait3A_974 = tpu.memref_squeeze %dma_wait3A_973 : memref<1x1000000xf32, #tpu.memory_space<hbm>> -> memref<1000000xf32, #tpu.memory_space<hbm>>
    %dma_wait3A_975 = arith.constant 0 : i32
    %dma_wait3A_976 = tpu.memref_slice %dma_wait3A_974[%dma_wait3A_975] : memref<1000000xf32, #tpu.memory_space<hbm>> -> memref<1000000xf32, #tpu.memory_space<hbm>>
    tpu.wait_indirect_dma semaphore(%arg9 : memref<!tpu.dma_semaphore, #tpu.memory_space<semaphore_mem>>) src(%dma_wait3A_976 : memref<1000000xf32, #tpu.memory_space<hbm>>) dst(%dma_wait3A_969 : memref<512xf32, #tpu.memory_space<vmem>>)
    %dma_wait3A_977 = arith.constant 0 : i32
    %dma_wait3A_978 = arith.constant 2048 : i32
    %dma_wait3A_979 = tpu.memref_slice %arg6[%dma_wait3A_978] : memref<13312xf32, #tpu.memory_space<vmem>> -> memref<512xf32, #tpu.memory_space<vmem>>
    %dma_wait3A_980 = arith.constant 2048 : i32
    %dma_wait3A_981 = tpu.memref_slice %arg5[%dma_wait3A_980] : memref<13312xi32, #tpu.memory_space<vmem>> -> memref<512xi32, #tpu.memory_space<vmem>>
    %dma_wait3A_982 = arith.constant 0 : i32
    %dma_wait3A_983 = tpu.memref_slice %arg2[%dma_wait3A_977, %dma_wait3A_982] : memref<1x1000000xf32, #tpu.memory_space<hbm>> -> memref<1x1000000xf32, #tpu.memory_space<hbm>>
    %dma_wait3A_984 = tpu.memref_squeeze %dma_wait3A_983 : memref<1x1000000xf32, #tpu.memory_space<hbm>> -> memref<1000000xf32, #tpu.memory_space<hbm>>
    %dma_wait3A_985 = arith.constant 0 : i32
    %dma_wait3A_986 = tpu.memref_slice %dma_wait3A_984[%dma_wait3A_985] : memref<1000000xf32, #tpu.memory_space<hbm>> -> memref<1000000xf32, #tpu.memory_space<hbm>>
    tpu.wait_indirect_dma semaphore(%arg9 : memref<!tpu.dma_semaphore, #tpu.memory_space<semaphore_mem>>) src(%dma_wait3A_986 : memref<1000000xf32, #tpu.memory_space<hbm>>) dst(%dma_wait3A_979 : memref<512xf32, #tpu.memory_space<vmem>>)
    %dma_wait3A_987 = arith.constant 0 : i32
    %dma_wait3A_988 = arith.constant 2560 : i32
    %dma_wait3A_989 = tpu.memref_slice %arg6[%dma_wait3A_988] : memref<13312xf32, #tpu.memory_space<vmem>> -> memref<512xf32, #tpu.memory_space<vmem>>
    %dma_wait3A_990 = arith.constant 2560 : i32
    %dma_wait3A_991 = tpu.memref_slice %arg5[%dma_wait3A_990] : memref<13312xi32, #tpu.memory_space<vmem>> -> memref<512xi32, #tpu.memory_space<vmem>>
    %dma_wait3A_992 = arith.constant 0 : i32
    %dma_wait3A_993 = tpu.memref_slice %arg2[%dma_wait3A_987, %dma_wait3A_992] : memref<1x1000000xf32, #tpu.memory_space<hbm>> -> memref<1x1000000xf32, #tpu.memory_space<hbm>>
    %dma_wait3A_994 = tpu.memref_squeeze %dma_wait3A_993 : memref<1x1000000xf32, #tpu.memory_space<hbm>> -> memref<1000000xf32, #tpu.memory_space<hbm>>
    %dma_wait3A_995 = arith.constant 0 : i32
    %dma_wait3A_996 = tpu.memref_slice %dma_wait3A_994[%dma_wait3A_995] : memref<1000000xf32, #tpu.memory_space<hbm>> -> memref<1000000xf32, #tpu.memory_space<hbm>>
    tpu.wait_indirect_dma semaphore(%arg9 : memref<!tpu.dma_semaphore, #tpu.memory_space<semaphore_mem>>) src(%dma_wait3A_996 : memref<1000000xf32, #tpu.memory_space<hbm>>) dst(%dma_wait3A_989 : memref<512xf32, #tpu.memory_space<vmem>>)
    %dma_wait3A_997 = arith.constant 0 : i32
    %dma_wait3A_998 = arith.constant 3072 : i32
    %dma_wait3A_999 = tpu.memref_slice %arg6[%dma_wait3A_998] : memref<13312xf32, #tpu.memory_space<vmem>> -> memref<512xf32, #tpu.memory_space<vmem>>
    %dma_wait3A_1000 = arith.constant 3072 : i32
    %dma_wait3A_1001 = tpu.memref_slice %arg5[%dma_wait3A_1000] : memref<13312xi32, #tpu.memory_space<vmem>> -> memref<512xi32, #tpu.memory_space<vmem>>
    %dma_wait3A_1002 = arith.constant 0 : i32
    %dma_wait3A_1003 = tpu.memref_slice %arg2[%dma_wait3A_997, %dma_wait3A_1002] : memref<1x1000000xf32, #tpu.memory_space<hbm>> -> memref<1x1000000xf32, #tpu.memory_space<hbm>>
    %dma_wait3A_1004 = tpu.memref_squeeze %dma_wait3A_1003 : memref<1x1000000xf32, #tpu.memory_space<hbm>> -> memref<1000000xf32, #tpu.memory_space<hbm>>
    %dma_wait3A_1005 = arith.constant 0 : i32
    %dma_wait3A_1006 = tpu.memref_slice %dma_wait3A_1004[%dma_wait3A_1005] : memref<1000000xf32, #tpu.memory_space<hbm>> -> memref<1000000xf32, #tpu.memory_space<hbm>>
    tpu.wait_indirect_dma semaphore(%arg9 : memref<!tpu.dma_semaphore, #tpu.memory_space<semaphore_mem>>) src(%dma_wait3A_1006 : memref<1000000xf32, #tpu.memory_space<hbm>>) dst(%dma_wait3A_999 : memref<512xf32, #tpu.memory_space<vmem>>)
    %dma_wait3A_1007 = arith.constant 0 : i32
    %dma_wait3A_1008 = arith.constant 3584 : i32
    %dma_wait3A_1009 = tpu.memref_slice %arg6[%dma_wait3A_1008] : memref<13312xf32, #tpu.memory_space<vmem>> -> memref<512xf32, #tpu.memory_space<vmem>>
    %dma_wait3A_1010 = arith.constant 3584 : i32
    %dma_wait3A_1011 = tpu.memref_slice %arg5[%dma_wait3A_1010] : memref<13312xi32, #tpu.memory_space<vmem>> -> memref<512xi32, #tpu.memory_space<vmem>>
    %dma_wait3A_1012 = arith.constant 0 : i32
    %dma_wait3A_1013 = tpu.memref_slice %arg2[%dma_wait3A_1007, %dma_wait3A_1012] : memref<1x1000000xf32, #tpu.memory_space<hbm>> -> memref<1x1000000xf32, #tpu.memory_space<hbm>>
    %dma_wait3A_1014 = tpu.memref_squeeze %dma_wait3A_1013 : memref<1x1000000xf32, #tpu.memory_space<hbm>> -> memref<1000000xf32, #tpu.memory_space<hbm>>
    %dma_wait3A_1015 = arith.constant 0 : i32
    %dma_wait3A_1016 = tpu.memref_slice %dma_wait3A_1014[%dma_wait3A_1015] : memref<1000000xf32, #tpu.memory_space<hbm>> -> memref<1000000xf32, #tpu.memory_space<hbm>>
    tpu.wait_indirect_dma semaphore(%arg9 : memref<!tpu.dma_semaphore, #tpu.memory_space<semaphore_mem>>) src(%dma_wait3A_1016 : memref<1000000xf32, #tpu.memory_space<hbm>>) dst(%dma_wait3A_1009 : memref<512xf32, #tpu.memory_space<vmem>>)
    %dma_wait3A_1017 = arith.constant 0 : i32
    %dma_wait3A_1018 = arith.constant 4096 : i32
    %dma_wait3A_1019 = tpu.memref_slice %arg6[%dma_wait3A_1018] : memref<13312xf32, #tpu.memory_space<vmem>> -> memref<512xf32, #tpu.memory_space<vmem>>
    %dma_wait3A_1020 = arith.constant 4096 : i32
    %dma_wait3A_1021 = tpu.memref_slice %arg5[%dma_wait3A_1020] : memref<13312xi32, #tpu.memory_space<vmem>> -> memref<512xi32, #tpu.memory_space<vmem>>
    %dma_wait3A_1022 = arith.constant 0 : i32
    %dma_wait3A_1023 = tpu.memref_slice %arg2[%dma_wait3A_1017, %dma_wait3A_1022] : memref<1x1000000xf32, #tpu.memory_space<hbm>> -> memref<1x1000000xf32, #tpu.memory_space<hbm>>
    %dma_wait3A_1024 = tpu.memref_squeeze %dma_wait3A_1023 : memref<1x1000000xf32, #tpu.memory_space<hbm>> -> memref<1000000xf32, #tpu.memory_space<hbm>>
    %dma_wait3A_1025 = arith.constant 0 : i32
    %dma_wait3A_1026 = tpu.memref_slice %dma_wait3A_1024[%dma_wait3A_1025] : memref<1000000xf32, #tpu.memory_space<hbm>> -> memref<1000000xf32, #tpu.memory_space<hbm>>
    tpu.wait_indirect_dma semaphore(%arg9 : memref<!tpu.dma_semaphore, #tpu.memory_space<semaphore_mem>>) src(%dma_wait3A_1026 : memref<1000000xf32, #tpu.memory_space<hbm>>) dst(%dma_wait3A_1019 : memref<512xf32, #tpu.memory_space<vmem>>)
    %dma_wait3A_1027 = arith.constant 0 : i32
    %dma_wait3A_1028 = arith.constant 4608 : i32
    %dma_wait3A_1029 = tpu.memref_slice %arg6[%dma_wait3A_1028] : memref<13312xf32, #tpu.memory_space<vmem>> -> memref<512xf32, #tpu.memory_space<vmem>>
    %dma_wait3A_1030 = arith.constant 4608 : i32
    %dma_wait3A_1031 = tpu.memref_slice %arg5[%dma_wait3A_1030] : memref<13312xi32, #tpu.memory_space<vmem>> -> memref<512xi32, #tpu.memory_space<vmem>>
    %dma_wait3A_1032 = arith.constant 0 : i32
    %dma_wait3A_1033 = tpu.memref_slice %arg2[%dma_wait3A_1027, %dma_wait3A_1032] : memref<1x1000000xf32, #tpu.memory_space<hbm>> -> memref<1x1000000xf32, #tpu.memory_space<hbm>>
    %dma_wait3A_1034 = tpu.memref_squeeze %dma_wait3A_1033 : memref<1x1000000xf32, #tpu.memory_space<hbm>> -> memref<1000000xf32, #tpu.memory_space<hbm>>
    %dma_wait3A_1035 = arith.constant 0 : i32
    %dma_wait3A_1036 = tpu.memref_slice %dma_wait3A_1034[%dma_wait3A_1035] : memref<1000000xf32, #tpu.memory_space<hbm>> -> memref<1000000xf32, #tpu.memory_space<hbm>>
    tpu.wait_indirect_dma semaphore(%arg9 : memref<!tpu.dma_semaphore, #tpu.memory_space<semaphore_mem>>) src(%dma_wait3A_1036 : memref<1000000xf32, #tpu.memory_space<hbm>>) dst(%dma_wait3A_1029 : memref<512xf32, #tpu.memory_space<vmem>>)
    %dma_wait3A_1037 = arith.constant 0 : i32
    %dma_wait3A_1038 = arith.constant 5120 : i32
    %dma_wait3A_1039 = tpu.memref_slice %arg6[%dma_wait3A_1038] : memref<13312xf32, #tpu.memory_space<vmem>> -> memref<512xf32, #tpu.memory_space<vmem>>
    %dma_wait3A_1040 = arith.constant 5120 : i32
    %dma_wait3A_1041 = tpu.memref_slice %arg5[%dma_wait3A_1040] : memref<13312xi32, #tpu.memory_space<vmem>> -> memref<512xi32, #tpu.memory_space<vmem>>
    %dma_wait3A_1042 = arith.constant 0 : i32
    %dma_wait3A_1043 = tpu.memref_slice %arg2[%dma_wait3A_1037, %dma_wait3A_1042] : memref<1x1000000xf32, #tpu.memory_space<hbm>> -> memref<1x1000000xf32, #tpu.memory_space<hbm>>
    %dma_wait3A_1044 = tpu.memref_squeeze %dma_wait3A_1043 : memref<1x1000000xf32, #tpu.memory_space<hbm>> -> memref<1000000xf32, #tpu.memory_space<hbm>>
    %dma_wait3A_1045 = arith.constant 0 : i32
    %dma_wait3A_1046 = tpu.memref_slice %dma_wait3A_1044[%dma_wait3A_1045] : memref<1000000xf32, #tpu.memory_space<hbm>> -> memref<1000000xf32, #tpu.memory_space<hbm>>
    tpu.wait_indirect_dma semaphore(%arg9 : memref<!tpu.dma_semaphore, #tpu.memory_space<semaphore_mem>>) src(%dma_wait3A_1046 : memref<1000000xf32, #tpu.memory_space<hbm>>) dst(%dma_wait3A_1039 : memref<512xf32, #tpu.memory_space<vmem>>)
    %dma_wait3A_1047 = arith.constant 0 : i32
    %dma_wait3A_1048 = arith.constant 5632 : i32
    %dma_wait3A_1049 = tpu.memref_slice %arg6[%dma_wait3A_1048] : memref<13312xf32, #tpu.memory_space<vmem>> -> memref<512xf32, #tpu.memory_space<vmem>>
    %dma_wait3A_1050 = arith.constant 5632 : i32
    %dma_wait3A_1051 = tpu.memref_slice %arg5[%dma_wait3A_1050] : memref<13312xi32, #tpu.memory_space<vmem>> -> memref<512xi32, #tpu.memory_space<vmem>>
    %dma_wait3A_1052 = arith.constant 0 : i32
    %dma_wait3A_1053 = tpu.memref_slice %arg2[%dma_wait3A_1047, %dma_wait3A_1052] : memref<1x1000000xf32, #tpu.memory_space<hbm>> -> memref<1x1000000xf32, #tpu.memory_space<hbm>>
    %dma_wait3A_1054 = tpu.memref_squeeze %dma_wait3A_1053 : memref<1x1000000xf32, #tpu.memory_space<hbm>> -> memref<1000000xf32, #tpu.memory_space<hbm>>
    %dma_wait3A_1055 = arith.constant 0 : i32
    %dma_wait3A_1056 = tpu.memref_slice %dma_wait3A_1054[%dma_wait3A_1055] : memref<1000000xf32, #tpu.memory_space<hbm>> -> memref<1000000xf32, #tpu.memory_space<hbm>>
    tpu.wait_indirect_dma semaphore(%arg9 : memref<!tpu.dma_semaphore, #tpu.memory_space<semaphore_mem>>) src(%dma_wait3A_1056 : memref<1000000xf32, #tpu.memory_space<hbm>>) dst(%dma_wait3A_1049 : memref<512xf32, #tpu.memory_space<vmem>>)
    %dma_wait3A_1057 = arith.constant 0 : i32
    %dma_wait3A_1058 = arith.constant 6144 : i32
    %dma_wait3A_1059 = tpu.memref_slice %arg6[%dma_wait3A_1058] : memref<13312xf32, #tpu.memory_space<vmem>> -> memref<512xf32, #tpu.memory_space<vmem>>
    %dma_wait3A_1060 = arith.constant 6144 : i32
    %dma_wait3A_1061 = tpu.memref_slice %arg5[%dma_wait3A_1060] : memref<13312xi32, #tpu.memory_space<vmem>> -> memref<512xi32, #tpu.memory_space<vmem>>
    %dma_wait3A_1062 = arith.constant 0 : i32
    %dma_wait3A_1063 = tpu.memref_slice %arg2[%dma_wait3A_1057, %dma_wait3A_1062] : memref<1x1000000xf32, #tpu.memory_space<hbm>> -> memref<1x1000000xf32, #tpu.memory_space<hbm>>
    %dma_wait3A_1064 = tpu.memref_squeeze %dma_wait3A_1063 : memref<1x1000000xf32, #tpu.memory_space<hbm>> -> memref<1000000xf32, #tpu.memory_space<hbm>>
    %dma_wait3A_1065 = arith.constant 0 : i32
    %dma_wait3A_1066 = tpu.memref_slice %dma_wait3A_1064[%dma_wait3A_1065] : memref<1000000xf32, #tpu.memory_space<hbm>> -> memref<1000000xf32, #tpu.memory_space<hbm>>
    tpu.wait_indirect_dma semaphore(%arg9 : memref<!tpu.dma_semaphore, #tpu.memory_space<semaphore_mem>>) src(%dma_wait3A_1066 : memref<1000000xf32, #tpu.memory_space<hbm>>) dst(%dma_wait3A_1059 : memref<512xf32, #tpu.memory_space<vmem>>)
    %dma_wait3A_1067 = arith.constant 0 : i32
    %dma_wait3A_1068 = arith.constant 6656 : i32
    %dma_wait3A_1069 = tpu.memref_slice %arg6[%dma_wait3A_1068] : memref<13312xf32, #tpu.memory_space<vmem>> -> memref<512xf32, #tpu.memory_space<vmem>>
    %dma_wait3A_1070 = arith.constant 6656 : i32
    %dma_wait3A_1071 = tpu.memref_slice %arg5[%dma_wait3A_1070] : memref<13312xi32, #tpu.memory_space<vmem>> -> memref<512xi32, #tpu.memory_space<vmem>>
    %dma_wait3A_1072 = arith.constant 0 : i32
    %dma_wait3A_1073 = tpu.memref_slice %arg2[%dma_wait3A_1067, %dma_wait3A_1072] : memref<1x1000000xf32, #tpu.memory_space<hbm>> -> memref<1x1000000xf32, #tpu.memory_space<hbm>>
    %dma_wait3A_1074 = tpu.memref_squeeze %dma_wait3A_1073 : memref<1x1000000xf32, #tpu.memory_space<hbm>> -> memref<1000000xf32, #tpu.memory_space<hbm>>
    %dma_wait3A_1075 = arith.constant 0 : i32
    %dma_wait3A_1076 = tpu.memref_slice %dma_wait3A_1074[%dma_wait3A_1075] : memref<1000000xf32, #tpu.memory_space<hbm>> -> memref<1000000xf32, #tpu.memory_space<hbm>>
    tpu.wait_indirect_dma semaphore(%arg9 : memref<!tpu.dma_semaphore, #tpu.memory_space<semaphore_mem>>) src(%dma_wait3A_1076 : memref<1000000xf32, #tpu.memory_space<hbm>>) dst(%dma_wait3A_1069 : memref<512xf32, #tpu.memory_space<vmem>>)
    %dma_wait3A_1077 = arith.constant 0 : i32
    %dma_wait3A_1078 = arith.constant 7168 : i32
    %dma_wait3A_1079 = tpu.memref_slice %arg6[%dma_wait3A_1078] : memref<13312xf32, #tpu.memory_space<vmem>> -> memref<512xf32, #tpu.memory_space<vmem>>
    %dma_wait3A_1080 = arith.constant 7168 : i32
    %dma_wait3A_1081 = tpu.memref_slice %arg5[%dma_wait3A_1080] : memref<13312xi32, #tpu.memory_space<vmem>> -> memref<512xi32, #tpu.memory_space<vmem>>
    %dma_wait3A_1082 = arith.constant 0 : i32
    %dma_wait3A_1083 = tpu.memref_slice %arg2[%dma_wait3A_1077, %dma_wait3A_1082] : memref<1x1000000xf32, #tpu.memory_space<hbm>> -> memref<1x1000000xf32, #tpu.memory_space<hbm>>
    %dma_wait3A_1084 = tpu.memref_squeeze %dma_wait3A_1083 : memref<1x1000000xf32, #tpu.memory_space<hbm>> -> memref<1000000xf32, #tpu.memory_space<hbm>>
    %dma_wait3A_1085 = arith.constant 0 : i32
    %dma_wait3A_1086 = tpu.memref_slice %dma_wait3A_1084[%dma_wait3A_1085] : memref<1000000xf32, #tpu.memory_space<hbm>> -> memref<1000000xf32, #tpu.memory_space<hbm>>
    tpu.wait_indirect_dma semaphore(%arg9 : memref<!tpu.dma_semaphore, #tpu.memory_space<semaphore_mem>>) src(%dma_wait3A_1086 : memref<1000000xf32, #tpu.memory_space<hbm>>) dst(%dma_wait3A_1079 : memref<512xf32, #tpu.memory_space<vmem>>)
    %dma_wait3A_1087 = arith.constant 0 : i32
    %dma_wait3A_1088 = arith.constant 7680 : i32
    %dma_wait3A_1089 = tpu.memref_slice %arg6[%dma_wait3A_1088] : memref<13312xf32, #tpu.memory_space<vmem>> -> memref<512xf32, #tpu.memory_space<vmem>>
    %dma_wait3A_1090 = arith.constant 7680 : i32
    %dma_wait3A_1091 = tpu.memref_slice %arg5[%dma_wait3A_1090] : memref<13312xi32, #tpu.memory_space<vmem>> -> memref<512xi32, #tpu.memory_space<vmem>>
    %dma_wait3A_1092 = arith.constant 0 : i32
    %dma_wait3A_1093 = tpu.memref_slice %arg2[%dma_wait3A_1087, %dma_wait3A_1092] : memref<1x1000000xf32, #tpu.memory_space<hbm>> -> memref<1x1000000xf32, #tpu.memory_space<hbm>>
    %dma_wait3A_1094 = tpu.memref_squeeze %dma_wait3A_1093 : memref<1x1000000xf32, #tpu.memory_space<hbm>> -> memref<1000000xf32, #tpu.memory_space<hbm>>
    %dma_wait3A_1095 = arith.constant 0 : i32
    %dma_wait3A_1096 = tpu.memref_slice %dma_wait3A_1094[%dma_wait3A_1095] : memref<1000000xf32, #tpu.memory_space<hbm>> -> memref<1000000xf32, #tpu.memory_space<hbm>>
    tpu.wait_indirect_dma semaphore(%arg9 : memref<!tpu.dma_semaphore, #tpu.memory_space<semaphore_mem>>) src(%dma_wait3A_1096 : memref<1000000xf32, #tpu.memory_space<hbm>>) dst(%dma_wait3A_1089 : memref<512xf32, #tpu.memory_space<vmem>>)
    %dma_wait3A_1097 = arith.constant 0 : i32
    %dma_wait3A_1098 = arith.constant 8192 : i32
    %dma_wait3A_1099 = tpu.memref_slice %arg6[%dma_wait3A_1098] : memref<13312xf32, #tpu.memory_space<vmem>> -> memref<512xf32, #tpu.memory_space<vmem>>
    %dma_wait3A_1100 = arith.constant 8192 : i32
    %dma_wait3A_1101 = tpu.memref_slice %arg5[%dma_wait3A_1100] : memref<13312xi32, #tpu.memory_space<vmem>> -> memref<512xi32, #tpu.memory_space<vmem>>
    %dma_wait3A_1102 = arith.constant 0 : i32
    %dma_wait3A_1103 = tpu.memref_slice %arg2[%dma_wait3A_1097, %dma_wait3A_1102] : memref<1x1000000xf32, #tpu.memory_space<hbm>> -> memref<1x1000000xf32, #tpu.memory_space<hbm>>
    %dma_wait3A_1104 = tpu.memref_squeeze %dma_wait3A_1103 : memref<1x1000000xf32, #tpu.memory_space<hbm>> -> memref<1000000xf32, #tpu.memory_space<hbm>>
    %dma_wait3A_1105 = arith.constant 0 : i32
    %dma_wait3A_1106 = tpu.memref_slice %dma_wait3A_1104[%dma_wait3A_1105] : memref<1000000xf32, #tpu.memory_space<hbm>> -> memref<1000000xf32, #tpu.memory_space<hbm>>
    tpu.wait_indirect_dma semaphore(%arg9 : memref<!tpu.dma_semaphore, #tpu.memory_space<semaphore_mem>>) src(%dma_wait3A_1106 : memref<1000000xf32, #tpu.memory_space<hbm>>) dst(%dma_wait3A_1099 : memref<512xf32, #tpu.memory_space<vmem>>)
    %dma_wait3A_1107 = arith.constant 0 : i32
    %dma_wait3A_1108 = arith.constant 8704 : i32
    %dma_wait3A_1109 = tpu.memref_slice %arg6[%dma_wait3A_1108] : memref<13312xf32, #tpu.memory_space<vmem>> -> memref<512xf32, #tpu.memory_space<vmem>>
    %dma_wait3A_1110 = arith.constant 8704 : i32
    %dma_wait3A_1111 = tpu.memref_slice %arg5[%dma_wait3A_1110] : memref<13312xi32, #tpu.memory_space<vmem>> -> memref<512xi32, #tpu.memory_space<vmem>>
    %dma_wait3A_1112 = arith.constant 0 : i32
    %dma_wait3A_1113 = tpu.memref_slice %arg2[%dma_wait3A_1107, %dma_wait3A_1112] : memref<1x1000000xf32, #tpu.memory_space<hbm>> -> memref<1x1000000xf32, #tpu.memory_space<hbm>>
    %dma_wait3A_1114 = tpu.memref_squeeze %dma_wait3A_1113 : memref<1x1000000xf32, #tpu.memory_space<hbm>> -> memref<1000000xf32, #tpu.memory_space<hbm>>
    %dma_wait3A_1115 = arith.constant 0 : i32
    %dma_wait3A_1116 = tpu.memref_slice %dma_wait3A_1114[%dma_wait3A_1115] : memref<1000000xf32, #tpu.memory_space<hbm>> -> memref<1000000xf32, #tpu.memory_space<hbm>>
    tpu.wait_indirect_dma semaphore(%arg9 : memref<!tpu.dma_semaphore, #tpu.memory_space<semaphore_mem>>) src(%dma_wait3A_1116 : memref<1000000xf32, #tpu.memory_space<hbm>>) dst(%dma_wait3A_1109 : memref<512xf32, #tpu.memory_space<vmem>>)
    %dma_wait3A_1117 = arith.constant 0 : i32
    %dma_wait3A_1118 = arith.constant 9216 : i32
    %dma_wait3A_1119 = tpu.memref_slice %arg6[%dma_wait3A_1118] : memref<13312xf32, #tpu.memory_space<vmem>> -> memref<512xf32, #tpu.memory_space<vmem>>
    %dma_wait3A_1120 = arith.constant 9216 : i32
    %dma_wait3A_1121 = tpu.memref_slice %arg5[%dma_wait3A_1120] : memref<13312xi32, #tpu.memory_space<vmem>> -> memref<512xi32, #tpu.memory_space<vmem>>
    %dma_wait3A_1122 = arith.constant 0 : i32
    %dma_wait3A_1123 = tpu.memref_slice %arg2[%dma_wait3A_1117, %dma_wait3A_1122] : memref<1x1000000xf32, #tpu.memory_space<hbm>> -> memref<1x1000000xf32, #tpu.memory_space<hbm>>
    %dma_wait3A_1124 = tpu.memref_squeeze %dma_wait3A_1123 : memref<1x1000000xf32, #tpu.memory_space<hbm>> -> memref<1000000xf32, #tpu.memory_space<hbm>>
    %dma_wait3A_1125 = arith.constant 0 : i32
    %dma_wait3A_1126 = tpu.memref_slice %dma_wait3A_1124[%dma_wait3A_1125] : memref<1000000xf32, #tpu.memory_space<hbm>> -> memref<1000000xf32, #tpu.memory_space<hbm>>
    tpu.wait_indirect_dma semaphore(%arg9 : memref<!tpu.dma_semaphore, #tpu.memory_space<semaphore_mem>>) src(%dma_wait3A_1126 : memref<1000000xf32, #tpu.memory_space<hbm>>) dst(%dma_wait3A_1119 : memref<512xf32, #tpu.memory_space<vmem>>)
    %dma_wait3A_1127 = arith.constant 0 : i32
    %dma_wait3A_1128 = arith.constant 9728 : i32
    %dma_wait3A_1129 = tpu.memref_slice %arg6[%dma_wait3A_1128] : memref<13312xf32, #tpu.memory_space<vmem>> -> memref<512xf32, #tpu.memory_space<vmem>>
    %dma_wait3A_1130 = arith.constant 9728 : i32
    %dma_wait3A_1131 = tpu.memref_slice %arg5[%dma_wait3A_1130] : memref<13312xi32, #tpu.memory_space<vmem>> -> memref<512xi32, #tpu.memory_space<vmem>>
    %dma_wait3A_1132 = arith.constant 0 : i32
    %dma_wait3A_1133 = tpu.memref_slice %arg2[%dma_wait3A_1127, %dma_wait3A_1132] : memref<1x1000000xf32, #tpu.memory_space<hbm>> -> memref<1x1000000xf32, #tpu.memory_space<hbm>>
    %dma_wait3A_1134 = tpu.memref_squeeze %dma_wait3A_1133 : memref<1x1000000xf32, #tpu.memory_space<hbm>> -> memref<1000000xf32, #tpu.memory_space<hbm>>
    %dma_wait3A_1135 = arith.constant 0 : i32
    %dma_wait3A_1136 = tpu.memref_slice %dma_wait3A_1134[%dma_wait3A_1135] : memref<1000000xf32, #tpu.memory_space<hbm>> -> memref<1000000xf32, #tpu.memory_space<hbm>>
    tpu.wait_indirect_dma semaphore(%arg9 : memref<!tpu.dma_semaphore, #tpu.memory_space<semaphore_mem>>) src(%dma_wait3A_1136 : memref<1000000xf32, #tpu.memory_space<hbm>>) dst(%dma_wait3A_1129 : memref<512xf32, #tpu.memory_space<vmem>>)
    %dma_wait3A_1137 = arith.constant 0 : i32
    %dma_wait3A_1138 = arith.constant 10240 : i32
    %dma_wait3A_1139 = tpu.memref_slice %arg6[%dma_wait3A_1138] : memref<13312xf32, #tpu.memory_space<vmem>> -> memref<512xf32, #tpu.memory_space<vmem>>
    %dma_wait3A_1140 = arith.constant 10240 : i32
    %dma_wait3A_1141 = tpu.memref_slice %arg5[%dma_wait3A_1140] : memref<13312xi32, #tpu.memory_space<vmem>> -> memref<512xi32, #tpu.memory_space<vmem>>
    %dma_wait3A_1142 = arith.constant 0 : i32
    %dma_wait3A_1143 = tpu.memref_slice %arg2[%dma_wait3A_1137, %dma_wait3A_1142] : memref<1x1000000xf32, #tpu.memory_space<hbm>> -> memref<1x1000000xf32, #tpu.memory_space<hbm>>
    %dma_wait3A_1144 = tpu.memref_squeeze %dma_wait3A_1143 : memref<1x1000000xf32, #tpu.memory_space<hbm>> -> memref<1000000xf32, #tpu.memory_space<hbm>>
    %dma_wait3A_1145 = arith.constant 0 : i32
    %dma_wait3A_1146 = tpu.memref_slice %dma_wait3A_1144[%dma_wait3A_1145] : memref<1000000xf32, #tpu.memory_space<hbm>> -> memref<1000000xf32, #tpu.memory_space<hbm>>
    tpu.wait_indirect_dma semaphore(%arg9 : memref<!tpu.dma_semaphore, #tpu.memory_space<semaphore_mem>>) src(%dma_wait3A_1146 : memref<1000000xf32, #tpu.memory_space<hbm>>) dst(%dma_wait3A_1139 : memref<512xf32, #tpu.memory_space<vmem>>)
    %dma_wait3A_1147 = arith.constant 0 : i32
    %dma_wait3A_1148 = arith.constant 10752 : i32
    %dma_wait3A_1149 = tpu.memref_slice %arg6[%dma_wait3A_1148] : memref<13312xf32, #tpu.memory_space<vmem>> -> memref<512xf32, #tpu.memory_space<vmem>>
    %dma_wait3A_1150 = arith.constant 10752 : i32
    %dma_wait3A_1151 = tpu.memref_slice %arg5[%dma_wait3A_1150] : memref<13312xi32, #tpu.memory_space<vmem>> -> memref<512xi32, #tpu.memory_space<vmem>>
    %dma_wait3A_1152 = arith.constant 0 : i32
    %dma_wait3A_1153 = tpu.memref_slice %arg2[%dma_wait3A_1147, %dma_wait3A_1152] : memref<1x1000000xf32, #tpu.memory_space<hbm>> -> memref<1x1000000xf32, #tpu.memory_space<hbm>>
    %dma_wait3A_1154 = tpu.memref_squeeze %dma_wait3A_1153 : memref<1x1000000xf32, #tpu.memory_space<hbm>> -> memref<1000000xf32, #tpu.memory_space<hbm>>
    %dma_wait3A_1155 = arith.constant 0 : i32
    %dma_wait3A_1156 = tpu.memref_slice %dma_wait3A_1154[%dma_wait3A_1155] : memref<1000000xf32, #tpu.memory_space<hbm>> -> memref<1000000xf32, #tpu.memory_space<hbm>>
    tpu.wait_indirect_dma semaphore(%arg9 : memref<!tpu.dma_semaphore, #tpu.memory_space<semaphore_mem>>) src(%dma_wait3A_1156 : memref<1000000xf32, #tpu.memory_space<hbm>>) dst(%dma_wait3A_1149 : memref<512xf32, #tpu.memory_space<vmem>>)
    %dma_wait3A_1157 = arith.constant 0 : i32
    %dma_wait3A_1158 = arith.constant 11264 : i32
    %dma_wait3A_1159 = tpu.memref_slice %arg6[%dma_wait3A_1158] : memref<13312xf32, #tpu.memory_space<vmem>> -> memref<512xf32, #tpu.memory_space<vmem>>
    %dma_wait3A_1160 = arith.constant 11264 : i32
    %dma_wait3A_1161 = tpu.memref_slice %arg5[%dma_wait3A_1160] : memref<13312xi32, #tpu.memory_space<vmem>> -> memref<512xi32, #tpu.memory_space<vmem>>
    %dma_wait3A_1162 = arith.constant 0 : i32
    %dma_wait3A_1163 = tpu.memref_slice %arg2[%dma_wait3A_1157, %dma_wait3A_1162] : memref<1x1000000xf32, #tpu.memory_space<hbm>> -> memref<1x1000000xf32, #tpu.memory_space<hbm>>
    %dma_wait3A_1164 = tpu.memref_squeeze %dma_wait3A_1163 : memref<1x1000000xf32, #tpu.memory_space<hbm>> -> memref<1000000xf32, #tpu.memory_space<hbm>>
    %dma_wait3A_1165 = arith.constant 0 : i32
    %dma_wait3A_1166 = tpu.memref_slice %dma_wait3A_1164[%dma_wait3A_1165] : memref<1000000xf32, #tpu.memory_space<hbm>> -> memref<1000000xf32, #tpu.memory_space<hbm>>
    tpu.wait_indirect_dma semaphore(%arg9 : memref<!tpu.dma_semaphore, #tpu.memory_space<semaphore_mem>>) src(%dma_wait3A_1166 : memref<1000000xf32, #tpu.memory_space<hbm>>) dst(%dma_wait3A_1159 : memref<512xf32, #tpu.memory_space<vmem>>)
    %dma_wait3A_1167 = arith.constant 0 : i32
    %dma_wait3A_1168 = arith.constant 11776 : i32
    %dma_wait3A_1169 = tpu.memref_slice %arg6[%dma_wait3A_1168] : memref<13312xf32, #tpu.memory_space<vmem>> -> memref<512xf32, #tpu.memory_space<vmem>>
    %dma_wait3A_1170 = arith.constant 11776 : i32
    %dma_wait3A_1171 = tpu.memref_slice %arg5[%dma_wait3A_1170] : memref<13312xi32, #tpu.memory_space<vmem>> -> memref<512xi32, #tpu.memory_space<vmem>>
    %dma_wait3A_1172 = arith.constant 0 : i32
    %dma_wait3A_1173 = tpu.memref_slice %arg2[%dma_wait3A_1167, %dma_wait3A_1172] : memref<1x1000000xf32, #tpu.memory_space<hbm>> -> memref<1x1000000xf32, #tpu.memory_space<hbm>>
    %dma_wait3A_1174 = tpu.memref_squeeze %dma_wait3A_1173 : memref<1x1000000xf32, #tpu.memory_space<hbm>> -> memref<1000000xf32, #tpu.memory_space<hbm>>
    %dma_wait3A_1175 = arith.constant 0 : i32
    %dma_wait3A_1176 = tpu.memref_slice %dma_wait3A_1174[%dma_wait3A_1175] : memref<1000000xf32, #tpu.memory_space<hbm>> -> memref<1000000xf32, #tpu.memory_space<hbm>>
    tpu.wait_indirect_dma semaphore(%arg9 : memref<!tpu.dma_semaphore, #tpu.memory_space<semaphore_mem>>) src(%dma_wait3A_1176 : memref<1000000xf32, #tpu.memory_space<hbm>>) dst(%dma_wait3A_1169 : memref<512xf32, #tpu.memory_space<vmem>>)
    %dma_wait3A_1177 = arith.constant 0 : i32
    %dma_wait3A_1178 = arith.constant 12288 : i32
    %dma_wait3A_1179 = tpu.memref_slice %arg6[%dma_wait3A_1178] : memref<13312xf32, #tpu.memory_space<vmem>> -> memref<512xf32, #tpu.memory_space<vmem>>
    %dma_wait3A_1180 = arith.constant 12288 : i32
    %dma_wait3A_1181 = tpu.memref_slice %arg5[%dma_wait3A_1180] : memref<13312xi32, #tpu.memory_space<vmem>> -> memref<512xi32, #tpu.memory_space<vmem>>
    %dma_wait3A_1182 = arith.constant 0 : i32
    %dma_wait3A_1183 = tpu.memref_slice %arg2[%dma_wait3A_1177, %dma_wait3A_1182] : memref<1x1000000xf32, #tpu.memory_space<hbm>> -> memref<1x1000000xf32, #tpu.memory_space<hbm>>
    %dma_wait3A_1184 = tpu.memref_squeeze %dma_wait3A_1183 : memref<1x1000000xf32, #tpu.memory_space<hbm>> -> memref<1000000xf32, #tpu.memory_space<hbm>>
    %dma_wait3A_1185 = arith.constant 0 : i32
    %dma_wait3A_1186 = tpu.memref_slice %dma_wait3A_1184[%dma_wait3A_1185] : memref<1000000xf32, #tpu.memory_space<hbm>> -> memref<1000000xf32, #tpu.memory_space<hbm>>
    tpu.wait_indirect_dma semaphore(%arg9 : memref<!tpu.dma_semaphore, #tpu.memory_space<semaphore_mem>>) src(%dma_wait3A_1186 : memref<1000000xf32, #tpu.memory_space<hbm>>) dst(%dma_wait3A_1179 : memref<512xf32, #tpu.memory_space<vmem>>)
    %dma_wait3A_1187 = arith.constant 0 : i32
    %dma_wait3A_1188 = arith.constant 12800 : i32
    %dma_wait3A_1189 = tpu.memref_slice %arg6[%dma_wait3A_1188] : memref<13312xf32, #tpu.memory_space<vmem>> -> memref<512xf32, #tpu.memory_space<vmem>>
    %dma_wait3A_1190 = arith.constant 12800 : i32
    %dma_wait3A_1191 = tpu.memref_slice %arg5[%dma_wait3A_1190] : memref<13312xi32, #tpu.memory_space<vmem>> -> memref<512xi32, #tpu.memory_space<vmem>>
    %dma_wait3A_1192 = arith.constant 0 : i32
    %dma_wait3A_1193 = tpu.memref_slice %arg2[%dma_wait3A_1187, %dma_wait3A_1192] : memref<1x1000000xf32, #tpu.memory_space<hbm>> -> memref<1x1000000xf32, #tpu.memory_space<hbm>>
    %dma_wait3A_1194 = tpu.memref_squeeze %dma_wait3A_1193 : memref<1x1000000xf32, #tpu.memory_space<hbm>> -> memref<1000000xf32, #tpu.memory_space<hbm>>
    %dma_wait3A_1195 = arith.constant 0 : i32
    %dma_wait3A_1196 = tpu.memref_slice %dma_wait3A_1194[%dma_wait3A_1195] : memref<1000000xf32, #tpu.memory_space<hbm>> -> memref<1000000xf32, #tpu.memory_space<hbm>>
    tpu.wait_indirect_dma semaphore(%arg9 : memref<!tpu.dma_semaphore, #tpu.memory_space<semaphore_mem>>) src(%dma_wait3A_1196 : memref<1000000xf32, #tpu.memory_space<hbm>>) dst(%dma_wait3A_1189 : memref<512xf32, #tpu.memory_space<vmem>>)
    %scan3A = arith.constant 0 : i32
    %scan3A_1197 = arith.constant 0 : i32
    %scan3A_1198 = arith.constant 32 : i32
    %scan3A_1199 = arith.addi %scan3A_1197, %scan3A_1198 : i32
    %scan3A_1200 = arith.constant 1 : i32
    scf.for %scan3A_1202 = %scan3A_1197 to %scan3A_1199 step %scan3A_1200  : i32 {
      %broadcast_in_dim3A = arith.constant 0.000000e+00 : f32
      %broadcast_in_dim3A_1203 = vector.broadcast %broadcast_in_dim3A : f32 to vector<16xf32>
      %mul3A_1204 = arith.constant 16 : i32
      %mul3A_1205 = arith.muli %scan3A_1202, %mul3A_1204 : i32
      %add3A_1206 = arith.constant 0 : i32
      %add3A_1207 = arith.addi %add3A_1206, %mul3A_1205 : i32
      %get3A = arith.index_cast %add3A_1207 : i32 to index
      %get3A_1208 = tpu.vector_load %arg6[%get3A] {strides = array<i32>} : memref<13312xf32, #tpu.memory_space<vmem>>, vector<16xf32>,
      %get3A_1209 = vector.shape_cast %get3A_1208 : vector<16xf32> to vector<16xf32>
      %add3A_1210 = arith.addf %broadcast_in_dim3A_1203, %get3A_1209 : vector<16xf32>
      %mul3A_1211 = arith.constant 16 : i32
      %mul3A_1212 = arith.muli %scan3A_1202, %mul3A_1211 : i32
      %add3A_1213 = arith.constant 512 : i32
      %add3A_1214 = arith.addi %add3A_1213, %mul3A_1212 : i32
      %get3A_1215 = arith.index_cast %add3A_1214 : i32 to index
      %get3A_1216 = tpu.vector_load %arg6[%get3A_1215] {strides = array<i32>} : memref<13312xf32, #tpu.memory_space<vmem>>, vector<16xf32>,
      %get3A_1217 = vector.shape_cast %get3A_1216 : vector<16xf32> to vector<16xf32>
      %add3A_1218 = arith.addf %add3A_1210, %get3A_1217 : vector<16xf32>
      %mul3A_1219 = arith.constant 16 : i32
      %mul3A_1220 = arith.muli %scan3A_1202, %mul3A_1219 : i32
      %add3A_1221 = arith.constant 1024 : i32
      %add3A_1222 = arith.addi %add3A_1221, %mul3A_1220 : i32
      %get3A_1223 = arith.index_cast %add3A_1222 : i32 to index
      %get3A_1224 = tpu.vector_load %arg6[%get3A_1223] {strides = array<i32>} : memref<13312xf32, #tpu.memory_space<vmem>>, vector<16xf32>,
      %get3A_1225 = vector.shape_cast %get3A_1224 : vector<16xf32> to vector<16xf32>
      %add3A_1226 = arith.addf %add3A_1218, %get3A_1225 : vector<16xf32>
      %mul3A_1227 = arith.constant 16 : i32
      %mul3A_1228 = arith.muli %scan3A_1202, %mul3A_1227 : i32
      %add3A_1229 = arith.constant 1536 : i32
      %add3A_1230 = arith.addi %add3A_1229, %mul3A_1228 : i32
      %get3A_1231 = arith.index_cast %add3A_1230 : i32 to index
      %get3A_1232 = tpu.vector_load %arg6[%get3A_1231] {strides = array<i32>} : memref<13312xf32, #tpu.memory_space<vmem>>, vector<16xf32>,
      %get3A_1233 = vector.shape_cast %get3A_1232 : vector<16xf32> to vector<16xf32>
      %add3A_1234 = arith.addf %add3A_1226, %get3A_1233 : vector<16xf32>
      %mul3A_1235 = arith.constant 16 : i32
      %mul3A_1236 = arith.muli %scan3A_1202, %mul3A_1235 : i32
      %add3A_1237 = arith.constant 2048 : i32
      %add3A_1238 = arith.addi %add3A_1237, %mul3A_1236 : i32
      %get3A_1239 = arith.index_cast %add3A_1238 : i32 to index
      %get3A_1240 = tpu.vector_load %arg6[%get3A_1239] {strides = array<i32>} : memref<13312xf32, #tpu.memory_space<vmem>>, vector<16xf32>,
      %get3A_1241 = vector.shape_cast %get3A_1240 : vector<16xf32> to vector<16xf32>
      %add3A_1242 = arith.addf %add3A_1234, %get3A_1241 : vector<16xf32>
      %mul3A_1243 = arith.constant 16 : i32
      %mul3A_1244 = arith.muli %scan3A_1202, %mul3A_1243 : i32
      %add3A_1245 = arith.constant 2560 : i32
      %add3A_1246 = arith.addi %add3A_1245, %mul3A_1244 : i32
      %get3A_1247 = arith.index_cast %add3A_1246 : i32 to index
      %get3A_1248 = tpu.vector_load %arg6[%get3A_1247] {strides = array<i32>} : memref<13312xf32, #tpu.memory_space<vmem>>, vector<16xf32>,
      %get3A_1249 = vector.shape_cast %get3A_1248 : vector<16xf32> to vector<16xf32>
      %add3A_1250 = arith.addf %add3A_1242, %get3A_1249 : vector<16xf32>
      %mul3A_1251 = arith.constant 16 : i32
      %mul3A_1252 = arith.muli %scan3A_1202, %mul3A_1251 : i32
      %add3A_1253 = arith.constant 3072 : i32
      %add3A_1254 = arith.addi %add3A_1253, %mul3A_1252 : i32
      %get3A_1255 = arith.index_cast %add3A_1254 : i32 to index
      %get3A_1256 = tpu.vector_load %arg6[%get3A_1255] {strides = array<i32>} : memref<13312xf32, #tpu.memory_space<vmem>>, vector<16xf32>,
      %get3A_1257 = vector.shape_cast %get3A_1256 : vector<16xf32> to vector<16xf32>
      %add3A_1258 = arith.addf %add3A_1250, %get3A_1257 : vector<16xf32>
      %mul3A_1259 = arith.constant 16 : i32
      %mul3A_1260 = arith.muli %scan3A_1202, %mul3A_1259 : i32
      %add3A_1261 = arith.constant 3584 : i32
      %add3A_1262 = arith.addi %add3A_1261, %mul3A_1260 : i32
      %get3A_1263 = arith.index_cast %add3A_1262 : i32 to index
      %get3A_1264 = tpu.vector_load %arg6[%get3A_1263] {strides = array<i32>} : memref<13312xf32, #tpu.memory_space<vmem>>, vector<16xf32>,
      %get3A_1265 = vector.shape_cast %get3A_1264 : vector<16xf32> to vector<16xf32>
      %add3A_1266 = arith.addf %add3A_1258, %get3A_1265 : vector<16xf32>
      %mul3A_1267 = arith.constant 16 : i32
      %mul3A_1268 = arith.muli %scan3A_1202, %mul3A_1267 : i32
      %add3A_1269 = arith.constant 4096 : i32
      %add3A_1270 = arith.addi %add3A_1269, %mul3A_1268 : i32
      %get3A_1271 = arith.index_cast %add3A_1270 : i32 to index
      %get3A_1272 = tpu.vector_load %arg6[%get3A_1271] {strides = array<i32>} : memref<13312xf32, #tpu.memory_space<vmem>>, vector<16xf32>,
      %get3A_1273 = vector.shape_cast %get3A_1272 : vector<16xf32> to vector<16xf32>
      %add3A_1274 = arith.addf %add3A_1266, %get3A_1273 : vector<16xf32>
      %mul3A_1275 = arith.constant 16 : i32
      %mul3A_1276 = arith.muli %scan3A_1202, %mul3A_1275 : i32
      %add3A_1277 = arith.constant 4608 : i32
      %add3A_1278 = arith.addi %add3A_1277, %mul3A_1276 : i32
      %get3A_1279 = arith.index_cast %add3A_1278 : i32 to index
      %get3A_1280 = tpu.vector_load %arg6[%get3A_1279] {strides = array<i32>} : memref<13312xf32, #tpu.memory_space<vmem>>, vector<16xf32>,
      %get3A_1281 = vector.shape_cast %get3A_1280 : vector<16xf32> to vector<16xf32>
      %add3A_1282 = arith.addf %add3A_1274, %get3A_1281 : vector<16xf32>
      %mul3A_1283 = arith.constant 16 : i32
      %mul3A_1284 = arith.muli %scan3A_1202, %mul3A_1283 : i32
      %add3A_1285 = arith.constant 5120 : i32
      %add3A_1286 = arith.addi %add3A_1285, %mul3A_1284 : i32
      %get3A_1287 = arith.index_cast %add3A_1286 : i32 to index
      %get3A_1288 = tpu.vector_load %arg6[%get3A_1287] {strides = array<i32>} : memref<13312xf32, #tpu.memory_space<vmem>>, vector<16xf32>,
      %get3A_1289 = vector.shape_cast %get3A_1288 : vector<16xf32> to vector<16xf32>
      %add3A_1290 = arith.addf %add3A_1282, %get3A_1289 : vector<16xf32>
      %mul3A_1291 = arith.constant 16 : i32
      %mul3A_1292 = arith.muli %scan3A_1202, %mul3A_1291 : i32
      %add3A_1293 = arith.constant 5632 : i32
      %add3A_1294 = arith.addi %add3A_1293, %mul3A_1292 : i32
      %get3A_1295 = arith.index_cast %add3A_1294 : i32 to index
      %get3A_1296 = tpu.vector_load %arg6[%get3A_1295] {strides = array<i32>} : memref<13312xf32, #tpu.memory_space<vmem>>, vector<16xf32>,
      %get3A_1297 = vector.shape_cast %get3A_1296 : vector<16xf32> to vector<16xf32>
      %add3A_1298 = arith.addf %add3A_1290, %get3A_1297 : vector<16xf32>
      %mul3A_1299 = arith.constant 16 : i32
      %mul3A_1300 = arith.muli %scan3A_1202, %mul3A_1299 : i32
      %add3A_1301 = arith.constant 6144 : i32
      %add3A_1302 = arith.addi %add3A_1301, %mul3A_1300 : i32
      %get3A_1303 = arith.index_cast %add3A_1302 : i32 to index
      %get3A_1304 = tpu.vector_load %arg6[%get3A_1303] {strides = array<i32>} : memref<13312xf32, #tpu.memory_space<vmem>>, vector<16xf32>,
      %get3A_1305 = vector.shape_cast %get3A_1304 : vector<16xf32> to vector<16xf32>
      %add3A_1306 = arith.addf %add3A_1298, %get3A_1305 : vector<16xf32>
      %mul3A_1307 = arith.constant 16 : i32
      %mul3A_1308 = arith.muli %scan3A_1202, %mul3A_1307 : i32
      %add3A_1309 = arith.constant 6656 : i32
      %add3A_1310 = arith.addi %add3A_1309, %mul3A_1308 : i32
      %get3A_1311 = arith.index_cast %add3A_1310 : i32 to index
      %get3A_1312 = tpu.vector_load %arg6[%get3A_1311] {strides = array<i32>} : memref<13312xf32, #tpu.memory_space<vmem>>, vector<16xf32>,
      %get3A_1313 = vector.shape_cast %get3A_1312 : vector<16xf32> to vector<16xf32>
      %add3A_1314 = arith.addf %add3A_1306, %get3A_1313 : vector<16xf32>
      %mul3A_1315 = arith.constant 16 : i32
      %mul3A_1316 = arith.muli %scan3A_1202, %mul3A_1315 : i32
      %add3A_1317 = arith.constant 7168 : i32
      %add3A_1318 = arith.addi %add3A_1317, %mul3A_1316 : i32
      %get3A_1319 = arith.index_cast %add3A_1318 : i32 to index
      %get3A_1320 = tpu.vector_load %arg6[%get3A_1319] {strides = array<i32>} : memref<13312xf32, #tpu.memory_space<vmem>>, vector<16xf32>,
      %get3A_1321 = vector.shape_cast %get3A_1320 : vector<16xf32> to vector<16xf32>
      %add3A_1322 = arith.addf %add3A_1314, %get3A_1321 : vector<16xf32>
      %mul3A_1323 = arith.constant 16 : i32
      %mul3A_1324 = arith.muli %scan3A_1202, %mul3A_1323 : i32
      %add3A_1325 = arith.constant 7680 : i32
      %add3A_1326 = arith.addi %add3A_1325, %mul3A_1324 : i32
      %get3A_1327 = arith.index_cast %add3A_1326 : i32 to index
      %get3A_1328 = tpu.vector_load %arg6[%get3A_1327] {strides = array<i32>} : memref<13312xf32, #tpu.memory_space<vmem>>, vector<16xf32>,
      %get3A_1329 = vector.shape_cast %get3A_1328 : vector<16xf32> to vector<16xf32>
      %add3A_1330 = arith.addf %add3A_1322, %get3A_1329 : vector<16xf32>
      %mul3A_1331 = arith.constant 16 : i32
      %mul3A_1332 = arith.muli %scan3A_1202, %mul3A_1331 : i32
      %add3A_1333 = arith.constant 8192 : i32
      %add3A_1334 = arith.addi %add3A_1333, %mul3A_1332 : i32
      %get3A_1335 = arith.index_cast %add3A_1334 : i32 to index
      %get3A_1336 = tpu.vector_load %arg6[%get3A_1335] {strides = array<i32>} : memref<13312xf32, #tpu.memory_space<vmem>>, vector<16xf32>,
      %get3A_1337 = vector.shape_cast %get3A_1336 : vector<16xf32> to vector<16xf32>
      %add3A_1338 = arith.addf %add3A_1330, %get3A_1337 : vector<16xf32>
      %mul3A_1339 = arith.constant 16 : i32
      %mul3A_1340 = arith.muli %scan3A_1202, %mul3A_1339 : i32
      %add3A_1341 = arith.constant 8704 : i32
      %add3A_1342 = arith.addi %add3A_1341, %mul3A_1340 : i32
      %get3A_1343 = arith.index_cast %add3A_1342 : i32 to index
      %get3A_1344 = tpu.vector_load %arg6[%get3A_1343] {strides = array<i32>} : memref<13312xf32, #tpu.memory_space<vmem>>, vector<16xf32>,
      %get3A_1345 = vector.shape_cast %get3A_1344 : vector<16xf32> to vector<16xf32>
      %add3A_1346 = arith.addf %add3A_1338, %get3A_1345 : vector<16xf32>
      %mul3A_1347 = arith.constant 16 : i32
      %mul3A_1348 = arith.muli %scan3A_1202, %mul3A_1347 : i32
      %add3A_1349 = arith.constant 9216 : i32
      %add3A_1350 = arith.addi %add3A_1349, %mul3A_1348 : i32
      %get3A_1351 = arith.index_cast %add3A_1350 : i32 to index
      %get3A_1352 = tpu.vector_load %arg6[%get3A_1351] {strides = array<i32>} : memref<13312xf32, #tpu.memory_space<vmem>>, vector<16xf32>,
      %get3A_1353 = vector.shape_cast %get3A_1352 : vector<16xf32> to vector<16xf32>
      %add3A_1354 = arith.addf %add3A_1346, %get3A_1353 : vector<16xf32>
      %mul3A_1355 = arith.constant 16 : i32
      %mul3A_1356 = arith.muli %scan3A_1202, %mul3A_1355 : i32
      %add3A_1357 = arith.constant 9728 : i32
      %add3A_1358 = arith.addi %add3A_1357, %mul3A_1356 : i32
      %get3A_1359 = arith.index_cast %add3A_1358 : i32 to index
      %get3A_1360 = tpu.vector_load %arg6[%get3A_1359] {strides = array<i32>} : memref<13312xf32, #tpu.memory_space<vmem>>, vector<16xf32>,
      %get3A_1361 = vector.shape_cast %get3A_1360 : vector<16xf32> to vector<16xf32>
      %add3A_1362 = arith.addf %add3A_1354, %get3A_1361 : vector<16xf32>
      %mul3A_1363 = arith.constant 16 : i32
      %mul3A_1364 = arith.muli %scan3A_1202, %mul3A_1363 : i32
      %add3A_1365 = arith.constant 10240 : i32
      %add3A_1366 = arith.addi %add3A_1365, %mul3A_1364 : i32
      %get3A_1367 = arith.index_cast %add3A_1366 : i32 to index
      %get3A_1368 = tpu.vector_load %arg6[%get3A_1367] {strides = array<i32>} : memref<13312xf32, #tpu.memory_space<vmem>>, vector<16xf32>,
      %get3A_1369 = vector.shape_cast %get3A_1368 : vector<16xf32> to vector<16xf32>
      %add3A_1370 = arith.addf %add3A_1362, %get3A_1369 : vector<16xf32>
      %mul3A_1371 = arith.constant 16 : i32
      %mul3A_1372 = arith.muli %scan3A_1202, %mul3A_1371 : i32
      %add3A_1373 = arith.constant 10752 : i32
      %add3A_1374 = arith.addi %add3A_1373, %mul3A_1372 : i32
      %get3A_1375 = arith.index_cast %add3A_1374 : i32 to index
      %get3A_1376 = tpu.vector_load %arg6[%get3A_1375] {strides = array<i32>} : memref<13312xf32, #tpu.memory_space<vmem>>, vector<16xf32>,
      %get3A_1377 = vector.shape_cast %get3A_1376 : vector<16xf32> to vector<16xf32>
      %add3A_1378 = arith.addf %add3A_1370, %get3A_1377 : vector<16xf32>
      %mul3A_1379 = arith.constant 16 : i32
      %mul3A_1380 = arith.muli %scan3A_1202, %mul3A_1379 : i32
      %add3A_1381 = arith.constant 11264 : i32
      %add3A_1382 = arith.addi %add3A_1381, %mul3A_1380 : i32
      %get3A_1383 = arith.index_cast %add3A_1382 : i32 to index
      %get3A_1384 = tpu.vector_load %arg6[%get3A_1383] {strides = array<i32>} : memref<13312xf32, #tpu.memory_space<vmem>>, vector<16xf32>,
      %get3A_1385 = vector.shape_cast %get3A_1384 : vector<16xf32> to vector<16xf32>
      %add3A_1386 = arith.addf %add3A_1378, %get3A_1385 : vector<16xf32>
      %mul3A_1387 = arith.constant 16 : i32
      %mul3A_1388 = arith.muli %scan3A_1202, %mul3A_1387 : i32
      %add3A_1389 = arith.constant 11776 : i32
      %add3A_1390 = arith.addi %add3A_1389, %mul3A_1388 : i32
      %get3A_1391 = arith.index_cast %add3A_1390 : i32 to index
      %get3A_1392 = tpu.vector_load %arg6[%get3A_1391] {strides = array<i32>} : memref<13312xf32, #tpu.memory_space<vmem>>, vector<16xf32>,
      %get3A_1393 = vector.shape_cast %get3A_1392 : vector<16xf32> to vector<16xf32>
      %add3A_1394 = arith.addf %add3A_1386, %get3A_1393 : vector<16xf32>
      %mul3A_1395 = arith.constant 16 : i32
      %mul3A_1396 = arith.muli %scan3A_1202, %mul3A_1395 : i32
      %add3A_1397 = arith.constant 12288 : i32
      %add3A_1398 = arith.addi %add3A_1397, %mul3A_1396 : i32
      %get3A_1399 = arith.index_cast %add3A_1398 : i32 to index
      %get3A_1400 = tpu.vector_load %arg6[%get3A_1399] {strides = array<i32>} : memref<13312xf32, #tpu.memory_space<vmem>>, vector<16xf32>,
      %get3A_1401 = vector.shape_cast %get3A_1400 : vector<16xf32> to vector<16xf32>
      %add3A_1402 = arith.addf %add3A_1394, %get3A_1401 : vector<16xf32>
      %mul3A_1403 = arith.constant 16 : i32
      %mul3A_1404 = arith.muli %scan3A_1202, %mul3A_1403 : i32
      %add3A_1405 = arith.constant 12800 : i32
      %add3A_1406 = arith.addi %add3A_1405, %mul3A_1404 : i32
      %get3A_1407 = arith.index_cast %add3A_1406 : i32 to index
      %get3A_1408 = tpu.vector_load %arg6[%get3A_1407] {strides = array<i32>} : memref<13312xf32, #tpu.memory_space<vmem>>, vector<16xf32>,
      %get3A_1409 = vector.shape_cast %get3A_1408 : vector<16xf32> to vector<16xf32>
      %add3A_1410 = arith.addf %add3A_1402, %get3A_1409 : vector<16xf32>
      %mul3A_1411 = arith.constant 0.0384615399 : f32
      %mul3A_1412 = vector.broadcast %mul3A_1411 : f32 to vector<16xf32>
      %mul3A_1413 = arith.mulf %add3A_1410, %mul3A_1412 : vector<16xf32>
      %neg3A = arith.constant 0.000000e+00 : f32
      %neg3A_1414 = vector.broadcast %neg3A : f32 to vector<16xf32>
      %neg3A_1415 = arith.subf %neg3A_1414, %mul3A_1413 : vector<16xf32>
      %exp3A = math.exp %neg3A_1415 : vector<16xf32>
      %add3A_1416 = arith.constant 1.000000e+00 : f32
      %add3A_1417 = vector.broadcast %add3A_1416 : f32 to vector<16xf32>
      %add3A_1418 = arith.addf %add3A_1417, %exp3A : vector<16xf32>
      %div3A = arith.constant 1.000000e+00 : f32
      %div3A_1419 = vector.broadcast %div3A : f32 to vector<16xf32>
      %div3A_1420 = arith.divf %div3A_1419, %add3A_1418 : vector<16xf32>
      %mul3A_1421 = arith.constant 16 : i32
      %mul3A_1422 = arith.muli %scan3A_1202, %mul3A_1421 : i32
      %swap3A = arith.index_cast %mul3A_1422 : i32 to index
      %swap3A_1423 = tpu.vector_load %arg7[%swap3A] {strides = array<i32>} : memref<512xf32, #tpu.memory_space<vmem>>, vector<16xf32>,
      %swap3A_1424 = vector.shape_cast %swap3A_1423 : vector<16xf32> to vector<16xf32>
      %swap3A_1425 = vector.shape_cast %div3A_1420 : vector<16xf32> to vector<16xf32>
      tpu.vector_store %arg7[%swap3A], %swap3A_1425 {strides = array<i32>} : memref<512xf32, #tpu.memory_space<vmem>>, vector<16xf32>,
    }
    %scan3A_1201 = arith.constant 32 : i32
    "tpu.region"() ({
      %run_scoped3A = tpu.sem_alloc : memref<!tpu.dma_semaphore, #tpu.memory_space<semaphore_mem>>
      %dma_start3A_1202 = tpu.memref_slice %arg4[%mul3A_2] : memref<16384xf32, #tpu.memory_space<hbm>> -> memref<512xf32, #tpu.memory_space<hbm>>
      %dma_start3A_1203 = tpu.memref_slice %arg4[%mul3A_2] : memref<16384xf32, #tpu.memory_space<hbm>> -> memref<512xf32, #tpu.memory_space<hbm>>
      tpu.enqueue_dma source(%arg7 : memref<512xf32, #tpu.memory_space<vmem>>) target(%dma_start3A_1203 : memref<512xf32, #tpu.memory_space<hbm>>) target_semaphore(%run_scoped3A : memref<!tpu.dma_semaphore, #tpu.memory_space<semaphore_mem>>)
      %dma_wait3A_1204 = tpu.memref_slice %arg4[%mul3A_2] : memref<16384xf32, #tpu.memory_space<hbm>> -> memref<512xf32, #tpu.memory_space<hbm>>
      %dma_wait3A_1205 = tpu.memref_slice %arg4[%mul3A_2] : memref<16384xf32, #tpu.memory_space<hbm>> -> memref<512xf32, #tpu.memory_space<hbm>>
      tpu.wait_dma2 semaphore(%run_scoped3A : memref<!tpu.dma_semaphore, #tpu.memory_space<semaphore_mem>>) src(%arg7 : memref<512xf32, #tpu.memory_space<vmem>>) dst(%dma_wait3A_1205 : memref<512xf32, #tpu.memory_space<hbm>>)
      tpu.yield
    }) : () -> ()
    return
  }
}

</mosaic_0001>

<sc_bundles>
// kernel: kernel.3.cloned.1.call-start
scs
__scs_entry_jumppad:
0x0: {  	(pc) =	sbr.rel $0x88, $3  }
0x1: {  	(tag) =	ssettag $0x0;
	lr =	simm.s32 $0x1  }
0x2: {  	[smem:$0x3F9F] =	sst lr;
	_ =	strace $0xD0000000  }
0x3: {  	_ = 	snop  }
0x4: {  	_ = 	snop  }
0x5: {  	_ = 	snop  }
0x6: {  	_ = 	snop  }
0x7: {  	_ = 	snop  }
__scs_overlays_trampoline_lowered:
0x8: {  	[smem:$0x3FAE] =	sst s0  }
0x9: {  	[smem:$0x3FAF] =	sst s1  }
0xa: {  	[smem:$0x3FB0] =	sst s2  }
0xb: {  	[smem:$0x3FB1] =	sst s3  }
0xc: {  	[smem:$0x3FB2] =	sst s4  }
0xd: {  	[smem:$0x3FB3] =	sst s5  }
0xe: {  	[smem:$0x3FB4] =	sst s6  }
0xf: {  	[smem:$0x3FB5] =	sst s7  }
0x10: {  	[smem:$0x3FB6] =	sst s8  }
0x11: {  	[smem:$0x3FB7] =	sst s9;
	s0 =	simm.s32 @!p0 $0x0  }
0x12: {  	s1 =	sld [smem:$0x3F9D];
	s0 =	simm.s32 @p0 $0x1  }
0x13: {  	[smem:$0x3FB8] =	sst s0;
	s0 =	simm.s32 @!p1 $0x0  }
0x14: {  	s2 =	sld [smem:$0x3F9C];
	s0 =	simm.s32 @p1 $0x1  }
0x15: {  	[smem:$0x3FB9] =	sst s0;
	s0 =	simm.s32 @!p2 $0x0  }
0x16: {  	s3 =	sld [smem:$0x3FDB];
	s0 =	simm.s32 @p2 $0x1  }
0x17: {  	s4 =	simm.s32 $0x1BF5;
	[smem:$0x3FBB] =	sst s0  }
0x18: {  	s0 =	sld [smem:$0x3F9E];
	_ =	swait.ge [sflag:s4], $0x0  }
0x19: {  	s7 =	sld [smem:$0x3F9F]  }
0x1a: {  	s8 =	sadd.s32 $0xFFFFE003, lr  }
0x1b: {  	s9 =	sadd.s32 $0xFFFFFEF7, lr;
	s5 =	simm.s32 $0xFFFFFFFF;
	p2 =	slt.u32 s8, $0xFFFFF086  }
0x1c: {  	p1 =	slt.u32 s9, $0xF7A;
	s5 =	simm.s32 @!p2 $0x0  }
0x1d: {  	s5 =	simm.s32 @p1 $0x1;
	p0 =	seq.s32 s7, s2  }
0x1e: {  	s7 =	smul.u32 @!p0 $0xF7A, s2;
	p2 =	seq.s32 @!p0 s5, $0x0  }
0x1f: {  	s9 =	smul.u32 $0xF7A, s1;
	s8 =	simm.s32 @!p0 $0x1BF5;
	p2 =	por !p2, p0  }
0x20: {  	[sflag:s8] =	ssyncset.s32 @!p0 $0xFFFFF086;
	s6 =	sadd.s32 @!p0 s3, s7;
	s7 =	simm.s32 @!p0 $0x108  }
0x21: {  	s3 =	sadd.s32 s3, s9;
	s6 =	sadd.s32 @!p0 $0x88, s6;
	s7 =	simm.s32 @p2 $0x1082  }
0x22: {  	[simem:s7], [sflag:s8] =	dma.local @!p0 [hbm:s6], $0xF7A  }
0x23: {  	s9 =	sor.u32 $0xD0000000, s2;
	s6 =	simm.s32 $0x108;
	_ =	swait.ge @!p0 [sflag:s8], $0x0  }
0x24: {  	s3 =	sadd.s32 $0x88, s3;
	s6 =	simm.s32 @!p1 $0x1082;
	[sflag:s4] =	ssyncset.s32 $0xFFFFF086  }
0x25: {  	[simem:s6], [sflag:s4] =	dma.local [hbm:s3], $0xF7A  }
0x26: {  	[smem:$0x3F9F] =	sst s1;
	(tag) =	ssettag s2;
	_ =	strace s9  }
0x27: {  	s1 =	sld [smem:$0x3FAF]  }
0x28: {  	s2 =	sld [smem:$0x3FB0]  }
0x29: {  	s4 =	sld [smem:$0x3FB2]  }
0x2a: {  	p0 =	seq.s32 s5, $0x0;
	s5 =	sld [smem:$0x3FB3]  }
0x2b: {  	s6 =	sld [smem:$0x3FB4]  }
0x2c: {  	s7 =	sld [smem:$0x3FB5]  }
0x2d: {  	s3 =	simm.s32 $0x108;
	s8 =	sld [smem:$0x3FB6]  }
0x2e: {  	s3 =	simm.s32 @!p0 $0x1082;
	s9 =	sld [smem:$0x3FB7]  }
0x2f: {  	lr =	sadd.s32 s0, s3;
	s0 =	sld [smem:$0x3FAE]  }
0x30: {  	s3 =	sld [smem:$0x3FB1]  }
0x31: {  	[smem:$0x3FBA] =	sst s10  }
0x32: {  	s10 =	sld [smem:$0x3FB8];
	_ =	sdelay $0x3  }
0x33: {  	p0 =	seq.s32 s10, $0x1;
	s10 =	sld [smem:$0x3FBA];
	_ =	sdelay $0x3  }
0x34: {  	[smem:$0x3FBA] =	sst s10  }
0x35: {  	s10 =	sld [smem:$0x3FB9];
	_ =	sdelay $0x3  }
0x36: {  	p1 =	seq.s32 s10, $0x1;
	s10 =	sld [smem:$0x3FBA];
	_ =	sdelay $0x3  }
0x37: {  	[smem:$0x3FBA] =	sst s10  }
0x38: {  	s10 =	sld [smem:$0x3FBB]  }
0x39: {  	_ = 	snop;
	(pc) =	sbr.ind lr, $3  }
0x3a: {  	_ = 	snop  }
0x3b: {  	_ = 	snop  }
0x3c: {  	p2 =	seq.s32 s10, $0x1;
	s10 =	sld [smem:$0x3FBA]  }
0x3d: {  	_ =	shalt  }
0x3e: {  	_ =	shalt  }
0x3f: {  	_ =	shalt  }
0x40: {  	_ =	shalt  }
0x41: {  	_ =	shalt  }
0x42: {  	_ =	shalt  }
0x43: {  	_ =	shalt  }
0x44: {  	_ =	shalt  }
0x45: {  	_ =	shalt  }
0x46: {  	_ =	shalt  }
0x47: {  	_ =	shalt  }
0x48: {  	_ =	shalt  }
0x49: {  	_ =	shalt  }
0x4a: {  	_ =	shalt  }
0x4b: {  	_ =	shalt  }
0x4c: {  	_ =	shalt  }
0x4d: {  	_ =	shalt  }
0x4e: {  	_ =	shalt  }
0x4f: {  	_ =	shalt  }
0x50: {  	_ =	shalt  }
0x51: {  	_ =	shalt  }
0x52: {  	_ =	shalt  }
0x53: {  	_ =	shalt  }
0x54: {  	_ =	shalt  }
0x55: {  	_ =	shalt  }
0x56: {  	_ =	shalt  }
0x57: {  	_ =	shalt  }
0x58: {  	_ =	shalt  }
0x59: {  	_ =	shalt  }
0x5a: {  	_ =	shalt  }
0x5b: {  	_ =	shalt  }
0x5c: {  	_ =	shalt  }
0x5d: {  	_ =	shalt  }
0x5e: {  	_ =	shalt  }
0x5f: {  	_ =	shalt  }
0x60: {  	_ =	shalt  }
0x61: {  	_ =	shalt  }
0x62: {  	_ =	shalt  }
0x63: {  	_ =	shalt  }
0x64: {  	_ =	shalt  }
0x65: {  	_ =	shalt  }
0x66: {  	_ =	shalt  }
0x67: {  	_ =	shalt  }
0x68: {  	_ =	shalt  }
0x69: {  	_ =	shalt  }
0x6a: {  	_ =	shalt  }
0x6b: {  	_ =	shalt  }
0x6c: {  	_ =	shalt  }
0x6d: {  	_ =	shalt  }
0x6e: {  	_ =	shalt  }
0x6f: {  	_ =	shalt  }
0x70: {  	_ =	shalt  }
0x71: {  	_ =	shalt  }
0x72: {  	_ =	shalt  }
0x73: {  	_ =	shalt  }
0x74: {  	_ =	shalt  }
0x75: {  	_ =	shalt  }
0x76: {  	_ =	shalt  }
0x77: {  	_ =	shalt  }
0x78: {  	_ =	shalt  }
0x79: {  	_ =	shalt  }
0x7a: {  	_ =	shalt  }
0x7b: {  	_ =	shalt  }
0x7c: {  	_ =	shalt  }
0x7d: {  	_ =	shalt  }
0x7e: {  	_ =	shalt  }
0x7f: {  	_ =	shalt  }
0x80: {  	_ =	shalt  }
0x81: {  	_ =	shalt  }
0x82: {  	_ =	shalt  }
0x83: {  	_ =	shalt  }
0x84: {  	_ =	shalt  }
0x85: {  	_ =	shalt  }
0x86: {  	_ =	shalt  }
0x87: {  	_ =	shalt  }
.Lfunc_end0:
.L_simem_size_0:
called_computation_lowered:
.L_overlay_start_0:
0x88: {  	s2 =	sld [smem:$0x3FD9]  }
0x89: {  	s3 =	sld [smem:$0x3FFE];
	_ =	sdelay $0x1  }
0x8a: {  	s1 =	srdreg.scid  }
0x8b: {  	s0 =	sand.u32 $0x1, s1  }
0x8c: {  	s18 =	sshll.u32 s0, $0xA;
	s2 =	sadd.s32 s3, s2  }
0x8d: {  	s2 =	sadd.s32 s2, s18  }
0x8e: {  	[smem:$0x3FC6] =	sst s2  }
0x8f: {  	_ = 	snop  }
0x90: {  	s2 =	sld [smem:$0x3FC9]  }
0x91: {  	s19 =	sld [smem:$0x3FC8]  }
0x92: {  	s4 =	sld [smem:$0x3FD0];
	(tm) =	ssettm $0x1  }
0x93: {  	s5 =	sld [smem:$0x3FFB];
	_ =	sdelay $0x3  }
0x94: {  	_ =	strace s5  }
0x95: {  	s5 =	sld [smem:$0x3FFC];
	_ =	sdelay $0x3  }
0x96: {  	_ =	strace s5  }
0x97: {  	s5 =	sld [smem:$0x3FFD];
	_ =	sdelay $0x3  }
0x98: {  	_ =	strace s5  }
0x99: {  	_ =	strace $0x8FFFFFFF  }
0x9a: {  	s20 =	sld [smem:$0x3FDB];
	_ =	sdelay $0x1  }
0x9b: {  	s6 =	simm.s32 $_scs_section_size  }
0x9c: {  	s7 =	simm.s32 $_size__tile_overlayer_lowered;
	s8 =	simm.s32 $_tile_overlayer_lowered  }
0x9d: {  	s23 =	simm.s32 $0x1BFF;
	s22 =	sshll.u32 s8, $0x1;
	s5 =	sadd.s32 s6, s20  }
0x9e: {  	s9 =	simm.s32 $0x0;
	s21 =	sshll.u32 s7, $0x1;
	s7 =	sadd.s32 s22, s5  }
0x9f: {  	[timem:s9], [sflag:s23] =	dma.local [hbm:s7], s21  }
0xa0: {  	_ =	swait.ge [sflag:s23], s21  }
0xa1: {  	s6 =	ssub.s32 $0x0, s21;
	[sflag:s23] =	ssyncset.done $0x0  }
0xa2: {  	[sflag:s23] =	ssyncadd.s32 s6;
	_ =	sdelay $0x1  }
0xa3: {  	s24 =	simm.s32 $0x1B8B  }
0xa4: {  	_ =	swait.ge [sflag:s24], $0x1  }
0xa5: {  	[sflag:s24] =	ssyncset.done $0x0  }
0xa6: {  	s25 =	simm.s32 $0x1B8E;
	[sflag:s24] =	ssyncadd.s32 $0xFFFFFFFF  }
0xa7: {  	s26 =	simm.s32 $execute0_lowered;
	[smem:$0x3FD2] =	sst s25  }
0xa8: {  	s6 =	sshll.u32 s26, $0x1;
	_ =	strace $0x80000046;
	[dreg:$0x1] =	wrdreg $0xFFFFFFFF  }
0xa9: {  	s28 =	simm.s32 $_size_execute0_lowered;
	s5 =	sadd.s32 s5, s6;
	[dreg:$0x0] =	wrdreg $0x0  }
0xaa: {  	s6 =	sshll.u32 s28, $0x1;
	[dreg:$0x2] =	wrdreg s5  }
0xab: {  	[dreg:$0x3] =	wrdreg s6  }
0xac: {  	[dreg:$0x4] =	wrdreg $0xC0  }
0xad: {  	_ =	task [dreg:s9], $0x5FFFF  }
0xae: {  	[dreg:$0x1] =	wrdreg $0xFFFFFFFF  }
0xaf: {  	[dreg:$0x0] =	wrdreg $0x60  }
0xb0: {  	[dreg:$0x2] =	wrdreg s19  }
0xb1: {  	[dreg:$0x3] =	wrdreg s2  }
0xb2: {  	[dreg:$0x4] =	wrdreg s4  }
0xb3: {  	[dreg:$0x5] =	wrdreg $0x9  }
0xb4: {  	_ =	task.clear_ibuf [dreg:s9], $0x6FFFF;
	_ =	strace $0x90000046  }
0xb5: {  	s29 =	simm.s32 $0x9;
	_ =	strace $0x80000048  }
0xb6: {  	_ =	swait.ge [sflag:s29], $0x1  }
0xb7: {  	[sflag:s29] =	ssyncadd.s32 $0xFFFFFFFF  }
0xb8: {  	_ =	strace $0x90000048  }
0xb9: {  	_ =	sfence  }
0xba: {  	s30 =	sld [smem:$0x0];
	_ =	sdelay $0x2  }
0xbb: {  	s31 =	sshll.u32 s1, $0xD;
	s1 =	sshrl.u32 s1, $0x2  }
0xbc: {  	s3 =	sand.u32 $0x4000, s31;
	s1 =	sadd.s32 s1, s30  }
0xbd: {  	s0 =	sor.u32 s3, s0;
	s1 =	sshll.u32 s1, $0x11  }
0xbe: {  	s0 =	sor.u32 s1, s0  }
0xbf: {  	s0 =	sadd.s32 $0x8F2B, s0  }
0xc0: {  	[sflag:s0] =	ssyncadd.remote.s32 $0x1  }
0xc1: {  	_ =	sfence.sel $0xFFFF  }
0xc2: {  	[dreg:$0x0] =	wrdreg $0xFFFFFFFF;
	(pc) =	sbr.abs _section_cstart, $3  }
0xc3: {  	[dreg:$0x1] =	wrdreg $0xFFFFFFFF  }
0xc4: {  	_ =	task.clear_ibuf [dreg:s9], $0x2FFFF;
	_ =	strace $0x9FFFFFFF  }
0xc5: {  	(tm) =	ssettm $0x7FFFFFFF  }
tec
execute0_lowered:
.L_overlay_start_1:
0x0: {  	(tag) =	ssettag $0x1  }
0x1: {  	s1 =	rddreg [dreg:$0x0];
	s4 =	srdreg.scid  }
0x2: {  	s0 =	rddreg [dreg:$0x1];
	s6 =	stileid.u32;
	s4 =	sand.u32 $0x1, s4  }
0x3: {  	s6 =	sshll.u32 s6, $0xA;
	s5 =	ssub.s32 $0x2, s4;
	s4 =	sshll.u32 s4, $0x9  }
0x4: {  	s2 =	rddreg [dreg:$0x2];
	s3 =	simm.s32 $0x0;
	s6 =	sor.u32 s4, s6  }
0x5: {  	[smem:$0x7FF] =	sst s3;
	s4 =	sadd.s32 s0, s6  }
0x6: {  	_ =	strace $0x80000047;
	s0 =	sadd.s32 $0x10, s4;
	[dreg:$0x1f] =	wrdreg s4  }
0x7: {  	s21 =	sadd.s32 $0x20, s4;
	[dreg:$0x4] =	wrdreg s0  }
0x8: {  	s22 =	sadd.s32 $0x30, s4;
	[dreg:$0x5] =	wrdreg s21  }
0x9: {  	s23 =	sadd.s32 $0x40, s4;
	[dreg:$0x6] =	wrdreg s22  }
0xa: {  	s24 =	sadd.s32 $0x50, s4;
	[dreg:$0x7] =	wrdreg s23  }
0xb: {  	s25 =	sadd.s32 $0x60, s4;
	[dreg:$0x8] =	wrdreg s24  }
0xc: {  	s7 =	sshrl.u32 s5, $0x1;
	s26 =	sadd.s32 $0x70, s4;
	[dreg:$0x9] =	wrdreg s25  }
0xd: {  	s5 =	ssub.s32 s5, s7;
	s7 =	sadd.s32 $0x4000, s4;
	[dreg:$0xa] =	wrdreg s26  }
0xe: {  	s8 =	sadd.s32 $0x4010, s4;
	[dreg:$0xb] =	wrdreg s7  }
0xf: {  	s9 =	sadd.s32 $0x4020, s4;
	[dreg:$0xc] =	wrdreg s8  }
0x10: {  	s10 =	sadd.s32 $0x4030, s4;
	[dreg:$0xd] =	wrdreg s9  }
0x11: {  	s11 =	sadd.s32 $0x4040, s4;
	[dreg:$0xe] =	wrdreg s10  }
0x12: {  	s29 =	simm.s32 $0x1;
	s12 =	sadd.s32 $0x4050, s4;
	[dreg:$0xf] =	wrdreg s11  }
0x13: {  	s31 =	simm.s32 $0x0;
	s13 =	sadd.s32 $0x4060, s4;
	[dreg:$0x10] =	wrdreg s12  }
0x14: {  	s28 =	simm.s32 $0x2600;
	s14 =	sadd.s32 $0x4070, s4;
	[dreg:$0x11] =	wrdreg s13  }
0x15: {  	s30 =	simm.s32 $0x2A00;
	s15 =	sadd.s32 $0x8000, s4;
	[dreg:$0x12] =	wrdreg s14  }
0x16: {  	s17 =	sshrl.u32 s6, $0x3;
	s16 =	sadd.s32 $0x8010, s4;
	[dreg:$0x13] =	wrdreg s15  }
0x17: {  	s6 =	simm.s32 $0x200;
	s18 =	sadd.s32 $0x8020, s4;
	[dreg:$0x14] =	wrdreg s16  }
0x18: {  	s19 =	sadd.s32 $0x8030, s4;
	s20 =	smax.u32 s5, $0x1;
	[dreg:$0x15] =	wrdreg s18  }
0x19: {  	s5 =	simm.s32 $0x400;
	s0 =	sadd.s32 s2, s17;
	[dreg:$0x17] =	wrdreg s19  }
0x1a: {  	[dreg:$0x18] =	wrdreg s20;
	s21 =	sadd.s32 $0x8040, s4;
	s22 =	sadd.s32 $0x8050, s4  }
0x1b: {  	s23 =	sadd.s32 $0x8060, s4;
	s24 =	sadd.s32 $0x8070, s4;
	[dreg:$0x16] =	wrdreg s0  }
0x1c: {  	s25 =	sadd.s32 $0xC000, s4;
	s26 =	sadd.s32 $0xC010, s4;
	[dreg:$0x19] =	wrdreg s21  }
0x1d: {  	s2 =	simm.s32 $0x80;
	s9 =	simm.s32 $0x2;
	[dreg:$0x1a] =	wrdreg s22  }
0x1e: {  	s15 =	simm.s32 $0xC00;
	s16 =	simm.s32 $0xE00;
	[dreg:$0x1b] =	wrdreg s23  }
0x1f: {  	s17 =	simm.s32 $0x1000;
	s18 =	simm.s32 $0x1200;
	[dreg:$0x1c] =	wrdreg s24  }
0x20: {  	s19 =	simm.s32 $0x1400;
	s20 =	simm.s32 $0x1600;
	[dreg:$0x1d] =	wrdreg s25  }
0x21: {  	s8 =	simm.s32 $0x2800;
	s10 =	simm.s32 $0x2C00;
	[dreg:$0x1e] =	wrdreg s26  }
0x22: {  	s21 =	simm.s32 $0x1800;
	s22 =	simm.s32 $0x1A00;
	s23 =	simm.s32 $0x1C00  }
0x23: {  	s24 =	simm.s32 $0x1E00;
	s25 =	simm.s32 $0x2000;
	s26 =	simm.s32 $0x2200  }
.LBB2_1:
0x24: {  	s0 =	rddreg [dreg:$0x1f]  }
0x25: {  	[tilespmem:s3], [sflag:$0x1] =	stream.strided.gather [hbm4b:s0+s2], $0x200, s5, s2, $0x38;
	[tilespmem:$0x6A00] =	vst v63  }
0x26: {  	s14 =	rddreg [dreg:$0x4]  }
0x27: {  	[tilespmem:s6], [sflag:$0x1] =	stream.strided.gather [hbm4b:s14+s2], $0x200, s5, s2, $0x38;
	[tilespmem:$0x6A00] =	vst v63  }
0x28: {  	s3 =	rddreg [dreg:$0x5]  }
0x29: {  	[tilespmem:s5], [sflag:$0x1] =	stream.strided.gather [hbm4b:s3+s2], $0x200, s5, s2, $0x38;
	[tilespmem:$0x6A00] =	vst v63  }
0x2a: {  	s4 =	rddreg [dreg:$0x6];
	s12 =	simm.s32 $0x600  }
0x2b: {  	[tilespmem:s12], [sflag:$0x1] =	stream.strided.gather [hbm4b:s4+s2], $0x200, s5, s2, $0x38;
	[tilespmem:$0x6A00] =	vst v63  }
0x2c: {  	s7 =	rddreg [dreg:$0x7];
	s13 =	simm.s32 $0x800  }
0x2d: {  	[tilespmem:s13], [sflag:$0x1] =	stream.strided.gather [hbm4b:s7+s2], $0x200, s5, s2, $0x38;
	[tilespmem:$0x6A00] =	vst v63  }
0x2e: {  	s11 =	rddreg [dreg:$0x8];
	s14 =	simm.s32 $0xA00  }
0x2f: {  	[tilespmem:s14], [sflag:$0x1] =	stream.strided.gather [hbm4b:s11+s2], $0x200, s5, s2, $0x38;
	[tilespmem:$0x6A00] =	vst v63  }
0x30: {  	s3 =	rddreg [dreg:$0x9]  }
0x31: {  	[tilespmem:s15], [sflag:$0x1] =	stream.strided.gather [hbm4b:s3+s2], $0x200, s5, s2, $0x38;
	[tilespmem:$0x6A00] =	vst v63  }
0x32: {  	s4 =	rddreg [dreg:$0xa]  }
0x33: {  	[tilespmem:s16], [sflag:$0x1] =	stream.strided.gather [hbm4b:s4+s2], $0x200, s5, s2, $0x38;
	[tilespmem:$0x6A00] =	vst v63  }
0x34: {  	s7 =	rddreg [dreg:$0xb]  }
0x35: {  	[tilespmem:s17], [sflag:$0x1] =	stream.strided.gather [hbm4b:s7+s2], $0x200, s5, s2, $0x38;
	[tilespmem:$0x6A00] =	vst v63  }
0x36: {  	s11 =	rddreg [dreg:$0xc]  }
0x37: {  	[tilespmem:s18], [sflag:$0x1] =	stream.strided.gather [hbm4b:s11+s2], $0x200, s5, s2, $0x38;
	[tilespmem:$0x6A00] =	vst v63  }
0x38: {  	s3 =	rddreg [dreg:$0xd]  }
0x39: {  	[tilespmem:s19], [sflag:$0x1] =	stream.strided.gather [hbm4b:s3+s2], $0x200, s5, s2, $0x38;
	[tilespmem:$0x6A00] =	vst v63  }
0x3a: {  	s4 =	rddreg [dreg:$0xe]  }
0x3b: {  	[tilespmem:s20], [sflag:$0x1] =	stream.strided.gather [hbm4b:s4+s2], $0x200, s5, s2, $0x38;
	[tilespmem:$0x6A00] =	vst v63  }
0x3c: {  	s7 =	rddreg [dreg:$0xf]  }
0x3d: {  	[tilespmem:s21], [sflag:$0x1] =	stream.strided.gather [hbm4b:s7+s2], $0x200, s5, s2, $0x38;
	[tilespmem:$0x6A00] =	vst v63  }
0x3e: {  	s11 =	rddreg [dreg:$0x10]  }
0x3f: {  	[tilespmem:s22], [sflag:$0x1] =	stream.strided.gather [hbm4b:s11+s2], $0x200, s5, s2, $0x38;
	[tilespmem:$0x6A00] =	vst v63  }
0x40: {  	s3 =	rddreg [dreg:$0x11]  }
0x41: {  	[tilespmem:s23], [sflag:$0x1] =	stream.strided.gather [hbm4b:s3+s2], $0x200, s5, s2, $0x38;
	[tilespmem:$0x6A00] =	vst v63  }
0x42: {  	s4 =	rddreg [dreg:$0x12]  }
0x43: {  	[tilespmem:s24], [sflag:$0x1] =	stream.strided.gather [hbm4b:s4+s2], $0x200, s5, s2, $0x38;
	[tilespmem:$0x6A00] =	vst v63  }
0x44: {  	s7 =	rddreg [dreg:$0x13]  }
0x45: {  	[tilespmem:s25], [sflag:$0x1] =	stream.strided.gather [hbm4b:s7+s2], $0x200, s5, s2, $0x38;
	[tilespmem:$0x6A00] =	vst v63  }
0x46: {  	s11 =	rddreg [dreg:$0x14]  }
0x47: {  	[tilespmem:s26], [sflag:$0x1] =	stream.strided.gather [hbm4b:s11+s2], $0x200, s5, s2, $0x38;
	[tilespmem:$0x6A00] =	vst v63  }
0x48: {  	s3 =	rddreg [dreg:$0x15];
	s7 =	simm.s32 $0x2400  }
0x49: {  	[tilespmem:s7], [sflag:$0x1] =	stream.strided.gather [hbm4b:s3+s2], $0x200, s5, s2, $0x38;
	[tilespmem:$0x6A00] =	vst v63  }
0x4a: {  	s4 =	rddreg [dreg:$0x17]  }
0x4b: {  	[tilespmem:s28], [sflag:$0x1] =	stream.strided.gather [hbm4b:s4+s2], $0x200, s5, s2, $0x38;
	[tilespmem:$0x6A00] =	vst v63  }
0x4c: {  	s11 =	rddreg [dreg:$0x19]  }
0x4d: {  	[tilespmem:s8], [sflag:$0x1] =	stream.strided.gather [hbm4b:s11+s2], $0x200, s5, s2, $0x38;
	[tilespmem:$0x6A00] =	vst v63  }
0x4e: {  	s3 =	rddreg [dreg:$0x1a]  }
0x4f: {  	[tilespmem:s30], [sflag:$0x1] =	stream.strided.gather [hbm4b:s3+s2], $0x200, s5, s2, $0x38;
	[tilespmem:$0x6A00] =	vst v63  }
0x50: {  	s4 =	rddreg [dreg:$0x1b]  }
0x51: {  	[tilespmem:s10], [sflag:$0x1] =	stream.strided.gather [hbm4b:s4+s2], $0x200, s5, s2, $0x38;
	[tilespmem:$0x6A00] =	vst v63  }
0x52: {  	s11 =	rddreg [dreg:$0x1c];
	s4 =	simm.s32 $0x2E00  }
0x53: {  	[tilespmem:s4], [sflag:$0x1] =	stream.strided.gather [hbm4b:s11+s2], $0x200, s5, s2, $0x38;
	[tilespmem:$0x6A00] =	vst v63  }
0x54: {  	s0 =	rddreg [dreg:$0x1d];
	s3 =	simm.s32 $0x3000  }
0x55: {  	[tilespmem:s3], [sflag:$0x1] =	stream.strided.gather [hbm4b:s0+s2], $0x200, s5, s2, $0x38;
	[tilespmem:$0x6A00] =	vst v63  }
0x56: {  	s0 =	rddreg [dreg:$0x1e];
	s3 =	simm.s32 $0x3200  }
0x57: {  	[tilespmem:s3], [sflag:$0x1] =	stream.strided.gather [hbm4b:s0+s2], $0x200, s5, s2, $0x38;
	[tilespmem:$0x6A00] =	vst v63  }
0x58: {  	_ =	swait.ge [sflag:s29], $0x200  }
0x59: {  	[sflag:s29] =	ssyncset.done $0x0  }
0x5a: {  	s11 =	simm.s32 $0x0;
	s3 =	simm.s32 $0x3400;
	[sflag:s29] =	ssyncadd.s32 $0xFFFFFE00  }
0x5b: {  	[tilespmem:s3], [sflag:$0x2] =	stream.indirect.gather [hbm4b:s1+s6], $0x1, s11, s6, $0xb8;
	[tilespmem:$0x6A00] =	vst v63  }
0x5c: {  	_ =	swait.ge [sflag:s29], $0x200  }
0x5d: {  	[sflag:s29] =	ssyncset.done $0x0  }
0x5e: {  	s3 =	simm.s32 $0x3600;
	[sflag:s29] =	ssyncadd.s32 $0xFFFFFE00  }
0x5f: {  	[tilespmem:s3], [sflag:$0x2] =	stream.indirect.gather [hbm4b:s1+s6], $0x1, s6, s6, $0xb8;
	[tilespmem:$0x6A00] =	vst v63  }
0x60: {  	_ =	swait.ge [sflag:s29], $0x200  }
0x61: {  	[sflag:s29] =	ssyncset.done $0x0  }
0x62: {  	s3 =	simm.s32 $0x3800;
	[sflag:s29] =	ssyncadd.s32 $0xFFFFFE00  }
0x63: {  	[tilespmem:s3], [sflag:$0x2] =	stream.indirect.gather [hbm4b:s1+s6], $0x1, s5, s6, $0xb8;
	[tilespmem:$0x6A00] =	vst v63  }
0x64: {  	_ =	swait.ge [sflag:s29], $0x200  }
0x65: {  	[sflag:s29] =	ssyncset.done $0x0  }
0x66: {  	s3 =	simm.s32 $0x3A00;
	[sflag:s29] =	ssyncadd.s32 $0xFFFFFE00  }
0x67: {  	[tilespmem:s3], [sflag:$0x2] =	stream.indirect.gather [hbm4b:s1+s6], $0x1, s12, s6, $0xb8;
	[tilespmem:$0x6A00] =	vst v63  }
0x68: {  	_ =	swait.ge [sflag:s29], $0x200  }
0x69: {  	[sflag:s29] =	ssyncset.done $0x0  }
0x6a: {  	s12 =	simm.s32 $0x3C00;
	[sflag:s29] =	ssyncadd.s32 $0xFFFFFE00  }
0x6b: {  	[tilespmem:s12], [sflag:$0x2] =	stream.indirect.gather [hbm4b:s1+s6], $0x1, s13, s6, $0xb8;
	[tilespmem:$0x6A00] =	vst v63  }
0x6c: {  	_ =	swait.ge [sflag:s29], $0x200  }
0x6d: {  	[sflag:s29] =	ssyncset.done $0x0  }
0x6e: {  	s13 =	simm.s32 $0x3E00;
	[sflag:s29] =	ssyncadd.s32 $0xFFFFFE00  }
0x6f: {  	[tilespmem:s13], [sflag:$0x2] =	stream.indirect.gather [hbm4b:s1+s6], $0x1, s14, s6, $0xb8;
	[tilespmem:$0x6A00] =	vst v63  }
0x70: {  	_ =	swait.ge [sflag:s29], $0x200  }
0x71: {  	[sflag:s29] =	ssyncset.done $0x0  }
0x72: {  	s3 =	simm.s32 $0x4000;
	[sflag:s29] =	ssyncadd.s32 $0xFFFFFE00  }
0x73: {  	[tilespmem:s3], [sflag:$0x2] =	stream.indirect.gather [hbm4b:s1+s6], $0x1, s15, s6, $0xb8;
	[tilespmem:$0x6A00] =	vst v63  }
0x74: {  	_ =	swait.ge [sflag:s29], $0x200  }
0x75: {  	[sflag:s29] =	ssyncset.done $0x0  }
0x76: {  	s12 =	simm.s32 $0x4200;
	[sflag:s29] =	ssyncadd.s32 $0xFFFFFE00  }
0x77: {  	[tilespmem:s12], [sflag:$0x2] =	stream.indirect.gather [hbm4b:s1+s6], $0x1, s16, s6, $0xb8;
	[tilespmem:$0x6A00] =	vst v63  }
0x78: {  	_ =	swait.ge [sflag:s29], $0x200  }
0x79: {  	[sflag:s29] =	ssyncset.done $0x0  }
0x7a: {  	s13 =	simm.s32 $0x4400;
	[sflag:s29] =	ssyncadd.s32 $0xFFFFFE00  }
0x7b: {  	[tilespmem:s13], [sflag:$0x2] =	stream.indirect.gather [hbm4b:s1+s6], $0x1, s17, s6, $0xb8;
	[tilespmem:$0x6A00] =	vst v63  }
0x7c: {  	_ =	swait.ge [sflag:s29], $0x200  }
0x7d: {  	[sflag:s29] =	ssyncset.done $0x0  }
0x7e: {  	s14 =	simm.s32 $0x4600;
	[sflag:s29] =	ssyncadd.s32 $0xFFFFFE00  }
0x7f: {  	[tilespmem:s14], [sflag:$0x2] =	stream.indirect.gather [hbm4b:s1+s6], $0x1, s18, s6, $0xb8;
	[tilespmem:$0x6A00] =	vst v63  }
0x80: {  	_ =	swait.ge [sflag:s29], $0x200  }
0x81: {  	[sflag:s29] =	ssyncset.done $0x0  }
0x82: {  	s3 =	simm.s32 $0x4800;
	[sflag:s29] =	ssyncadd.s32 $0xFFFFFE00  }
0x83: {  	[tilespmem:s3], [sflag:$0x2] =	stream.indirect.gather [hbm4b:s1+s6], $0x1, s19, s6, $0xb8;
	[tilespmem:$0x6A00] =	vst v63  }
0x84: {  	_ =	swait.ge [sflag:s29], $0x200  }
0x85: {  	[sflag:s29] =	ssyncset.done $0x0  }
0x86: {  	s12 =	simm.s32 $0x4A00;
	[sflag:s29] =	ssyncadd.s32 $0xFFFFFE00  }
0x87: {  	[tilespmem:s12], [sflag:$0x2] =	stream.indirect.gather [hbm4b:s1+s6], $0x1, s20, s6, $0xb8;
	[tilespmem:$0x6A00] =	vst v63  }
0x88: {  	_ =	swait.ge [sflag:s29], $0x200  }
0x89: {  	[sflag:s29] =	ssyncset.done $0x0  }
0x8a: {  	s13 =	simm.s32 $0x4C00;
	[sflag:s29] =	ssyncadd.s32 $0xFFFFFE00  }
0x8b: {  	[tilespmem:s13], [sflag:$0x2] =	stream.indirect.gather [hbm4b:s1+s6], $0x1, s21, s6, $0xb8;
	[tilespmem:$0x6A00] =	vst v63  }
0x8c: {  	_ =	swait.ge [sflag:s29], $0x200  }
0x8d: {  	[sflag:s29] =	ssyncset.done $0x0  }
0x8e: {  	s14 =	simm.s32 $0x4E00;
	[sflag:s29] =	ssyncadd.s32 $0xFFFFFE00  }
0x8f: {  	[tilespmem:s14], [sflag:$0x2] =	stream.indirect.gather [hbm4b:s1+s6], $0x1, s22, s6, $0xb8;
	[tilespmem:$0x6A00] =	vst v63  }
0x90: {  	_ =	swait.ge [sflag:s29], $0x200  }
0x91: {  	[sflag:s29] =	ssyncset.done $0x0  }
0x92: {  	s3 =	simm.s32 $0x5000;
	[sflag:s29] =	ssyncadd.s32 $0xFFFFFE00  }
0x93: {  	[tilespmem:s3], [sflag:$0x2] =	stream.indirect.gather [hbm4b:s1+s6], $0x1, s23, s6, $0xb8;
	[tilespmem:$0x6A00] =	vst v63  }
0x94: {  	_ =	swait.ge [sflag:s29], $0x200  }
0x95: {  	[sflag:s29] =	ssyncset.done $0x0  }
0x96: {  	s12 =	simm.s32 $0x5200;
	[sflag:s29] =	ssyncadd.s32 $0xFFFFFE00  }
0x97: {  	[tilespmem:s12], [sflag:$0x2] =	stream.indirect.gather [hbm4b:s1+s6], $0x1, s24, s6, $0xb8;
	[tilespmem:$0x6A00] =	vst v63  }
0x98: {  	_ =	swait.ge [sflag:s29], $0x200  }
0x99: {  	[sflag:s29] =	ssyncset.done $0x0  }
0x9a: {  	s13 =	simm.s32 $0x5400;
	[sflag:s29] =	ssyncadd.s32 $0xFFFFFE00  }
0x9b: {  	[tilespmem:s13], [sflag:$0x2] =	stream.indirect.gather [hbm4b:s1+s6], $0x1, s25, s6, $0xb8;
	[tilespmem:$0x6A00] =	vst v63  }
0x9c: {  	_ =	swait.ge [sflag:s29], $0x200  }
0x9d: {  	[sflag:s29] =	ssyncset.done $0x0  }
0x9e: {  	s14 =	simm.s32 $0x5600;
	[sflag:s29] =	ssyncadd.s32 $0xFFFFFE00  }
0x9f: {  	[tilespmem:s14], [sflag:$0x2] =	stream.indirect.gather [hbm4b:s1+s6], $0x1, s26, s6, $0xb8;
	[tilespmem:$0x6A00] =	vst v63  }
0xa0: {  	_ =	swait.ge [sflag:s29], $0x200  }
0xa1: {  	[sflag:s29] =	ssyncset.done $0x0  }
0xa2: {  	s3 =	simm.s32 $0x5800;
	[sflag:s29] =	ssyncadd.s32 $0xFFFFFE00  }
0xa3: {  	[tilespmem:s3], [sflag:$0x2] =	stream.indirect.gather [hbm4b:s1+s6], $0x1, s7, s6, $0xb8;
	[tilespmem:$0x6A00] =	vst v63  }
0xa4: {  	_ =	swait.ge [sflag:s29], $0x200  }
0xa5: {  	[sflag:s29] =	ssyncset.done $0x0  }
0xa6: {  	s11 =	simm.s32 $0x5A00;
	[sflag:s29] =	ssyncadd.s32 $0xFFFFFE00  }
0xa7: {  	[tilespmem:s11], [sflag:$0x2] =	stream.indirect.gather [hbm4b:s1+s6], $0x1, s28, s6, $0xb8;
	[tilespmem:$0x6A00] =	vst v63  }
0xa8: {  	_ =	swait.ge [sflag:s29], $0x200  }
0xa9: {  	[sflag:s29] =	ssyncset.done $0x0  }
0xaa: {  	s12 =	simm.s32 $0x5C00;
	[sflag:s29] =	ssyncadd.s32 $0xFFFFFE00  }
0xab: {  	[tilespmem:s12], [sflag:$0x2] =	stream.indirect.gather [hbm4b:s1+s6], $0x1, s8, s6, $0xb8;
	[tilespmem:$0x6A00] =	vst v63  }
0xac: {  	_ =	swait.ge [sflag:s29], $0x200  }
0xad: {  	[sflag:s29] =	ssyncset.done $0x0  }
0xae: {  	s13 =	simm.s32 $0x5E00;
	[sflag:s29] =	ssyncadd.s32 $0xFFFFFE00  }
0xaf: {  	[tilespmem:s13], [sflag:$0x2] =	stream.indirect.gather [hbm4b:s1+s6], $0x1, s30, s6, $0xb8;
	[tilespmem:$0x6A00] =	vst v63  }
0xb0: {  	_ =	swait.ge [sflag:s29], $0x200  }
0xb1: {  	[sflag:s29] =	ssyncset.done $0x0  }
0xb2: {  	s14 =	simm.s32 $0x6000;
	[sflag:s29] =	ssyncadd.s32 $0xFFFFFE00  }
0xb3: {  	[tilespmem:s14], [sflag:$0x2] =	stream.indirect.gather [hbm4b:s1+s6], $0x1, s10, s6, $0xb8;
	[tilespmem:$0x6A00] =	vst v63  }
0xb4: {  	_ =	swait.ge [sflag:s29], $0x200  }
0xb5: {  	[sflag:s29] =	ssyncset.done $0x0  }
0xb6: {  	s3 =	simm.s32 $0x6200;
	[sflag:s29] =	ssyncadd.s32 $0xFFFFFE00  }
0xb7: {  	[tilespmem:s3], [sflag:$0x2] =	stream.indirect.gather [hbm4b:s1+s6], $0x1, s4, s6, $0xb8;
	[tilespmem:$0x6A00] =	vst v63  }
0xb8: {  	_ =	swait.ge [sflag:s29], $0x200  }
0xb9: {  	[sflag:s29] =	ssyncset.done $0x0  }
0xba: {  	s7 =	simm.s32 $0x6400;
	s11 =	simm.s32 $0x3000;
	[sflag:s29] =	ssyncadd.s32 $0xFFFFFE00  }
0xbb: {  	[tilespmem:s7], [sflag:$0x2] =	stream.indirect.gather [hbm4b:s1+s6], $0x1, s11, s6, $0xb8;
	[tilespmem:$0x6A00] =	vst v63  }
0xbc: {  	_ =	swait.ge [sflag:s29], $0x200  }
0xbd: {  	[sflag:s29] =	ssyncset.done $0x0  }
0xbe: {  	s0 =	simm.s32 $0x3200;
	s12 =	simm.s32 $0x6600;
	[sflag:s29] =	ssyncadd.s32 $0xFFFFFE00  }
0xbf: {  	[tilespmem:s12], [sflag:$0x2] =	stream.indirect.gather [hbm4b:s1+s6], $0x1, s0, s6, $0xb8;
	[tilespmem:$0x6A00] =	vst v63  }
0xc0: {  	_ =	swait.ge [sflag:s9], $0x200  }
0xc1: {  	[sflag:s9] =	ssyncset.done $0x0  }
0xc2: {  	[sflag:s9] =	ssyncadd.s32 $0xFFFFFE00  }
0xc3: {  	_ =	swait.ge [sflag:s9], $0x200  }
0xc4: {  	[sflag:s9] =	ssyncset.done $0x0  }
0xc5: {  	[sflag:s9] =	ssyncadd.s32 $0xFFFFFE00  }
0xc6: {  	_ =	swait.ge [sflag:s9], $0x200  }
0xc7: {  	[sflag:s9] =	ssyncset.done $0x0  }
0xc8: {  	[sflag:s9] =	ssyncadd.s32 $0xFFFFFE00  }
0xc9: {  	_ =	swait.ge [sflag:s9], $0x200  }
0xca: {  	[sflag:s9] =	ssyncset.done $0x0  }
0xcb: {  	[sflag:s9] =	ssyncadd.s32 $0xFFFFFE00  }
0xcc: {  	_ =	swait.ge [sflag:s9], $0x200  }
0xcd: {  	[sflag:s9] =	ssyncset.done $0x0  }
0xce: {  	[sflag:s9] =	ssyncadd.s32 $0xFFFFFE00  }
0xcf: {  	_ =	swait.ge [sflag:s9], $0x200  }
0xd0: {  	[sflag:s9] =	ssyncset.done $0x0  }
0xd1: {  	[sflag:s9] =	ssyncadd.s32 $0xFFFFFE00  }
0xd2: {  	_ =	swait.ge [sflag:s9], $0x200  }
0xd3: {  	[sflag:s9] =	ssyncset.done $0x0  }
0xd4: {  	[sflag:s9] =	ssyncadd.s32 $0xFFFFFE00  }
0xd5: {  	_ =	swait.ge [sflag:s9], $0x200  }
0xd6: {  	[sflag:s9] =	ssyncset.done $0x0  }
0xd7: {  	[sflag:s9] =	ssyncadd.s32 $0xFFFFFE00  }
0xd8: {  	_ =	swait.ge [sflag:s9], $0x200  }
0xd9: {  	[sflag:s9] =	ssyncset.done $0x0  }
0xda: {  	[sflag:s9] =	ssyncadd.s32 $0xFFFFFE00  }
0xdb: {  	_ =	swait.ge [sflag:s9], $0x200  }
0xdc: {  	[sflag:s9] =	ssyncset.done $0x0  }
0xdd: {  	[sflag:s9] =	ssyncadd.s32 $0xFFFFFE00  }
0xde: {  	_ =	swait.ge [sflag:s9], $0x200  }
0xdf: {  	[sflag:s9] =	ssyncset.done $0x0  }
0xe0: {  	[sflag:s9] =	ssyncadd.s32 $0xFFFFFE00  }
0xe1: {  	_ =	swait.ge [sflag:s9], $0x200  }
0xe2: {  	[sflag:s9] =	ssyncset.done $0x0  }
0xe3: {  	[sflag:s9] =	ssyncadd.s32 $0xFFFFFE00  }
0xe4: {  	_ =	swait.ge [sflag:s9], $0x200  }
0xe5: {  	[sflag:s9] =	ssyncset.done $0x0  }
0xe6: {  	[sflag:s9] =	ssyncadd.s32 $0xFFFFFE00  }
0xe7: {  	_ =	swait.ge [sflag:s9], $0x200  }
0xe8: {  	[sflag:s9] =	ssyncset.done $0x0  }
0xe9: {  	[sflag:s9] =	ssyncadd.s32 $0xFFFFFE00  }
0xea: {  	_ =	swait.ge [sflag:s9], $0x200  }
0xeb: {  	[sflag:s9] =	ssyncset.done $0x0  }
0xec: {  	[sflag:s9] =	ssyncadd.s32 $0xFFFFFE00  }
0xed: {  	_ =	swait.ge [sflag:s9], $0x200  }
0xee: {  	[sflag:s9] =	ssyncset.done $0x0  }
0xef: {  	[sflag:s9] =	ssyncadd.s32 $0xFFFFFE00  }
0xf0: {  	_ =	swait.ge [sflag:s9], $0x200  }
0xf1: {  	[sflag:s9] =	ssyncset.done $0x0  }
0xf2: {  	[sflag:s9] =	ssyncadd.s32 $0xFFFFFE00  }
0xf3: {  	_ =	swait.ge [sflag:s9], $0x200  }
0xf4: {  	[sflag:s9] =	ssyncset.done $0x0  }
0xf5: {  	[sflag:s9] =	ssyncadd.s32 $0xFFFFFE00  }
0xf6: {  	_ =	swait.ge [sflag:s9], $0x200  }
0xf7: {  	[sflag:s9] =	ssyncset.done $0x0  }
0xf8: {  	[sflag:s9] =	ssyncadd.s32 $0xFFFFFE00  }
0xf9: {  	_ =	swait.ge [sflag:s9], $0x200  }
0xfa: {  	[sflag:s9] =	ssyncset.done $0x0  }
0xfb: {  	[sflag:s9] =	ssyncadd.s32 $0xFFFFFE00  }
0xfc: {  	_ =	swait.ge [sflag:s9], $0x200  }
0xfd: {  	[sflag:s9] =	ssyncset.done $0x0  }
0xfe: {  	[sflag:s9] =	ssyncadd.s32 $0xFFFFFE00  }
0xff: {  	_ =	swait.ge [sflag:s9], $0x200  }
0x100: {  	[sflag:s9] =	ssyncset.done $0x0  }
0x101: {  	[sflag:s9] =	ssyncadd.s32 $0xFFFFFE00  }
0x102: {  	_ =	swait.ge [sflag:s9], $0x200  }
0x103: {  	[sflag:s9] =	ssyncset.done $0x0  }
0x104: {  	[sflag:s9] =	ssyncadd.s32 $0xFFFFFE00  }
0x105: {  	_ =	swait.ge [sflag:s9], $0x200  }
0x106: {  	[sflag:s9] =	ssyncset.done $0x0  }
0x107: {  	[sflag:s9] =	ssyncadd.s32 $0xFFFFFE00  }
0x108: {  	_ =	swait.ge [sflag:s9], $0x200  }
0x109: {  	[sflag:s9] =	ssyncset.done $0x0  }
0x10a: {  	[sflag:s9] =	ssyncadd.s32 $0xFFFFFE00  }
0x10b: {  	_ =	swait.ge [sflag:s9], $0x200  }
0x10c: {  	[sflag:s9] =	ssyncset.done $0x0  }
0x10d: {  	s13 =	simm.s32 $0x3400;
	[sflag:s9] =	ssyncadd.s32 $0xFFFFFE00  }
0x10e: {  	s3 =	simm.s32 $0x0;
	v0 =	vld [tilespmem:s13+$0x0]  }
0x10f: {  	s14 =	sand.u32 $0x1F0, s3  }
0x110: {  	v1 =	vld [tilespmem:s14+$0x3600];
	_ =	sdelay $0x1  }
0x111: {  	v2 =	vld [tilespmem:s14+$0x3800]  }
0x112: {  	v0 =	vadd.f32 $0.0e+00, v0  }
0x113: {  	v3 =	vld [tilespmem:s14+$0x3A00]  }
0x114: {  	v0 =	vadd.f32 v1, v0  }
0x115: {  	v1 =	vld [tilespmem:s14+$0x3C00]  }
0x116: {  	v0 =	vadd.f32 v2, v0  }
0x117: {  	v2 =	vld [tilespmem:s14+$0x3E00]  }
0x118: {  	v0 =	vadd.f32 v3, v0  }
0x119: {  	v3 =	vld [tilespmem:s14+$0x4000]  }
0x11a: {  	v0 =	vadd.f32 v1, v0  }
0x11b: {  	v1 =	vld [tilespmem:s14+$0x4200]  }
0x11c: {  	v0 =	vadd.f32 v2, v0  }
0x11d: {  	v2 =	vld [tilespmem:s14+$0x4400]  }
0x11e: {  	v0 =	vadd.f32 v3, v0  }
0x11f: {  	v3 =	vld [tilespmem:s14+$0x4600]  }
0x120: {  	v0 =	vadd.f32 v1, v0  }
0x121: {  	v1 =	vld [tilespmem:s14+$0x4800]  }
0x122: {  	v0 =	vadd.f32 v2, v0  }
0x123: {  	v2 =	vld [tilespmem:s14+$0x4A00]  }
0x124: {  	v0 =	vadd.f32 v3, v0  }
0x125: {  	v3 =	vld [tilespmem:s14+$0x4C00]  }
0x126: {  	v0 =	vadd.f32 v1, v0  }
0x127: {  	v1 =	vld [tilespmem:s14+$0x4E00]  }
0x128: {  	v0 =	vadd.f32 v2, v0  }
0x129: {  	v2 =	vld [tilespmem:s14+$0x5000]  }
0x12a: {  	v0 =	vadd.f32 v3, v0  }
0x12b: {  	v3 =	vld [tilespmem:s14+$0x5200]  }
0x12c: {  	v0 =	vadd.f32 v1, v0  }
0x12d: {  	v1 =	vld [tilespmem:s14+$0x5400]  }
0x12e: {  	v0 =	vadd.f32 v2, v0  }
0x12f: {  	v2 =	vld [tilespmem:s14+$0x5600]  }
0x130: {  	v0 =	vadd.f32 v3, v0  }
0x131: {  	v3 =	vld [tilespmem:s14+$0x5800]  }
0x132: {  	v0 =	vadd.f32 v1, v0  }
0x133: {  	v1 =	vld [tilespmem:s14+$0x5A00]  }
0x134: {  	v0 =	vadd.f32 v2, v0  }
0x135: {  	v2 =	vld [tilespmem:s14+$0x5C00]  }
0x136: {  	v0 =	vadd.f32 v3, v0  }
0x137: {  	v3 =	vld [tilespmem:s14+$0x5E00]  }
0x138: {  	v0 =	vadd.f32 v1, v0  }
0x139: {  	v1 =	vld [tilespmem:s14+$0x6000]  }
0x13a: {  	v0 =	vadd.f32 v2, v0  }
0x13b: {  	v2 =	vld [tilespmem:s14+$0x6200]  }
0x13c: {  	v0 =	vadd.f32 v3, v0  }
0x13d: {  	v3 =	vld [tilespmem:s14+$0x6400]  }
0x13e: {  	v0 =	vadd.f32 v1, v0  }
0x13f: {  	v1 =	vld [tilespmem:s14+$0x6600]  }
0x140: {  	v0 =	vadd.f32 v2, v0;
	_ =	sdelay $0x1  }
0x141: {  	v0 =	vadd.f32 v3, v0;
	_ =	sdelay $0x1  }
0x142: {  	v0 =	vadd.f32 v1, v0;
	_ =	sdelay $0x1  }
0x143: {  	v0 =	vmul.f32 $-3.846153990e-02, v0;
	_ =	sdelay $0x1  }
0x144: {  	v0 =	vadd.f32 $0.0e+00, v0;
	_ =	sdelay $0x1  }
0x145: {  	v0 =	vmul.f32 $1.442695020e+00, v0;
	_ =	sdelay $0x1  }
0x146: {  	(erf) = vpow2.f32 v0;
	_ =	sdelay $0x8  }
0x147: {  	v0 =	vpop (erf)  }
0x148: {  	v0 =	vadd.f32 $1.000000000e+00, v0;
	_ =	sdelay $0x1  }
0x149: {  	(erf) = vrcp.f32 v0;
	_ =	sdelay $0x8  }
0x14a: {  	s4 =	simm.s32 $0x6800;
	v0 =	vpop (erf)  }
0x14b: {  	s0 =	simm.s32 $0x3410;
	[tilespmem:s4+$0x0] =	vst v0  }
0x14c: {  	s11 =	simm.s32 $0x6800;
	s12 =	simm.s32 $0x10;
	s13 =	simm.s32 $0x20;
	v0 =	vld [tilespmem:s0+$0x0]  }
.LBB2_2:
0x14d: {  	p0 =	sne.s32 s13, $0x1F0;
	s14 =	sand.u32 $0x1F0, s12;
	s12 =	smov.u32 s13  }
0x14e: {  	v1 =	vld [tilespmem:s14+$0x3600];
	_ =	sdelay $0x1  }
0x14f: {  	v2 =	vld [tilespmem:s14+$0x3800]  }
0x150: {  	v0 =	vadd.f32 $0.0e+00, v0  }
0x151: {  	v3 =	vld [tilespmem:s14+$0x3A00]  }
0x152: {  	v0 =	vadd.f32 v1, v0  }
0x153: {  	v1 =	vld [tilespmem:s14+$0x3C00]  }
0x154: {  	v0 =	vadd.f32 v2, v0  }
0x155: {  	v2 =	vld [tilespmem:s14+$0x3E00]  }
0x156: {  	v0 =	vadd.f32 v3, v0  }
0x157: {  	v3 =	vld [tilespmem:s14+$0x4000]  }
0x158: {  	v0 =	vadd.f32 v1, v0  }
0x159: {  	v1 =	vld [tilespmem:s14+$0x4200]  }
0x15a: {  	v0 =	vadd.f32 v2, v0  }
0x15b: {  	v2 =	vld [tilespmem:s14+$0x4400]  }
0x15c: {  	v0 =	vadd.f32 v3, v0  }
0x15d: {  	v3 =	vld [tilespmem:s14+$0x4600]  }
0x15e: {  	v0 =	vadd.f32 v1, v0  }
0x15f: {  	v1 =	vld [tilespmem:s14+$0x4800]  }
0x160: {  	v0 =	vadd.f32 v2, v0  }
0x161: {  	v2 =	vld [tilespmem:s14+$0x4A00]  }
0x162: {  	v0 =	vadd.f32 v3, v0  }
0x163: {  	v3 =	vld [tilespmem:s14+$0x4C00]  }
0x164: {  	v0 =	vadd.f32 v1, v0  }
0x165: {  	v1 =	vld [tilespmem:s14+$0x4E00]  }
0x166: {  	v0 =	vadd.f32 v2, v0  }
0x167: {  	v2 =	vld [tilespmem:s14+$0x5000]  }
0x168: {  	v0 =	vadd.f32 v3, v0  }
0x169: {  	v3 =	vld [tilespmem:s14+$0x5200]  }
0x16a: {  	v0 =	vadd.f32 v1, v0  }
0x16b: {  	v1 =	vld [tilespmem:s14+$0x5400]  }
0x16c: {  	v0 =	vadd.f32 v2, v0  }
0x16d: {  	v2 =	vld [tilespmem:s14+$0x5600]  }
0x16e: {  	v0 =	vadd.f32 v3, v0  }
0x16f: {  	v3 =	vld [tilespmem:s14+$0x5800]  }
0x170: {  	v0 =	vadd.f32 v1, v0  }
0x171: {  	v1 =	vld [tilespmem:s14+$0x5A00]  }
0x172: {  	v0 =	vadd.f32 v2, v0  }
0x173: {  	v2 =	vld [tilespmem:s14+$0x5C00]  }
0x174: {  	v0 =	vadd.f32 v3, v0  }
0x175: {  	v3 =	vld [tilespmem:s14+$0x5E00]  }
0x176: {  	v0 =	vadd.f32 v1, v0  }
0x177: {  	v1 =	vld [tilespmem:s14+$0x6000]  }
0x178: {  	v0 =	vadd.f32 v2, v0  }
0x179: {  	v2 =	vld [tilespmem:s14+$0x6200]  }
0x17a: {  	v0 =	vadd.f32 v3, v0  }
0x17b: {  	v3 =	vld [tilespmem:s14+$0x6400]  }
0x17c: {  	v0 =	vadd.f32 v1, v0  }
0x17d: {  	v1 =	vld [tilespmem:s14+$0x6600]  }
0x17e: {  	v0 =	vadd.f32 v2, v0;
	_ =	sdelay $0x1  }
0x17f: {  	v0 =	vadd.f32 v3, v0;
	_ =	sdelay $0x1  }
0x180: {  	v0 =	vadd.f32 v1, v0;
	_ =	sdelay $0x1  }
0x181: {  	v0 =	vmul.f32 $-3.846153990e-02, v0;
	_ =	sdelay $0x1  }
0x182: {  	v0 =	vadd.f32 $0.0e+00, v0;
	_ =	sdelay $0x1  }
0x183: {  	v0 =	vmul.f32 $1.442695020e+00, v0;
	_ =	sdelay $0x1  }
0x184: {  	(erf) = vpow2.f32 v0;
	_ =	sdelay $0x8  }
0x185: {  	v0 =	vpop (erf)  }
0x186: {  	v0 =	vadd.f32 $1.000000000e+00, v0;
	_ =	sdelay $0x1  }
0x187: {  	(erf) = vrcp.f32 v0;
	_ =	sdelay $0x6  }
.Ltmp0:
0x188: {  	(pc) =	sbr.rel @p0 .LBB2_2-.Ltmp0, $4  }
0x189: {  	_ = 	snop  }
0x18a: {  	s11 =	sadd.s32 $0x10, s11;
	v0 =	vpop (erf)  }
0x18b: {  	s0 =	sadd.s32 $0x10, s0;
	[tilespmem:s11+$0x0] =	vst v0  }
0x18c: {  	s13 =	sadd.s32 $0x10, s13;
	v0 =	vld [tilespmem:s0+$0x0]  }
0x18d: {  	s0 =	sand.u32 $0x1F0, s12  }
0x18e: {  	v1 =	vld [tilespmem:s0+$0x3600];
	_ =	sdelay $0x1  }
0x18f: {  	v2 =	vld [tilespmem:s0+$0x3800]  }
0x190: {  	v0 =	vadd.f32 $0.0e+00, v0  }
0x191: {  	v3 =	vld [tilespmem:s0+$0x3A00]  }
0x192: {  	v0 =	vadd.f32 v1, v0  }
0x193: {  	v42 =	vld [tilespmem:s0+$0x3C00]  }
0x194: {  	v0 =	vadd.f32 v2, v0  }
0x195: {  	v43 =	vld [tilespmem:s0+$0x3E00]  }
0x196: {  	v0 =	vadd.f32 v3, v0  }
0x197: {  	v44 =	vld [tilespmem:s0+$0x4000]  }
0x198: {  	v0 =	vadd.f32 v42, v0  }
0x199: {  	v45 =	vld [tilespmem:s0+$0x4200]  }
0x19a: {  	v0 =	vadd.f32 v43, v0  }
0x19b: {  	v46 =	vld [tilespmem:s0+$0x4400]  }
0x19c: {  	v0 =	vadd.f32 v44, v0  }
0x19d: {  	v47 =	vld [tilespmem:s0+$0x4600]  }
0x19e: {  	v0 =	vadd.f32 v45, v0  }
0x19f: {  	v48 =	vld [tilespmem:s0+$0x4800]  }
0x1a0: {  	v0 =	vadd.f32 v46, v0  }
0x1a1: {  	v49 =	vld [tilespmem:s0+$0x4A00]  }
0x1a2: {  	v0 =	vadd.f32 v47, v0  }
0x1a3: {  	v50 =	vld [tilespmem:s0+$0x4C00]  }
0x1a4: {  	v0 =	vadd.f32 v48, v0  }
0x1a5: {  	v51 =	vld [tilespmem:s0+$0x4E00]  }
0x1a6: {  	v0 =	vadd.f32 v49, v0  }
0x1a7: {  	v52 =	vld [tilespmem:s0+$0x5000]  }
0x1a8: {  	v0 =	vadd.f32 v50, v0  }
0x1a9: {  	v53 =	vld [tilespmem:s0+$0x5200]  }
0x1aa: {  	v0 =	vadd.f32 v51, v0  }
0x1ab: {  	v54 =	vld [tilespmem:s0+$0x5400]  }
0x1ac: {  	v0 =	vadd.f32 v52, v0  }
0x1ad: {  	v55 =	vld [tilespmem:s0+$0x5600]  }
0x1ae: {  	v0 =	vadd.f32 v53, v0  }
0x1af: {  	v56 =	vld [tilespmem:s0+$0x5800]  }
0x1b0: {  	v0 =	vadd.f32 v54, v0  }
0x1b1: {  	v57 =	vld [tilespmem:s0+$0x5A00]  }
0x1b2: {  	v0 =	vadd.f32 v55, v0  }
0x1b3: {  	v58 =	vld [tilespmem:s0+$0x5C00]  }
0x1b4: {  	v0 =	vadd.f32 v56, v0  }
0x1b5: {  	v59 =	vld [tilespmem:s0+$0x5E00]  }
0x1b6: {  	v0 =	vadd.f32 v57, v0  }
0x1b7: {  	v60 =	vld [tilespmem:s0+$0x6000]  }
0x1b8: {  	v0 =	vadd.f32 v58, v0  }
0x1b9: {  	v61 =	vld [tilespmem:s0+$0x6200]  }
0x1ba: {  	v0 =	vadd.f32 v59, v0  }
0x1bb: {  	v62 =	vld [tilespmem:s0+$0x6400]  }
0x1bc: {  	v0 =	vadd.f32 v60, v0  }
0x1bd: {  	v63 =	vld [tilespmem:s0+$0x6600]  }
0x1be: {  	v0 =	vadd.f32 v61, v0;
	_ =	sdelay $0x1  }
0x1bf: {  	v0 =	vadd.f32 v62, v0;
	_ =	sdelay $0x1  }
0x1c0: {  	v0 =	vadd.f32 v63, v0;
	_ =	sdelay $0x1  }
0x1c1: {  	v0 =	vmul.f32 $-3.846153990e-02, v0;
	_ =	sdelay $0x1  }
0x1c2: {  	v0 =	vadd.f32 $0.0e+00, v0;
	_ =	sdelay $0x1  }
0x1c3: {  	v0 =	vmul.f32 $1.442695020e+00, v0;
	_ =	sdelay $0x1  }
0x1c4: {  	(erf) = vpow2.f32 v0;
	_ =	sdelay $0x8  }
0x1c5: {  	v0 =	vpop (erf)  }
0x1c6: {  	v0 =	vadd.f32 $1.000000000e+00, v0;
	_ =	sdelay $0x1  }
0x1c7: {  	(erf) = vrcp.f32 v0;
	_ =	sdelay $0x8  }
0x1c8: {  	s11 =	sadd.s32 $0x10, s11;
	v0 =	vpop (erf)  }
0x1c9: {  	s12 =	rddreg [dreg:$0x16];
	s13 =	simm.s32 $0x3;
	[tilespmem:s11+$0x0] =	vst v0  }
0x1ca: {  	[hbm4b:s12+s3] =	stream.linear.scatter [tilespmem:s4], [sflag:$0x3], $0x200, $0x38;
	[tilespmem:$0x6A00] =	vst v63  }
0x1cb: {  	_ =	swait.ge [sflag:s13], $0x200  }
0x1cc: {  	s31 =	sadd.s32 $0x1, s31;
	s14 =	rddreg [dreg:$0x18]  }
0x1cd: {  	p0 =	sne.s32 s31, s14  }
.Ltmp1:
0x1ce: {  	_ = 	snop;
	(pc) =	sbr.rel @p0 .LBB2_1-.Ltmp1, $3  }
0x1cf: {  	_ =	sdelay $0x1  }
0x1d0: {  	[sflag:s13] =	ssyncset.done $0x0  }
0x1d1: {  	[sflag:s13] =	ssyncadd.s32 $0xFFFFFE00  }
0x1d2: {  	_ =	sfence.sel $0x180000  }
0x1d3: {  	[bflag:$0x0] =	sbarrier.arrive $0xFFFF  }
0x1d4: {  	_ =	strace $0x90000047  }
0x1d5: {  	s0 =	stileid.u32;
	[bflag:$0x2] =	sbarrier.arrive $0xFFFF  }
0x1d6: {  	p0 =	sne.s32 s0, $0x0;
	s0 =	rddreg [dreg:$0x3]  }
0x1d7: {  	s0 =	sadd.s32 @!p0 $0x100000, s0  }
0x1d8: {  	[sflag:s0] =	ssyncadd.tile.s32 @!p0 $0x1;
	_ =	shalt  }
.Lfunc_end2:
_tile_overlayer_lowered:
.L_overlay_start_2:
0x1d9: {  	(tag) =	ssettag $0x2  }
0x1da: {  	s0 =	rddreg [dreg:$0x0];
	s2 =	stileid.u32  }
0x1db: {  	s1 =	rddreg [dreg:$0x1];
	p0 =	sne.s32 s2, $0x0  }
0x1dc: {  	s3 =	rddreg [dreg:$0x2];
	[bflag:$0x3] =	sbarrier.arrive $0xFFFF;
	s2 =	simm.s32 @!p0 $0x1C03  }
0x1dd: {  	[timem:s3], [sflag:s2] =	dma.local @!p0 [hbm:s0], s1  }
0x1de: {  	s0 =	simm.s32 @!p0 $0x3  }
0x1df: {  	_ =	swait.ge @!p0 [sflag:s0], s1  }
0x1e0: {  	s1 =	ssub.s32 @!p0 $0x0, s1;
	[sflag:s0] =	ssyncset.done @!p0 $0x0  }
0x1e1: {  	[sflag:s0] =	ssyncadd.s32 @!p0 s1  }
0x1e2: {  	[bflag:$0x3] =	sbarrier.arrive $0xFFFF  }
0x1e3: {  	_ =	shalt  }

</sc_bundles>
